<compile_context>
chip_gen: v7x
topology: tpu7x:2x2x1
jax: 0.10.2.dev20260603
libtpu: 0.0.44.dev20260713+nightly
codegen_flags: <defaults>
</compile_context>

<pallas_src>
import functools

import jax
import jax.numpy as jnp
from jax import lax
from jax.experimental import pallas as pl
from jax.experimental.pallas import tpu as pltpu
from jax.experimental.pallas import tpu_sc as plsc

N_B2 = 10000
N_B1 = 10000
E = 320000
D = 128
H = 128

NC = 2
NS = 16
LANES = 16
NW = NC * NS
CHUNK = 64
NBUF = 4
E_PER_W = 10240
E_LAST = E - (NW - 1) * E_PER_W
IBLK = 8
NBLK = E_PER_W // (IBLK * CHUNK)
NBLK_LAST = E_LAST // (IBLK * CHUNK)
N_ACC = 10240
ROWS_PER_TILE = N_ACC // NS
ZCOPY = 80
ROW_BLK = 2048
N_BLOCKS = -(-N_B1 // ROW_BLK)


def _sc_segment_sum(x_b2, ei):
  mesh = plsc.VectorSubcoreMesh(core_axis_name="c", subcore_axis_name="s")

  @functools.partial(
      pl.kernel,
      out_type=(
          jax.ShapeDtypeStruct((NC, N_ACC, D), jnp.float32),
          jax.ShapeDtypeStruct((NW, N_ACC), jnp.float32),
      ),
      mesh=mesh,
      compiler_params=pltpu.CompilerParams(needs_layout_passes=False,
                                           use_tc_tiling_on_sc=True),
      scratch_types=[
          pltpu.VMEM((2, 2, IBLK * CHUNK), jnp.int32),
          pltpu.VMEM((CHUNK, D), jnp.float32),
          pltpu.VMEM((CHUNK, D), jnp.float32),
          pltpu.VMEM((CHUNK, D), jnp.float32),
          pltpu.VMEM((CHUNK, D), jnp.float32),
          pltpu.VMEM((N_ACC,), jnp.float32),
          pltpu.VMEM_SHARED((N_ACC, D), jnp.float32),
          pltpu.SemaphoreType.DMA,
          pltpu.SemaphoreType.DMA,
          pltpu.SemaphoreType.DMA,
          pltpu.SemaphoreType.DMA,
          pltpu.SemaphoreType.DMA,
          pltpu.SemaphoreType.DMA,
          pltpu.SemaphoreType.DMA,
          pltpu.SemaphoreType.DMA,
          pltpu.SemaphoreType.DMA,
          pltpu.SemaphoreType.DMA,
      ],
  )
  def k(x_hbm, ei_hbm, psum_hbm, pcnt_hbm,
        eib, rows0_v, rows1_v, rows2_v, rows3_v, cnt_v, acc_sh,
        gsem0, gsem1, gsem2, gsem3, isem0, isem1,
        ksem0, ksem1, ksem2, ksem3):
    rows = (rows0_v, rows1_v, rows2_v, rows3_v)
    gsems = (gsem0, gsem1, gsem2, gsem3)
    isems = (isem0, isem1)
    ksems = (ksem0, ksem1, ksem2, ksem3)
    c = lax.axis_index("c")
    s = lax.axis_index("s")
    wid = s * NC + c
    base = wid * E_PER_W
    my_nblk = jnp.where(wid == NW - 1, NBLK_LAST, NBLK)

    def start_iblk(bb, pb):
      pltpu.async_copy(
          ei_hbm.at[:, pl.ds(base + bb * IBLK * CHUNK, IBLK * CHUNK)],
          eib.at[pb], isems[pb])

    def wait_iblk(pb):
      pltpu.make_async_copy(ei_hbm.at[:, pl.ds(0, IBLK * CHUNK)],
                            eib.at[pb], isems[pb]).wait()

    start_iblk(0, 0)

    zero16 = jnp.zeros((LANES,), jnp.float32)
    one16 = jnp.ones((LANES,), jnp.float32)

    def zb(t, _):
      for i in range(8):
        rows0_v[t, pl.ds(i * LANES, LANES)] = zero16
      return 0
    lax.fori_loop(0, ZCOPY, zb, 0)

    def zc(t, _):
      for i in range(16):
        cnt_v[pl.ds((t * 16 + i) * LANES, LANES)] = zero16
      return 0
    lax.fori_loop(0, N_ACC // LANES // 16, zc, 0)

    for kk in range(ROWS_PER_TILE // ZCOPY):
      pltpu.async_copy(rows0_v.at[pl.ds(0, ZCOPY)],
                       acc_sh.at[pl.ds(s * ROWS_PER_TILE + kk * ZCOPY, ZCOPY)],
                       gsem0)
    for kk in range(ROWS_PER_TILE // ZCOPY):
      pltpu.make_async_copy(
          rows0_v.at[pl.ds(0, ZCOPY)],
          acc_sh.at[pl.ds(s * ROWS_PER_TILE + kk * ZCOPY, ZCOPY)],
          gsem0).wait()
    plsc.subcore_barrier()

    wait_iblk(0)
    for pj in range(3):
      pltpu.async_copy(x_hbm.at[eib.at[0, 0, pl.ds(pj * CHUNK, CHUNK)]],
                       rows[pj], gsems[pj])

    def outer(bb2, _):
      for pb in range(2):
        bb = 2 * bb2 + pb
        np_ = 1 - pb

        @pl.when(bb + 1 < my_nblk)
        def _():
          start_iblk(bb + 1, np_)

        for jj in range(IBLK):
          j = bb * IBLK + jj

          @pl.when(bb < my_nblk)
          def _():
            b = jj % NBUF
            nb = (jj + 3) % NBUF
            @pl.when(j >= 1)
            def _():
              pltpu.make_async_copy(
                  rows[nb], acc_sh.at[eib.at[pb, 1, pl.ds(0, CHUNK)]],
                  ksems[nb]).wait()
            if jj == IBLK - 3:
              @pl.when(bb + 1 < my_nblk)
              def _():
                wait_iblk(np_)
            if jj < IBLK - 3:
              @pl.when(j + 3 < my_nblk * IBLK)
              def _():
                pltpu.async_copy(
                    x_hbm.at[eib.at[pb, 0, pl.ds((jj + 3) * CHUNK, CHUNK)]],
                    rows[nb], gsems[nb])
            else:
              @pl.when(bb + 1 < my_nblk)
              def _():
                pltpu.async_copy(
                    x_hbm.at[eib.at[np_, 0,
                                    pl.ds(((jj + 3) % IBLK) * CHUNK, CHUNK)]],
                    rows[nb], gsems[nb])
            for i in range(CHUNK // LANES):
              idx = eib[pb, 1, pl.ds(jj * CHUNK + i * LANES, LANES)]
              plsc.addupdate_scatter(cnt_v, [idx], one16)

            pltpu.make_async_copy(
                x_hbm.at[eib.at[pb, 0, pl.ds(jj * CHUNK, CHUNK)]],
                rows[b], gsems[b]).wait()
            pltpu.async_copy(rows[b],
                             acc_sh.at[eib.at[pb, 1,
                                              pl.ds(jj * CHUNK, CHUNK)]],
                             ksems[b], add=True)
      return 0
    lax.fori_loop(0, NBLK // 2, outer, 0)

    pltpu.make_async_copy(rows[3], acc_sh.at[eib.at[0, 1, pl.ds(0, CHUNK)]],
                          ksems[3]).wait()
    plsc.subcore_barrier()

    pltpu.async_copy(acc_sh.at[pl.ds(s * ROWS_PER_TILE, ROWS_PER_TILE)],
                     psum_hbm.at[c, pl.ds(s * ROWS_PER_TILE, ROWS_PER_TILE)],
                     gsem0)
    pltpu.async_copy(cnt_v, pcnt_hbm.at[wid], gsem1)
    pltpu.make_async_copy(acc_sh.at[pl.ds(s * ROWS_PER_TILE, ROWS_PER_TILE)],
                          psum_hbm.at[c, pl.ds(s * ROWS_PER_TILE,
                                               ROWS_PER_TILE)], gsem0).wait()
    pltpu.make_async_copy(cnt_v, pcnt_hbm.at[wid], gsem1).wait()

  return k(x_b2, ei)


def _tc_body(psum_ref, pcnt_ref, x_ref, wl_ref, wr_ref, bl_ref,
             w1_ref, b1_ref, w2_ref, b2_ref, w3_ref, b3_ref, out_ref):
  summed = psum_ref[0] + psum_ref[1]
  cnt = jnp.sum(pcnt_ref[...], axis=0)
  mean = summed / jnp.maximum(cnt, 1.0)[:, None]
  h = (jnp.dot(mean, wl_ref[...], preferred_element_type=jnp.float32)
       + jnp.dot(x_ref[...], wr_ref[...], preferred_element_type=jnp.float32)
       + bl_ref[...])
  h = jnp.dot(h, w1_ref[...], preferred_element_type=jnp.float32) + b1_ref[...]
  h = jnp.where(h > 0, h, 0.01 * h)
  h = jnp.dot(h, w2_ref[...], preferred_element_type=jnp.float32) + b2_ref[...]
  h = jnp.where(h > 0, h, 0.01 * h)
  r = jnp.dot(h, w3_ref[...], preferred_element_type=jnp.float32)
  out_ref[...] = r[:, 0] + b3_ref[...]


def kernel(x_B2, x_B1, edge_index, W_l, b_l, W_r, W1, b1, g1, be1, W2, b2, g2, be2, W3, b3):
  ei = edge_index.astype(jnp.int32)

  psum, pcnt = _sc_segment_sum(x_B2, ei)

  eps = 1e-5
  s1 = g1 / jnp.sqrt(1.0 + eps)
  s2 = g2 / jnp.sqrt(1.0 + eps)
  w1f = (W1 * s1[:, None]).T
  b1f = b1 * s1 + be1
  w2f = (W2 * s2[:, None]).T
  b2f = b2 * s2 + be2
  w3t = W3.T
  wlt = W_l.T
  wrt = W_r.T

  out = pl.pallas_call(
      _tc_body,
      grid=(N_BLOCKS,),
      in_specs=[
          pl.BlockSpec((NC, ROW_BLK, D), lambda i: (0, i, 0)),
          pl.BlockSpec((NW, ROW_BLK), lambda i: (0, i)),
          pl.BlockSpec((ROW_BLK, D), lambda i: (i, 0)),
          pl.BlockSpec((D, H), lambda i: (0, 0)),
          pl.BlockSpec((D, H), lambda i: (0, 0)),
          pl.BlockSpec((H,), lambda i: (0,)),
          pl.BlockSpec((H, 1280), lambda i: (0, 0)),
          pl.BlockSpec((1280,), lambda i: (0,)),
          pl.BlockSpec((1280, 480), lambda i: (0, 0)),
          pl.BlockSpec((480,), lambda i: (0,)),
          pl.BlockSpec((480, 1), lambda i: (0, 0)),
          pl.BlockSpec((1,), lambda i: (0,)),
      ],
      out_specs=pl.BlockSpec((ROW_BLK,), lambda i: (i,)),
      out_shape=jax.ShapeDtypeStruct((N_B1,), jnp.float32),
  )(psum, pcnt, x_B1, wlt, wrt, b_l, w1f, b1f, w2f, b2f, w3t, b3)

  return out

# --- scband reference (transcript-rebuilt; emitter-appended) ---
"""Pipeline reference for scband-tropi-gat-small-sage-module-22351009808617 (READ-ONLY COPY).

The authoritative reference and input builder live on the scoring server;
editing this copy changes nothing except your own understanding.
"""

import jax, jax.numpy as jnp
import numpy as np

N_B2 = 10000
N_B1 = 10000
E = 320000
D = 128
H = 128


def setup_inputs(seed: int = 0) -> dict:
    key = jax.random.key(seed)
    ks = jax.random.split(key, 16)
    x_B2 = jax.random.normal(ks[0], (N_B2, D), dtype=jnp.float32)
    x_B1 = jax.random.normal(ks[1], (N_B1, D), dtype=jnp.float32)
    edge_index = jax.random.randint(ks[2], (2, E), 0, N_B1)
    # SAGEConv params: lin_l (on aggregated neighbors, with bias), lin_r (root, no bias)
    W_l = jax.random.normal(ks[3], (H, D), dtype=jnp.float32) * (1.0 / np.sqrt(D))
    b_l = jnp.zeros((H,), dtype=jnp.float32)
    W_r = jax.random.normal(ks[4], (H, D), dtype=jnp.float32) * (1.0 / np.sqrt(D))
    # MLP: Linear(H,1280) BN LeakyReLU Drop Linear(1280,480) BN LeakyReLU Drop Linear(480,1)
    W1 = jax.random.normal(ks[5], (1280, H), dtype=jnp.float32) * (1.0 / np.sqrt(H))
    b1 = jnp.zeros((1280,), dtype=jnp.float32)
    g1 = jnp.ones((1280,), dtype=jnp.float32)
    be1 = jnp.zeros((1280,), dtype=jnp.float32)
    W2 = jax.random.normal(ks[6], (480, 1280), dtype=jnp.float32) * (1.0 / np.sqrt(1280))
    b2 = jnp.zeros((480,), dtype=jnp.float32)
    g2 = jnp.ones((480,), dtype=jnp.float32)
    be2 = jnp.zeros((480,), dtype=jnp.float32)
    W3 = jax.random.normal(ks[7], (1, 480), dtype=jnp.float32) * (1.0 / np.sqrt(480))
    b3 = jnp.zeros((1,), dtype=jnp.float32)
    return {"x_B2": x_B2, "x_B1": x_B1, "edge_index": edge_index,
            "W_l": W_l, "b_l": b_l, "W_r": W_r,
            "W1": W1, "b1": b1, "g1": g1, "be1": be1,
            "W2": W2, "b2": b2, "g2": g2, "be2": be2,
            "W3": W3, "b3": b3}


def _bn_eval(x, gamma, beta, eps=1e-5):
    # BatchNorm1d in eval mode with running_mean=0, running_var=1
    return gamma * (x / jnp.sqrt(1.0 + eps)) + beta


def reference(x_B2, x_B1, edge_index, W_l, b_l, W_r, W1, b1, g1, be1, W2, b2, g2, be2, W3, b3):
    src = edge_index[0]
    dst = edge_index[1]
    # SAGEConv mean aggregation over bipartite edges (B2 -> B1)
    msg = jnp.take(x_B2, src, axis=0)
    summed = jax.ops.segment_sum(msg, dst, num_segments=N_B1)
    cnt = jax.ops.segment_sum(jnp.ones((E,), dtype=x_B2.dtype), dst, num_segments=N_B1)
    mean = summed / jnp.clip(cnt, 1.0, None)[:, None]
    h = mean @ W_l.T + b_l + x_B1 @ W_r.T
    # MLP head (eval mode: dropout = identity)
    h = h @ W1.T + b1
    h = _bn_eval(h, g1, be1)
    h = jax.nn.leaky_relu(h, negative_slope=0.01)
    h = h @ W2.T + b2
    h = _bn_eval(h, g2, be2)
    h = jax.nn.leaky_relu(h, negative_slope=0.01)
    out = h @ W3.T + b3
    return out.reshape(-1)

if __name__ == "__main__":
    import jax
    _d = setup_inputs()
    print(jax.jit(kernel)(*tuple(_d.values())))

</pallas_src>

<mosaic_0001>
#map = affine_map<(d0, d1) -> (0, 0)>
#map1 = affine_map<(d0, d1) -> (0, 0, 0)>
module attributes {stable_mosaic.version = 14 : i64} {
  func.func @k(%arg0: i32, %arg1: i32, %arg2: memref<10000x128xf32, #tpu.memory_space<hbm>>, %arg3: memref<2x320000xi32, #tpu.memory_space<hbm>>, %arg4: memref<2x10240x128xf32, #tpu.memory_space<hbm>>, %arg5: memref<32x10240xf32, #tpu.memory_space<hbm>>, %arg6: memref<2x2x512xi32, #tpu.memory_space<vmem>>, %arg7: memref<64x128xf32, #tpu.memory_space<vmem>>, %arg8: memref<64x128xf32, #tpu.memory_space<vmem>>, %arg9: memref<64x128xf32, #tpu.memory_space<vmem>>, %arg10: memref<64x128xf32, #tpu.memory_space<vmem>>, %arg11: memref<10240xf32, #tpu.memory_space<vmem>>, %arg12: memref<10240x128xf32, #tpu.memory_space<vmem_shared>>, %arg13: memref<!tpu.dma_semaphore, #tpu.memory_space<semaphore_mem>>, %arg14: memref<!tpu.dma_semaphore, #tpu.memory_space<semaphore_mem>>, %arg15: memref<!tpu.dma_semaphore, #tpu.memory_space<semaphore_mem>>, %arg16: memref<!tpu.dma_semaphore, #tpu.memory_space<semaphore_mem>>, %arg17: memref<!tpu.dma_semaphore, #tpu.memory_space<semaphore_mem>>, %arg18: memref<!tpu.dma_semaphore, #tpu.memory_space<semaphore_mem>>, %arg19: memref<!tpu.dma_semaphore, #tpu.memory_space<semaphore_mem>>, %arg20: memref<!tpu.dma_semaphore, #tpu.memory_space<semaphore_mem>>, %arg21: memref<!tpu.dma_semaphore, #tpu.memory_space<semaphore_mem>>, %arg22: memref<!tpu.dma_semaphore, #tpu.memory_space<semaphore_mem>>) attributes {dimension_semantics = [#tpu.dimension_semantics<core_parallel>, #tpu.dimension_semantics<subcore_parallel>], iteration_bounds = array<i64: 2, 16>, scalar_prefetch = 0 : i64, scratch_operands = 17 : i64, tpu.core_type = #tpu.core_type<sc_vector_subcore>, window_params = [{transform_indices = #map}, {transform_indices = #map}, {transform_indices = #map1}, {transform_indices = #map}]} {
    %mul3A = arith.constant 2 : i32
    %mul3A_0 = arith.muli %arg1, %mul3A : i32
    %add3A = arith.addi %mul3A_0, %arg0 : i32
    %mul3A_1 = arith.constant 10240 : i32
    %mul3A_2 = arith.muli %add3A, %mul3A_1 : i32
    %eq3A = arith.constant 31 : i32
    %eq3A_3 = arith.cmpi eq, %add3A, %eq3A : i32
    %jit3A = arith.constant 5 : i32
    %jit3A_4 = arith.constant 20 : i32
    %select_n3A = arith.select %eq3A_3, %jit3A, %jit3A_4 : i32
    %add3A_5 = arith.constant 0 : i32
    %add3A_6 = arith.addi %mul3A_2, %add3A_5 : i32
    %dma_start3A = arith.constant 0 : i32
    %dma_start3A_7 = arith.constant 0 : i32
    %dma_start3A_8 = arith.constant 0 : i32
    %dma_start3A_9 = tpu.memref_slice %arg6[%dma_start3A, %dma_start3A_7, %dma_start3A_8] : memref<2x2x512xi32, #tpu.memory_space<vmem>> -> memref<1x2x512xi32, #tpu.memory_space<vmem>>
    %dma_start3A_10 = tpu.memref_squeeze %dma_start3A_9 : memref<1x2x512xi32, #tpu.memory_space<vmem>> -> memref<2x512xi32, #tpu.memory_space<vmem>>
    %dma_start3A_11 = arith.constant 0 : i32
    %dma_start3A_12 = tpu.memref_slice %arg3[%dma_start3A_11, %add3A_6] : memref<2x320000xi32, #tpu.memory_space<hbm>> -> memref<2x512xi32, #tpu.memory_space<hbm>>
    %dma_start3A_13 = arith.constant 0 : i32
    %dma_start3A_14 = arith.constant 0 : i32
    %dma_start3A_15 = tpu.memref_slice %arg6[%dma_start3A, %dma_start3A_13, %dma_start3A_14] : memref<2x2x512xi32, #tpu.memory_space<vmem>> -> memref<1x2x512xi32, #tpu.memory_space<vmem>>
    %dma_start3A_16 = tpu.memref_squeeze %dma_start3A_15 : memref<1x2x512xi32, #tpu.memory_space<vmem>> -> memref<2x512xi32, #tpu.memory_space<vmem>>
    %dma_start3A_17 = arith.constant 0 : i32
    %dma_start3A_18 = tpu.memref_slice %arg3[%dma_start3A_17, %add3A_6] : memref<2x320000xi32, #tpu.memory_space<hbm>> -> memref<2x512xi32, #tpu.memory_space<hbm>>
    tpu.enqueue_dma source(%dma_start3A_18 : memref<2x512xi32, #tpu.memory_space<hbm>>) target(%dma_start3A_16 : memref<2x512xi32, #tpu.memory_space<vmem>>) target_semaphore(%arg17 : memref<!tpu.dma_semaphore, #tpu.memory_space<semaphore_mem>>)
    %broadcast_in_dim3A = arith.constant 0.000000e+00 : f32
    %broadcast_in_dim3A_19 = vector.broadcast %broadcast_in_dim3A : f32 to vector<16xf32>
    %broadcast_in_dim3A_20 = arith.constant 1.000000e+00 : f32
    %broadcast_in_dim3A_21 = vector.broadcast %broadcast_in_dim3A_20 : f32 to vector<16xf32>
    %scan3A = arith.constant 0 : i32
    %scan3A_22 = arith.constant 0 : i32
    %scan3A_23 = arith.constant 80 : i32
    %scan3A_24 = arith.addi %scan3A_22, %scan3A_23 : i32
    %scan3A_25 = arith.constant 1 : i32
    %scan3A_26 = scf.for %scan3A_343 = %scan3A_22 to %scan3A_24 step %scan3A_25 iter_args(%scan3A_344 = %scan3A) -> (i32)  : i32 {
      %swap3A = arith.index_cast %scan3A_343 : i32 to index
      %swap3A_345 = arith.constant 0 : index
      %swap3A_346 = tpu.vector_load %arg7[%swap3A, %swap3A_345] {strides = array<i32>} : memref<64x128xf32, #tpu.memory_space<vmem>>, vector<16xf32>,
      tpu.vector_store %arg7[%swap3A, %swap3A_345], %broadcast_in_dim3A_19 {strides = array<i32>} : memref<64x128xf32, #tpu.memory_space<vmem>>, vector<16xf32>,
      %swap3A_347 = arith.index_cast %scan3A_343 : i32 to index
      %swap3A_348 = arith.constant 16 : index
      %swap3A_349 = tpu.vector_load %arg7[%swap3A_347, %swap3A_348] {strides = array<i32>} : memref<64x128xf32, #tpu.memory_space<vmem>>, vector<16xf32>,
      tpu.vector_store %arg7[%swap3A_347, %swap3A_348], %broadcast_in_dim3A_19 {strides = array<i32>} : memref<64x128xf32, #tpu.memory_space<vmem>>, vector<16xf32>,
      %swap3A_350 = arith.index_cast %scan3A_343 : i32 to index
      %swap3A_351 = arith.constant 32 : index
      %swap3A_352 = tpu.vector_load %arg7[%swap3A_350, %swap3A_351] {strides = array<i32>} : memref<64x128xf32, #tpu.memory_space<vmem>>, vector<16xf32>,
      tpu.vector_store %arg7[%swap3A_350, %swap3A_351], %broadcast_in_dim3A_19 {strides = array<i32>} : memref<64x128xf32, #tpu.memory_space<vmem>>, vector<16xf32>,
      %swap3A_353 = arith.index_cast %scan3A_343 : i32 to index
      %swap3A_354 = arith.constant 48 : index
      %swap3A_355 = tpu.vector_load %arg7[%swap3A_353, %swap3A_354] {strides = array<i32>} : memref<64x128xf32, #tpu.memory_space<vmem>>, vector<16xf32>,
      tpu.vector_store %arg7[%swap3A_353, %swap3A_354], %broadcast_in_dim3A_19 {strides = array<i32>} : memref<64x128xf32, #tpu.memory_space<vmem>>, vector<16xf32>,
      %swap3A_356 = arith.index_cast %scan3A_343 : i32 to index
      %swap3A_357 = arith.constant 64 : index
      %swap3A_358 = tpu.vector_load %arg7[%swap3A_356, %swap3A_357] {strides = array<i32>} : memref<64x128xf32, #tpu.memory_space<vmem>>, vector<16xf32>,
      tpu.vector_store %arg7[%swap3A_356, %swap3A_357], %broadcast_in_dim3A_19 {strides = array<i32>} : memref<64x128xf32, #tpu.memory_space<vmem>>, vector<16xf32>,
      %swap3A_359 = arith.index_cast %scan3A_343 : i32 to index
      %swap3A_360 = arith.constant 80 : index
      %swap3A_361 = tpu.vector_load %arg7[%swap3A_359, %swap3A_360] {strides = array<i32>} : memref<64x128xf32, #tpu.memory_space<vmem>>, vector<16xf32>,
      tpu.vector_store %arg7[%swap3A_359, %swap3A_360], %broadcast_in_dim3A_19 {strides = array<i32>} : memref<64x128xf32, #tpu.memory_space<vmem>>, vector<16xf32>,
      %swap3A_362 = arith.index_cast %scan3A_343 : i32 to index
      %swap3A_363 = arith.constant 96 : index
      %swap3A_364 = tpu.vector_load %arg7[%swap3A_362, %swap3A_363] {strides = array<i32>} : memref<64x128xf32, #tpu.memory_space<vmem>>, vector<16xf32>,
      tpu.vector_store %arg7[%swap3A_362, %swap3A_363], %broadcast_in_dim3A_19 {strides = array<i32>} : memref<64x128xf32, #tpu.memory_space<vmem>>, vector<16xf32>,
      %swap3A_365 = arith.index_cast %scan3A_343 : i32 to index
      %swap3A_366 = arith.constant 112 : index
      %swap3A_367 = tpu.vector_load %arg7[%swap3A_365, %swap3A_366] {strides = array<i32>} : memref<64x128xf32, #tpu.memory_space<vmem>>, vector<16xf32>,
      tpu.vector_store %arg7[%swap3A_365, %swap3A_366], %broadcast_in_dim3A_19 {strides = array<i32>} : memref<64x128xf32, #tpu.memory_space<vmem>>, vector<16xf32>,
      %scan3A_368 = arith.constant 0 : i32
      scf.yield %scan3A_368 : i32
    }
    %scan3A_27 = arith.constant 80 : i32
    %scan3A_28 = arith.constant 0 : i32
    %scan3A_29 = arith.constant 0 : i32
    %scan3A_30 = arith.constant 40 : i32
    %scan3A_31 = arith.addi %scan3A_29, %scan3A_30 : i32
    %scan3A_32 = arith.constant 1 : i32
    %scan3A_33 = scf.for %scan3A_343 = %scan3A_29 to %scan3A_31 step %scan3A_32 iter_args(%scan3A_344 = %scan3A_28) -> (i32)  : i32 {
      %mul3A_345 = arith.constant 16 : i32
      %mul3A_346 = arith.muli %scan3A_343, %mul3A_345 : i32
      %add3A_347 = arith.constant 0 : i32
      %add3A_348 = arith.addi %mul3A_346, %add3A_347 : i32
      %mul3A_349 = arith.constant 16 : i32
      %mul3A_350 = arith.muli %add3A_348, %mul3A_349 : i32
      %swap3A = arith.index_cast %mul3A_350 : i32 to index
      %swap3A_351 = tpu.vector_load %arg11[%swap3A] {strides = array<i32>} : memref<10240xf32, #tpu.memory_space<vmem>>, vector<16xf32>,
      tpu.vector_store %arg11[%swap3A], %broadcast_in_dim3A_19 {strides = array<i32>} : memref<10240xf32, #tpu.memory_space<vmem>>, vector<16xf32>,
      %mul3A_352 = arith.constant 16 : i32
      %mul3A_353 = arith.muli %scan3A_343, %mul3A_352 : i32
      %add3A_354 = arith.constant 1 : i32
      %add3A_355 = arith.addi %mul3A_353, %add3A_354 : i32
      %mul3A_356 = arith.constant 16 : i32
      %mul3A_357 = arith.muli %add3A_355, %mul3A_356 : i32
      %swap3A_358 = arith.index_cast %mul3A_357 : i32 to index
      %swap3A_359 = tpu.vector_load %arg11[%swap3A_358] {strides = array<i32>} : memref<10240xf32, #tpu.memory_space<vmem>>, vector<16xf32>,
      tpu.vector_store %arg11[%swap3A_358], %broadcast_in_dim3A_19 {strides = array<i32>} : memref<10240xf32, #tpu.memory_space<vmem>>, vector<16xf32>,
      %mul3A_360 = arith.constant 16 : i32
      %mul3A_361 = arith.muli %scan3A_343, %mul3A_360 : i32
      %add3A_362 = arith.constant 2 : i32
      %add3A_363 = arith.addi %mul3A_361, %add3A_362 : i32
      %mul3A_364 = arith.constant 16 : i32
      %mul3A_365 = arith.muli %add3A_363, %mul3A_364 : i32
      %swap3A_366 = arith.index_cast %mul3A_365 : i32 to index
      %swap3A_367 = tpu.vector_load %arg11[%swap3A_366] {strides = array<i32>} : memref<10240xf32, #tpu.memory_space<vmem>>, vector<16xf32>,
      tpu.vector_store %arg11[%swap3A_366], %broadcast_in_dim3A_19 {strides = array<i32>} : memref<10240xf32, #tpu.memory_space<vmem>>, vector<16xf32>,
      %mul3A_368 = arith.constant 16 : i32
      %mul3A_369 = arith.muli %scan3A_343, %mul3A_368 : i32
      %add3A_370 = arith.constant 3 : i32
      %add3A_371 = arith.addi %mul3A_369, %add3A_370 : i32
      %mul3A_372 = arith.constant 16 : i32
      %mul3A_373 = arith.muli %add3A_371, %mul3A_372 : i32
      %swap3A_374 = arith.index_cast %mul3A_373 : i32 to index
      %swap3A_375 = tpu.vector_load %arg11[%swap3A_374] {strides = array<i32>} : memref<10240xf32, #tpu.memory_space<vmem>>, vector<16xf32>,
      tpu.vector_store %arg11[%swap3A_374], %broadcast_in_dim3A_19 {strides = array<i32>} : memref<10240xf32, #tpu.memory_space<vmem>>, vector<16xf32>,
      %mul3A_376 = arith.constant 16 : i32
      %mul3A_377 = arith.muli %scan3A_343, %mul3A_376 : i32
      %add3A_378 = arith.constant 4 : i32
      %add3A_379 = arith.addi %mul3A_377, %add3A_378 : i32
      %mul3A_380 = arith.constant 16 : i32
      %mul3A_381 = arith.muli %add3A_379, %mul3A_380 : i32
      %swap3A_382 = arith.index_cast %mul3A_381 : i32 to index
      %swap3A_383 = tpu.vector_load %arg11[%swap3A_382] {strides = array<i32>} : memref<10240xf32, #tpu.memory_space<vmem>>, vector<16xf32>,
      tpu.vector_store %arg11[%swap3A_382], %broadcast_in_dim3A_19 {strides = array<i32>} : memref<10240xf32, #tpu.memory_space<vmem>>, vector<16xf32>,
      %mul3A_384 = arith.constant 16 : i32
      %mul3A_385 = arith.muli %scan3A_343, %mul3A_384 : i32
      %add3A_386 = arith.constant 5 : i32
      %add3A_387 = arith.addi %mul3A_385, %add3A_386 : i32
      %mul3A_388 = arith.constant 16 : i32
      %mul3A_389 = arith.muli %add3A_387, %mul3A_388 : i32
      %swap3A_390 = arith.index_cast %mul3A_389 : i32 to index
      %swap3A_391 = tpu.vector_load %arg11[%swap3A_390] {strides = array<i32>} : memref<10240xf32, #tpu.memory_space<vmem>>, vector<16xf32>,
      tpu.vector_store %arg11[%swap3A_390], %broadcast_in_dim3A_19 {strides = array<i32>} : memref<10240xf32, #tpu.memory_space<vmem>>, vector<16xf32>,
      %mul3A_392 = arith.constant 16 : i32
      %mul3A_393 = arith.muli %scan3A_343, %mul3A_392 : i32
      %add3A_394 = arith.constant 6 : i32
      %add3A_395 = arith.addi %mul3A_393, %add3A_394 : i32
      %mul3A_396 = arith.constant 16 : i32
      %mul3A_397 = arith.muli %add3A_395, %mul3A_396 : i32
      %swap3A_398 = arith.index_cast %mul3A_397 : i32 to index
      %swap3A_399 = tpu.vector_load %arg11[%swap3A_398] {strides = array<i32>} : memref<10240xf32, #tpu.memory_space<vmem>>, vector<16xf32>,
      tpu.vector_store %arg11[%swap3A_398], %broadcast_in_dim3A_19 {strides = array<i32>} : memref<10240xf32, #tpu.memory_space<vmem>>, vector<16xf32>,
      %mul3A_400 = arith.constant 16 : i32
      %mul3A_401 = arith.muli %scan3A_343, %mul3A_400 : i32
      %add3A_402 = arith.constant 7 : i32
      %add3A_403 = arith.addi %mul3A_401, %add3A_402 : i32
      %mul3A_404 = arith.constant 16 : i32
      %mul3A_405 = arith.muli %add3A_403, %mul3A_404 : i32
      %swap3A_406 = arith.index_cast %mul3A_405 : i32 to index
      %swap3A_407 = tpu.vector_load %arg11[%swap3A_406] {strides = array<i32>} : memref<10240xf32, #tpu.memory_space<vmem>>, vector<16xf32>,
      tpu.vector_store %arg11[%swap3A_406], %broadcast_in_dim3A_19 {strides = array<i32>} : memref<10240xf32, #tpu.memory_space<vmem>>, vector<16xf32>,
      %mul3A_408 = arith.constant 16 : i32
      %mul3A_409 = arith.muli %scan3A_343, %mul3A_408 : i32
      %add3A_410 = arith.constant 8 : i32
      %add3A_411 = arith.addi %mul3A_409, %add3A_410 : i32
      %mul3A_412 = arith.constant 16 : i32
      %mul3A_413 = arith.muli %add3A_411, %mul3A_412 : i32
      %swap3A_414 = arith.index_cast %mul3A_413 : i32 to index
      %swap3A_415 = tpu.vector_load %arg11[%swap3A_414] {strides = array<i32>} : memref<10240xf32, #tpu.memory_space<vmem>>, vector<16xf32>,
      tpu.vector_store %arg11[%swap3A_414], %broadcast_in_dim3A_19 {strides = array<i32>} : memref<10240xf32, #tpu.memory_space<vmem>>, vector<16xf32>,
      %mul3A_416 = arith.constant 16 : i32
      %mul3A_417 = arith.muli %scan3A_343, %mul3A_416 : i32
      %add3A_418 = arith.constant 9 : i32
      %add3A_419 = arith.addi %mul3A_417, %add3A_418 : i32
      %mul3A_420 = arith.constant 16 : i32
      %mul3A_421 = arith.muli %add3A_419, %mul3A_420 : i32
      %swap3A_422 = arith.index_cast %mul3A_421 : i32 to index
      %swap3A_423 = tpu.vector_load %arg11[%swap3A_422] {strides = array<i32>} : memref<10240xf32, #tpu.memory_space<vmem>>, vector<16xf32>,
      tpu.vector_store %arg11[%swap3A_422], %broadcast_in_dim3A_19 {strides = array<i32>} : memref<10240xf32, #tpu.memory_space<vmem>>, vector<16xf32>,
      %mul3A_424 = arith.constant 16 : i32
      %mul3A_425 = arith.muli %scan3A_343, %mul3A_424 : i32
      %add3A_426 = arith.constant 10 : i32
      %add3A_427 = arith.addi %mul3A_425, %add3A_426 : i32
      %mul3A_428 = arith.constant 16 : i32
      %mul3A_429 = arith.muli %add3A_427, %mul3A_428 : i32
      %swap3A_430 = arith.index_cast %mul3A_429 : i32 to index
      %swap3A_431 = tpu.vector_load %arg11[%swap3A_430] {strides = array<i32>} : memref<10240xf32, #tpu.memory_space<vmem>>, vector<16xf32>,
      tpu.vector_store %arg11[%swap3A_430], %broadcast_in_dim3A_19 {strides = array<i32>} : memref<10240xf32, #tpu.memory_space<vmem>>, vector<16xf32>,
      %mul3A_432 = arith.constant 16 : i32
      %mul3A_433 = arith.muli %scan3A_343, %mul3A_432 : i32
      %add3A_434 = arith.constant 11 : i32
      %add3A_435 = arith.addi %mul3A_433, %add3A_434 : i32
      %mul3A_436 = arith.constant 16 : i32
      %mul3A_437 = arith.muli %add3A_435, %mul3A_436 : i32
      %swap3A_438 = arith.index_cast %mul3A_437 : i32 to index
      %swap3A_439 = tpu.vector_load %arg11[%swap3A_438] {strides = array<i32>} : memref<10240xf32, #tpu.memory_space<vmem>>, vector<16xf32>,
      tpu.vector_store %arg11[%swap3A_438], %broadcast_in_dim3A_19 {strides = array<i32>} : memref<10240xf32, #tpu.memory_space<vmem>>, vector<16xf32>,
      %mul3A_440 = arith.constant 16 : i32
      %mul3A_441 = arith.muli %scan3A_343, %mul3A_440 : i32
      %add3A_442 = arith.constant 12 : i32
      %add3A_443 = arith.addi %mul3A_441, %add3A_442 : i32
      %mul3A_444 = arith.constant 16 : i32
      %mul3A_445 = arith.muli %add3A_443, %mul3A_444 : i32
      %swap3A_446 = arith.index_cast %mul3A_445 : i32 to index
      %swap3A_447 = tpu.vector_load %arg11[%swap3A_446] {strides = array<i32>} : memref<10240xf32, #tpu.memory_space<vmem>>, vector<16xf32>,
      tpu.vector_store %arg11[%swap3A_446], %broadcast_in_dim3A_19 {strides = array<i32>} : memref<10240xf32, #tpu.memory_space<vmem>>, vector<16xf32>,
      %mul3A_448 = arith.constant 16 : i32
      %mul3A_449 = arith.muli %scan3A_343, %mul3A_448 : i32
      %add3A_450 = arith.constant 13 : i32
      %add3A_451 = arith.addi %mul3A_449, %add3A_450 : i32
      %mul3A_452 = arith.constant 16 : i32
      %mul3A_453 = arith.muli %add3A_451, %mul3A_452 : i32
      %swap3A_454 = arith.index_cast %mul3A_453 : i32 to index
      %swap3A_455 = tpu.vector_load %arg11[%swap3A_454] {strides = array<i32>} : memref<10240xf32, #tpu.memory_space<vmem>>, vector<16xf32>,
      tpu.vector_store %arg11[%swap3A_454], %broadcast_in_dim3A_19 {strides = array<i32>} : memref<10240xf32, #tpu.memory_space<vmem>>, vector<16xf32>,
      %mul3A_456 = arith.constant 16 : i32
      %mul3A_457 = arith.muli %scan3A_343, %mul3A_456 : i32
      %add3A_458 = arith.constant 14 : i32
      %add3A_459 = arith.addi %mul3A_457, %add3A_458 : i32
      %mul3A_460 = arith.constant 16 : i32
      %mul3A_461 = arith.muli %add3A_459, %mul3A_460 : i32
      %swap3A_462 = arith.index_cast %mul3A_461 : i32 to index
      %swap3A_463 = tpu.vector_load %arg11[%swap3A_462] {strides = array<i32>} : memref<10240xf32, #tpu.memory_space<vmem>>, vector<16xf32>,
      tpu.vector_store %arg11[%swap3A_462], %broadcast_in_dim3A_19 {strides = array<i32>} : memref<10240xf32, #tpu.memory_space<vmem>>, vector<16xf32>,
      %mul3A_464 = arith.constant 16 : i32
      %mul3A_465 = arith.muli %scan3A_343, %mul3A_464 : i32
      %add3A_466 = arith.constant 15 : i32
      %add3A_467 = arith.addi %mul3A_465, %add3A_466 : i32
      %mul3A_468 = arith.constant 16 : i32
      %mul3A_469 = arith.muli %add3A_467, %mul3A_468 : i32
      %swap3A_470 = arith.index_cast %mul3A_469 : i32 to index
      %swap3A_471 = tpu.vector_load %arg11[%swap3A_470] {strides = array<i32>} : memref<10240xf32, #tpu.memory_space<vmem>>, vector<16xf32>,
      tpu.vector_store %arg11[%swap3A_470], %broadcast_in_dim3A_19 {strides = array<i32>} : memref<10240xf32, #tpu.memory_space<vmem>>, vector<16xf32>,
      %scan3A_472 = arith.constant 0 : i32
      scf.yield %scan3A_472 : i32
    }
    %scan3A_34 = arith.constant 40 : i32
    %mul3A_35 = arith.constant 640 : i32
    %mul3A_36 = arith.muli %arg1, %mul3A_35 : i32
    %add3A_37 = arith.constant 0 : i32
    %add3A_38 = arith.addi %mul3A_36, %add3A_37 : i32
    %dma_start3A_39 = arith.constant 0 : i32
    %dma_start3A_40 = arith.constant 0 : i32
    %dma_start3A_41 = tpu.memref_slice %arg7[%dma_start3A_39, %dma_start3A_40] : memref<64x128xf32, #tpu.memory_space<vmem>> -> memref<80x128xf32, #tpu.memory_space<vmem>>
    %dma_start3A_42 = arith.constant 0 : i32
    %dma_start3A_43 = tpu.memref_slice %arg12[%add3A_38, %dma_start3A_42] : memref<10240x128xf32, #tpu.memory_space<vmem_shared>> -> memref<80x128xf32, #tpu.memory_space<vmem_shared>>
    %dma_start3A_44 = arith.constant 0 : i32
    %dma_start3A_45 = tpu.memref_slice %arg12[%add3A_38, %dma_start3A_44] : memref<10240x128xf32, #tpu.memory_space<vmem_shared>> -> memref<80x128xf32, #tpu.memory_space<vmem_shared>>
    %dma_start3A_46 = arith.constant 0 : i32
    %dma_start3A_47 = arith.constant 0 : i32
    %dma_start3A_48 = tpu.memref_slice %arg7[%dma_start3A_46, %dma_start3A_47] : memref<64x128xf32, #tpu.memory_space<vmem>> -> memref<80x128xf32, #tpu.memory_space<vmem>>
    tpu.enqueue_dma source(%dma_start3A_48 : memref<80x128xf32, #tpu.memory_space<vmem>>) target(%dma_start3A_45 : memref<80x128xf32, #tpu.memory_space<vmem_shared>>) target_semaphore(%arg13 : memref<!tpu.dma_semaphore, #tpu.memory_space<semaphore_mem>>)
    %mul3A_49 = arith.constant 640 : i32
    %mul3A_50 = arith.muli %arg1, %mul3A_49 : i32
    %add3A_51 = arith.constant 80 : i32
    %add3A_52 = arith.addi %mul3A_50, %add3A_51 : i32
    %dma_start3A_53 = arith.constant 0 : i32
    %dma_start3A_54 = arith.constant 0 : i32
    %dma_start3A_55 = tpu.memref_slice %arg7[%dma_start3A_53, %dma_start3A_54] : memref<64x128xf32, #tpu.memory_space<vmem>> -> memref<80x128xf32, #tpu.memory_space<vmem>>
    %dma_start3A_56 = arith.constant 0 : i32
    %dma_start3A_57 = tpu.memref_slice %arg12[%add3A_52, %dma_start3A_56] : memref<10240x128xf32, #tpu.memory_space<vmem_shared>> -> memref<80x128xf32, #tpu.memory_space<vmem_shared>>
    %dma_start3A_58 = arith.constant 0 : i32
    %dma_start3A_59 = tpu.memref_slice %arg12[%add3A_52, %dma_start3A_58] : memref<10240x128xf32, #tpu.memory_space<vmem_shared>> -> memref<80x128xf32, #tpu.memory_space<vmem_shared>>
    %dma_start3A_60 = arith.constant 0 : i32
    %dma_start3A_61 = arith.constant 0 : i32
    %dma_start3A_62 = tpu.memref_slice %arg7[%dma_start3A_60, %dma_start3A_61] : memref<64x128xf32, #tpu.memory_space<vmem>> -> memref<80x128xf32, #tpu.memory_space<vmem>>
    tpu.enqueue_dma source(%dma_start3A_62 : memref<80x128xf32, #tpu.memory_space<vmem>>) target(%dma_start3A_59 : memref<80x128xf32, #tpu.memory_space<vmem_shared>>) target_semaphore(%arg13 : memref<!tpu.dma_semaphore, #tpu.memory_space<semaphore_mem>>)
    %mul3A_63 = arith.constant 640 : i32
    %mul3A_64 = arith.muli %arg1, %mul3A_63 : i32
    %add3A_65 = arith.constant 160 : i32
    %add3A_66 = arith.addi %mul3A_64, %add3A_65 : i32
    %dma_start3A_67 = arith.constant 0 : i32
    %dma_start3A_68 = arith.constant 0 : i32
    %dma_start3A_69 = tpu.memref_slice %arg7[%dma_start3A_67, %dma_start3A_68] : memref<64x128xf32, #tpu.memory_space<vmem>> -> memref<80x128xf32, #tpu.memory_space<vmem>>
    %dma_start3A_70 = arith.constant 0 : i32
    %dma_start3A_71 = tpu.memref_slice %arg12[%add3A_66, %dma_start3A_70] : memref<10240x128xf32, #tpu.memory_space<vmem_shared>> -> memref<80x128xf32, #tpu.memory_space<vmem_shared>>
    %dma_start3A_72 = arith.constant 0 : i32
    %dma_start3A_73 = tpu.memref_slice %arg12[%add3A_66, %dma_start3A_72] : memref<10240x128xf32, #tpu.memory_space<vmem_shared>> -> memref<80x128xf32, #tpu.memory_space<vmem_shared>>
    %dma_start3A_74 = arith.constant 0 : i32
    %dma_start3A_75 = arith.constant 0 : i32
    %dma_start3A_76 = tpu.memref_slice %arg7[%dma_start3A_74, %dma_start3A_75] : memref<64x128xf32, #tpu.memory_space<vmem>> -> memref<80x128xf32, #tpu.memory_space<vmem>>
    tpu.enqueue_dma source(%dma_start3A_76 : memref<80x128xf32, #tpu.memory_space<vmem>>) target(%dma_start3A_73 : memref<80x128xf32, #tpu.memory_space<vmem_shared>>) target_semaphore(%arg13 : memref<!tpu.dma_semaphore, #tpu.memory_space<semaphore_mem>>)
    %mul3A_77 = arith.constant 640 : i32
    %mul3A_78 = arith.muli %arg1, %mul3A_77 : i32
    %add3A_79 = arith.constant 240 : i32
    %add3A_80 = arith.addi %mul3A_78, %add3A_79 : i32
    %dma_start3A_81 = arith.constant 0 : i32
    %dma_start3A_82 = arith.constant 0 : i32
    %dma_start3A_83 = tpu.memref_slice %arg7[%dma_start3A_81, %dma_start3A_82] : memref<64x128xf32, #tpu.memory_space<vmem>> -> memref<80x128xf32, #tpu.memory_space<vmem>>
    %dma_start3A_84 = arith.constant 0 : i32
    %dma_start3A_85 = tpu.memref_slice %arg12[%add3A_80, %dma_start3A_84] : memref<10240x128xf32, #tpu.memory_space<vmem_shared>> -> memref<80x128xf32, #tpu.memory_space<vmem_shared>>
    %dma_start3A_86 = arith.constant 0 : i32
    %dma_start3A_87 = tpu.memref_slice %arg12[%add3A_80, %dma_start3A_86] : memref<10240x128xf32, #tpu.memory_space<vmem_shared>> -> memref<80x128xf32, #tpu.memory_space<vmem_shared>>
    %dma_start3A_88 = arith.constant 0 : i32
    %dma_start3A_89 = arith.constant 0 : i32
    %dma_start3A_90 = tpu.memref_slice %arg7[%dma_start3A_88, %dma_start3A_89] : memref<64x128xf32, #tpu.memory_space<vmem>> -> memref<80x128xf32, #tpu.memory_space<vmem>>
    tpu.enqueue_dma source(%dma_start3A_90 : memref<80x128xf32, #tpu.memory_space<vmem>>) target(%dma_start3A_87 : memref<80x128xf32, #tpu.memory_space<vmem_shared>>) target_semaphore(%arg13 : memref<!tpu.dma_semaphore, #tpu.memory_space<semaphore_mem>>)
    %mul3A_91 = arith.constant 640 : i32
    %mul3A_92 = arith.muli %arg1, %mul3A_91 : i32
    %add3A_93 = arith.constant 320 : i32
    %add3A_94 = arith.addi %mul3A_92, %add3A_93 : i32
    %dma_start3A_95 = arith.constant 0 : i32
    %dma_start3A_96 = arith.constant 0 : i32
    %dma_start3A_97 = tpu.memref_slice %arg7[%dma_start3A_95, %dma_start3A_96] : memref<64x128xf32, #tpu.memory_space<vmem>> -> memref<80x128xf32, #tpu.memory_space<vmem>>
    %dma_start3A_98 = arith.constant 0 : i32
    %dma_start3A_99 = tpu.memref_slice %arg12[%add3A_94, %dma_start3A_98] : memref<10240x128xf32, #tpu.memory_space<vmem_shared>> -> memref<80x128xf32, #tpu.memory_space<vmem_shared>>
    %dma_start3A_100 = arith.constant 0 : i32
    %dma_start3A_101 = tpu.memref_slice %arg12[%add3A_94, %dma_start3A_100] : memref<10240x128xf32, #tpu.memory_space<vmem_shared>> -> memref<80x128xf32, #tpu.memory_space<vmem_shared>>
    %dma_start3A_102 = arith.constant 0 : i32
    %dma_start3A_103 = arith.constant 0 : i32
    %dma_start3A_104 = tpu.memref_slice %arg7[%dma_start3A_102, %dma_start3A_103] : memref<64x128xf32, #tpu.memory_space<vmem>> -> memref<80x128xf32, #tpu.memory_space<vmem>>
    tpu.enqueue_dma source(%dma_start3A_104 : memref<80x128xf32, #tpu.memory_space<vmem>>) target(%dma_start3A_101 : memref<80x128xf32, #tpu.memory_space<vmem_shared>>) target_semaphore(%arg13 : memref<!tpu.dma_semaphore, #tpu.memory_space<semaphore_mem>>)
    %mul3A_105 = arith.constant 640 : i32
    %mul3A_106 = arith.muli %arg1, %mul3A_105 : i32
    %add3A_107 = arith.constant 400 : i32
    %add3A_108 = arith.addi %mul3A_106, %add3A_107 : i32
    %dma_start3A_109 = arith.constant 0 : i32
    %dma_start3A_110 = arith.constant 0 : i32
    %dma_start3A_111 = tpu.memref_slice %arg7[%dma_start3A_109, %dma_start3A_110] : memref<64x128xf32, #tpu.memory_space<vmem>> -> memref<80x128xf32, #tpu.memory_space<vmem>>
    %dma_start3A_112 = arith.constant 0 : i32
    %dma_start3A_113 = tpu.memref_slice %arg12[%add3A_108, %dma_start3A_112] : memref<10240x128xf32, #tpu.memory_space<vmem_shared>> -> memref<80x128xf32, #tpu.memory_space<vmem_shared>>
    %dma_start3A_114 = arith.constant 0 : i32
    %dma_start3A_115 = tpu.memref_slice %arg12[%add3A_108, %dma_start3A_114] : memref<10240x128xf32, #tpu.memory_space<vmem_shared>> -> memref<80x128xf32, #tpu.memory_space<vmem_shared>>
    %dma_start3A_116 = arith.constant 0 : i32
    %dma_start3A_117 = arith.constant 0 : i32
    %dma_start3A_118 = tpu.memref_slice %arg7[%dma_start3A_116, %dma_start3A_117] : memref<64x128xf32, #tpu.memory_space<vmem>> -> memref<80x128xf32, #tpu.memory_space<vmem>>
    tpu.enqueue_dma source(%dma_start3A_118 : memref<80x128xf32, #tpu.memory_space<vmem>>) target(%dma_start3A_115 : memref<80x128xf32, #tpu.memory_space<vmem_shared>>) target_semaphore(%arg13 : memref<!tpu.dma_semaphore, #tpu.memory_space<semaphore_mem>>)
    %mul3A_119 = arith.constant 640 : i32
    %mul3A_120 = arith.muli %arg1, %mul3A_119 : i32
    %add3A_121 = arith.constant 480 : i32
    %add3A_122 = arith.addi %mul3A_120, %add3A_121 : i32
    %dma_start3A_123 = arith.constant 0 : i32
    %dma_start3A_124 = arith.constant 0 : i32
    %dma_start3A_125 = tpu.memref_slice %arg7[%dma_start3A_123, %dma_start3A_124] : memref<64x128xf32, #tpu.memory_space<vmem>> -> memref<80x128xf32, #tpu.memory_space<vmem>>
    %dma_start3A_126 = arith.constant 0 : i32
    %dma_start3A_127 = tpu.memref_slice %arg12[%add3A_122, %dma_start3A_126] : memref<10240x128xf32, #tpu.memory_space<vmem_shared>> -> memref<80x128xf32, #tpu.memory_space<vmem_shared>>
    %dma_start3A_128 = arith.constant 0 : i32
    %dma_start3A_129 = tpu.memref_slice %arg12[%add3A_122, %dma_start3A_128] : memref<10240x128xf32, #tpu.memory_space<vmem_shared>> -> memref<80x128xf32, #tpu.memory_space<vmem_shared>>
    %dma_start3A_130 = arith.constant 0 : i32
    %dma_start3A_131 = arith.constant 0 : i32
    %dma_start3A_132 = tpu.memref_slice %arg7[%dma_start3A_130, %dma_start3A_131] : memref<64x128xf32, #tpu.memory_space<vmem>> -> memref<80x128xf32, #tpu.memory_space<vmem>>
    tpu.enqueue_dma source(%dma_start3A_132 : memref<80x128xf32, #tpu.memory_space<vmem>>) target(%dma_start3A_129 : memref<80x128xf32, #tpu.memory_space<vmem_shared>>) target_semaphore(%arg13 : memref<!tpu.dma_semaphore, #tpu.memory_space<semaphore_mem>>)
    %mul3A_133 = arith.constant 640 : i32
    %mul3A_134 = arith.muli %arg1, %mul3A_133 : i32
    %add3A_135 = arith.constant 560 : i32
    %add3A_136 = arith.addi %mul3A_134, %add3A_135 : i32
    %dma_start3A_137 = arith.constant 0 : i32
    %dma_start3A_138 = arith.constant 0 : i32
    %dma_start3A_139 = tpu.memref_slice %arg7[%dma_start3A_137, %dma_start3A_138] : memref<64x128xf32, #tpu.memory_space<vmem>> -> memref<80x128xf32, #tpu.memory_space<vmem>>
    %dma_start3A_140 = arith.constant 0 : i32
    %dma_start3A_141 = tpu.memref_slice %arg12[%add3A_136, %dma_start3A_140] : memref<10240x128xf32, #tpu.memory_space<vmem_shared>> -> memref<80x128xf32, #tpu.memory_space<vmem_shared>>
    %dma_start3A_142 = arith.constant 0 : i32
    %dma_start3A_143 = tpu.memref_slice %arg12[%add3A_136, %dma_start3A_142] : memref<10240x128xf32, #tpu.memory_space<vmem_shared>> -> memref<80x128xf32, #tpu.memory_space<vmem_shared>>
    %dma_start3A_144 = arith.constant 0 : i32
    %dma_start3A_145 = arith.constant 0 : i32
    %dma_start3A_146 = tpu.memref_slice %arg7[%dma_start3A_144, %dma_start3A_145] : memref<64x128xf32, #tpu.memory_space<vmem>> -> memref<80x128xf32, #tpu.memory_space<vmem>>
    tpu.enqueue_dma source(%dma_start3A_146 : memref<80x128xf32, #tpu.memory_space<vmem>>) target(%dma_start3A_143 : memref<80x128xf32, #tpu.memory_space<vmem_shared>>) target_semaphore(%arg13 : memref<!tpu.dma_semaphore, #tpu.memory_space<semaphore_mem>>)
    %mul3A_147 = arith.constant 640 : i32
    %mul3A_148 = arith.muli %arg1, %mul3A_147 : i32
    %add3A_149 = arith.constant 0 : i32
    %add3A_150 = arith.addi %mul3A_148, %add3A_149 : i32
    %dma_wait3A = arith.constant 0 : i32
    %dma_wait3A_151 = arith.constant 0 : i32
    %dma_wait3A_152 = tpu.memref_slice %arg7[%dma_wait3A, %dma_wait3A_151] : memref<64x128xf32, #tpu.memory_space<vmem>> -> memref<80x128xf32, #tpu.memory_space<vmem>>
    %dma_wait3A_153 = arith.constant 0 : i32
    %dma_wait3A_154 = tpu.memref_slice %arg12[%add3A_150, %dma_wait3A_153] : memref<10240x128xf32, #tpu.memory_space<vmem_shared>> -> memref<80x128xf32, #tpu.memory_space<vmem_shared>>
    %dma_wait3A_155 = arith.constant 0 : i32
    %dma_wait3A_156 = tpu.memref_slice %arg12[%add3A_150, %dma_wait3A_155] : memref<10240x128xf32, #tpu.memory_space<vmem_shared>> -> memref<80x128xf32, #tpu.memory_space<vmem_shared>>
    %dma_wait3A_157 = arith.constant 0 : i32
    %dma_wait3A_158 = arith.constant 0 : i32
    %dma_wait3A_159 = tpu.memref_slice %arg7[%dma_wait3A_157, %dma_wait3A_158] : memref<64x128xf32, #tpu.memory_space<vmem>> -> memref<80x128xf32, #tpu.memory_space<vmem>>
    tpu.wait_dma2 semaphore(%arg13 : memref<!tpu.dma_semaphore, #tpu.memory_space<semaphore_mem>>) src(%dma_wait3A_159 : memref<80x128xf32, #tpu.memory_space<vmem>>) dst(%dma_wait3A_156 : memref<80x128xf32, #tpu.memory_space<vmem_shared>>)
    %mul3A_160 = arith.constant 640 : i32
    %mul3A_161 = arith.muli %arg1, %mul3A_160 : i32
    %add3A_162 = arith.constant 80 : i32
    %add3A_163 = arith.addi %mul3A_161, %add3A_162 : i32
    %dma_wait3A_164 = arith.constant 0 : i32
    %dma_wait3A_165 = arith.constant 0 : i32
    %dma_wait3A_166 = tpu.memref_slice %arg7[%dma_wait3A_164, %dma_wait3A_165] : memref<64x128xf32, #tpu.memory_space<vmem>> -> memref<80x128xf32, #tpu.memory_space<vmem>>
    %dma_wait3A_167 = arith.constant 0 : i32
    %dma_wait3A_168 = tpu.memref_slice %arg12[%add3A_163, %dma_wait3A_167] : memref<10240x128xf32, #tpu.memory_space<vmem_shared>> -> memref<80x128xf32, #tpu.memory_space<vmem_shared>>
    %dma_wait3A_169 = arith.constant 0 : i32
    %dma_wait3A_170 = tpu.memref_slice %arg12[%add3A_163, %dma_wait3A_169] : memref<10240x128xf32, #tpu.memory_space<vmem_shared>> -> memref<80x128xf32, #tpu.memory_space<vmem_shared>>
    %dma_wait3A_171 = arith.constant 0 : i32
    %dma_wait3A_172 = arith.constant 0 : i32
    %dma_wait3A_173 = tpu.memref_slice %arg7[%dma_wait3A_171, %dma_wait3A_172] : memref<64x128xf32, #tpu.memory_space<vmem>> -> memref<80x128xf32, #tpu.memory_space<vmem>>
    tpu.wait_dma2 semaphore(%arg13 : memref<!tpu.dma_semaphore, #tpu.memory_space<semaphore_mem>>) src(%dma_wait3A_173 : memref<80x128xf32, #tpu.memory_space<vmem>>) dst(%dma_wait3A_170 : memref<80x128xf32, #tpu.memory_space<vmem_shared>>)
    %mul3A_174 = arith.constant 640 : i32
    %mul3A_175 = arith.muli %arg1, %mul3A_174 : i32
    %add3A_176 = arith.constant 160 : i32
    %add3A_177 = arith.addi %mul3A_175, %add3A_176 : i32
    %dma_wait3A_178 = arith.constant 0 : i32
    %dma_wait3A_179 = arith.constant 0 : i32
    %dma_wait3A_180 = tpu.memref_slice %arg7[%dma_wait3A_178, %dma_wait3A_179] : memref<64x128xf32, #tpu.memory_space<vmem>> -> memref<80x128xf32, #tpu.memory_space<vmem>>
    %dma_wait3A_181 = arith.constant 0 : i32
    %dma_wait3A_182 = tpu.memref_slice %arg12[%add3A_177, %dma_wait3A_181] : memref<10240x128xf32, #tpu.memory_space<vmem_shared>> -> memref<80x128xf32, #tpu.memory_space<vmem_shared>>
    %dma_wait3A_183 = arith.constant 0 : i32
    %dma_wait3A_184 = tpu.memref_slice %arg12[%add3A_177, %dma_wait3A_183] : memref<10240x128xf32, #tpu.memory_space<vmem_shared>> -> memref<80x128xf32, #tpu.memory_space<vmem_shared>>
    %dma_wait3A_185 = arith.constant 0 : i32
    %dma_wait3A_186 = arith.constant 0 : i32
    %dma_wait3A_187 = tpu.memref_slice %arg7[%dma_wait3A_185, %dma_wait3A_186] : memref<64x128xf32, #tpu.memory_space<vmem>> -> memref<80x128xf32, #tpu.memory_space<vmem>>
    tpu.wait_dma2 semaphore(%arg13 : memref<!tpu.dma_semaphore, #tpu.memory_space<semaphore_mem>>) src(%dma_wait3A_187 : memref<80x128xf32, #tpu.memory_space<vmem>>) dst(%dma_wait3A_184 : memref<80x128xf32, #tpu.memory_space<vmem_shared>>)
    %mul3A_188 = arith.constant 640 : i32
    %mul3A_189 = arith.muli %arg1, %mul3A_188 : i32
    %add3A_190 = arith.constant 240 : i32
    %add3A_191 = arith.addi %mul3A_189, %add3A_190 : i32
    %dma_wait3A_192 = arith.constant 0 : i32
    %dma_wait3A_193 = arith.constant 0 : i32
    %dma_wait3A_194 = tpu.memref_slice %arg7[%dma_wait3A_192, %dma_wait3A_193] : memref<64x128xf32, #tpu.memory_space<vmem>> -> memref<80x128xf32, #tpu.memory_space<vmem>>
    %dma_wait3A_195 = arith.constant 0 : i32
    %dma_wait3A_196 = tpu.memref_slice %arg12[%add3A_191, %dma_wait3A_195] : memref<10240x128xf32, #tpu.memory_space<vmem_shared>> -> memref<80x128xf32, #tpu.memory_space<vmem_shared>>
    %dma_wait3A_197 = arith.constant 0 : i32
    %dma_wait3A_198 = tpu.memref_slice %arg12[%add3A_191, %dma_wait3A_197] : memref<10240x128xf32, #tpu.memory_space<vmem_shared>> -> memref<80x128xf32, #tpu.memory_space<vmem_shared>>
    %dma_wait3A_199 = arith.constant 0 : i32
    %dma_wait3A_200 = arith.constant 0 : i32
    %dma_wait3A_201 = tpu.memref_slice %arg7[%dma_wait3A_199, %dma_wait3A_200] : memref<64x128xf32, #tpu.memory_space<vmem>> -> memref<80x128xf32, #tpu.memory_space<vmem>>
    tpu.wait_dma2 semaphore(%arg13 : memref<!tpu.dma_semaphore, #tpu.memory_space<semaphore_mem>>) src(%dma_wait3A_201 : memref<80x128xf32, #tpu.memory_space<vmem>>) dst(%dma_wait3A_198 : memref<80x128xf32, #tpu.memory_space<vmem_shared>>)
    %mul3A_202 = arith.constant 640 : i32
    %mul3A_203 = arith.muli %arg1, %mul3A_202 : i32
    %add3A_204 = arith.constant 320 : i32
    %add3A_205 = arith.addi %mul3A_203, %add3A_204 : i32
    %dma_wait3A_206 = arith.constant 0 : i32
    %dma_wait3A_207 = arith.constant 0 : i32
    %dma_wait3A_208 = tpu.memref_slice %arg7[%dma_wait3A_206, %dma_wait3A_207] : memref<64x128xf32, #tpu.memory_space<vmem>> -> memref<80x128xf32, #tpu.memory_space<vmem>>
    %dma_wait3A_209 = arith.constant 0 : i32
    %dma_wait3A_210 = tpu.memref_slice %arg12[%add3A_205, %dma_wait3A_209] : memref<10240x128xf32, #tpu.memory_space<vmem_shared>> -> memref<80x128xf32, #tpu.memory_space<vmem_shared>>
    %dma_wait3A_211 = arith.constant 0 : i32
    %dma_wait3A_212 = tpu.memref_slice %arg12[%add3A_205, %dma_wait3A_211] : memref<10240x128xf32, #tpu.memory_space<vmem_shared>> -> memref<80x128xf32, #tpu.memory_space<vmem_shared>>
    %dma_wait3A_213 = arith.constant 0 : i32
    %dma_wait3A_214 = arith.constant 0 : i32
    %dma_wait3A_215 = tpu.memref_slice %arg7[%dma_wait3A_213, %dma_wait3A_214] : memref<64x128xf32, #tpu.memory_space<vmem>> -> memref<80x128xf32, #tpu.memory_space<vmem>>
    tpu.wait_dma2 semaphore(%arg13 : memref<!tpu.dma_semaphore, #tpu.memory_space<semaphore_mem>>) src(%dma_wait3A_215 : memref<80x128xf32, #tpu.memory_space<vmem>>) dst(%dma_wait3A_212 : memref<80x128xf32, #tpu.memory_space<vmem_shared>>)
    %mul3A_216 = arith.constant 640 : i32
    %mul3A_217 = arith.muli %arg1, %mul3A_216 : i32
    %add3A_218 = arith.constant 400 : i32
    %add3A_219 = arith.addi %mul3A_217, %add3A_218 : i32
    %dma_wait3A_220 = arith.constant 0 : i32
    %dma_wait3A_221 = arith.constant 0 : i32
    %dma_wait3A_222 = tpu.memref_slice %arg7[%dma_wait3A_220, %dma_wait3A_221] : memref<64x128xf32, #tpu.memory_space<vmem>> -> memref<80x128xf32, #tpu.memory_space<vmem>>
    %dma_wait3A_223 = arith.constant 0 : i32
    %dma_wait3A_224 = tpu.memref_slice %arg12[%add3A_219, %dma_wait3A_223] : memref<10240x128xf32, #tpu.memory_space<vmem_shared>> -> memref<80x128xf32, #tpu.memory_space<vmem_shared>>
    %dma_wait3A_225 = arith.constant 0 : i32
    %dma_wait3A_226 = tpu.memref_slice %arg12[%add3A_219, %dma_wait3A_225] : memref<10240x128xf32, #tpu.memory_space<vmem_shared>> -> memref<80x128xf32, #tpu.memory_space<vmem_shared>>
    %dma_wait3A_227 = arith.constant 0 : i32
    %dma_wait3A_228 = arith.constant 0 : i32
    %dma_wait3A_229 = tpu.memref_slice %arg7[%dma_wait3A_227, %dma_wait3A_228] : memref<64x128xf32, #tpu.memory_space<vmem>> -> memref<80x128xf32, #tpu.memory_space<vmem>>
    tpu.wait_dma2 semaphore(%arg13 : memref<!tpu.dma_semaphore, #tpu.memory_space<semaphore_mem>>) src(%dma_wait3A_229 : memref<80x128xf32, #tpu.memory_space<vmem>>) dst(%dma_wait3A_226 : memref<80x128xf32, #tpu.memory_space<vmem_shared>>)
    %mul3A_230 = arith.constant 640 : i32
    %mul3A_231 = arith.muli %arg1, %mul3A_230 : i32
    %add3A_232 = arith.constant 480 : i32
    %add3A_233 = arith.addi %mul3A_231, %add3A_232 : i32
    %dma_wait3A_234 = arith.constant 0 : i32
    %dma_wait3A_235 = arith.constant 0 : i32
    %dma_wait3A_236 = tpu.memref_slice %arg7[%dma_wait3A_234, %dma_wait3A_235] : memref<64x128xf32, #tpu.memory_space<vmem>> -> memref<80x128xf32, #tpu.memory_space<vmem>>
    %dma_wait3A_237 = arith.constant 0 : i32
    %dma_wait3A_238 = tpu.memref_slice %arg12[%add3A_233, %dma_wait3A_237] : memref<10240x128xf32, #tpu.memory_space<vmem_shared>> -> memref<80x128xf32, #tpu.memory_space<vmem_shared>>
    %dma_wait3A_239 = arith.constant 0 : i32
    %dma_wait3A_240 = tpu.memref_slice %arg12[%add3A_233, %dma_wait3A_239] : memref<10240x128xf32, #tpu.memory_space<vmem_shared>> -> memref<80x128xf32, #tpu.memory_space<vmem_shared>>
    %dma_wait3A_241 = arith.constant 0 : i32
    %dma_wait3A_242 = arith.constant 0 : i32
    %dma_wait3A_243 = tpu.memref_slice %arg7[%dma_wait3A_241, %dma_wait3A_242] : memref<64x128xf32, #tpu.memory_space<vmem>> -> memref<80x128xf32, #tpu.memory_space<vmem>>
    tpu.wait_dma2 semaphore(%arg13 : memref<!tpu.dma_semaphore, #tpu.memory_space<semaphore_mem>>) src(%dma_wait3A_243 : memref<80x128xf32, #tpu.memory_space<vmem>>) dst(%dma_wait3A_240 : memref<80x128xf32, #tpu.memory_space<vmem_shared>>)
    %mul3A_244 = arith.constant 640 : i32
    %mul3A_245 = arith.muli %arg1, %mul3A_244 : i32
    %add3A_246 = arith.constant 560 : i32
    %add3A_247 = arith.addi %mul3A_245, %add3A_246 : i32
    %dma_wait3A_248 = arith.constant 0 : i32
    %dma_wait3A_249 = arith.constant 0 : i32
    %dma_wait3A_250 = tpu.memref_slice %arg7[%dma_wait3A_248, %dma_wait3A_249] : memref<64x128xf32, #tpu.memory_space<vmem>> -> memref<80x128xf32, #tpu.memory_space<vmem>>
    %dma_wait3A_251 = arith.constant 0 : i32
    %dma_wait3A_252 = tpu.memref_slice %arg12[%add3A_247, %dma_wait3A_251] : memref<10240x128xf32, #tpu.memory_space<vmem_shared>> -> memref<80x128xf32, #tpu.memory_space<vmem_shared>>
    %dma_wait3A_253 = arith.constant 0 : i32
    %dma_wait3A_254 = tpu.memref_slice %arg12[%add3A_247, %dma_wait3A_253] : memref<10240x128xf32, #tpu.memory_space<vmem_shared>> -> memref<80x128xf32, #tpu.memory_space<vmem_shared>>
    %dma_wait3A_255 = arith.constant 0 : i32
    %dma_wait3A_256 = arith.constant 0 : i32
    %dma_wait3A_257 = tpu.memref_slice %arg7[%dma_wait3A_255, %dma_wait3A_256] : memref<64x128xf32, #tpu.memory_space<vmem>> -> memref<80x128xf32, #tpu.memory_space<vmem>>
    tpu.wait_dma2 semaphore(%arg13 : memref<!tpu.dma_semaphore, #tpu.memory_space<semaphore_mem>>) src(%dma_wait3A_257 : memref<80x128xf32, #tpu.memory_space<vmem>>) dst(%dma_wait3A_254 : memref<80x128xf32, #tpu.memory_space<vmem_shared>>)
    %barrier3A = arith.constant 0 : index
    tpu.barrier barrier_id(%barrier3A)
    %dma_wait3A_258 = arith.constant 0 : i32
    %dma_wait3A_259 = arith.constant 0 : i32
    %dma_wait3A_260 = arith.constant 0 : i32
    %dma_wait3A_261 = tpu.memref_slice %arg6[%dma_wait3A_258, %dma_wait3A_259, %dma_wait3A_260] : memref<2x2x512xi32, #tpu.memory_space<vmem>> -> memref<1x2x512xi32, #tpu.memory_space<vmem>>
    %dma_wait3A_262 = tpu.memref_squeeze %dma_wait3A_261 : memref<1x2x512xi32, #tpu.memory_space<vmem>> -> memref<2x512xi32, #tpu.memory_space<vmem>>
    %dma_wait3A_263 = arith.constant 0 : i32
    %dma_wait3A_264 = arith.constant 0 : i32
    %dma_wait3A_265 = tpu.memref_slice %arg3[%dma_wait3A_263, %dma_wait3A_264] : memref<2x320000xi32, #tpu.memory_space<hbm>> -> memref<2x512xi32, #tpu.memory_space<hbm>>
    %dma_wait3A_266 = arith.constant 0 : i32
    %dma_wait3A_267 = arith.constant 0 : i32
    %dma_wait3A_268 = tpu.memref_slice %arg6[%dma_wait3A_258, %dma_wait3A_266, %dma_wait3A_267] : memref<2x2x512xi32, #tpu.memory_space<vmem>> -> memref<1x2x512xi32, #tpu.memory_space<vmem>>
    %dma_wait3A_269 = tpu.memref_squeeze %dma_wait3A_268 : memref<1x2x512xi32, #tpu.memory_space<vmem>> -> memref<2x512xi32, #tpu.memory_space<vmem>>
    %dma_wait3A_270 = arith.constant 0 : i32
    %dma_wait3A_271 = arith.constant 0 : i32
    %dma_wait3A_272 = tpu.memref_slice %arg3[%dma_wait3A_270, %dma_wait3A_271] : memref<2x320000xi32, #tpu.memory_space<hbm>> -> memref<2x512xi32, #tpu.memory_space<hbm>>
    tpu.wait_dma2 semaphore(%arg17 : memref<!tpu.dma_semaphore, #tpu.memory_space<semaphore_mem>>) src(%dma_wait3A_272 : memref<2x512xi32, #tpu.memory_space<hbm>>) dst(%dma_wait3A_269 : memref<2x512xi32, #tpu.memory_space<vmem>>)
    %dma_start3A_273 = arith.constant 0 : i32
    %dma_start3A_274 = arith.constant 0 : i32
    %dma_start3A_275 = arith.constant 0 : i32
    %dma_start3A_276 = tpu.memref_slice %arg6[%dma_start3A_273, %dma_start3A_274, %dma_start3A_275] : memref<2x2x512xi32, #tpu.memory_space<vmem>> -> memref<1x1x64xi32, #tpu.memory_space<vmem>>
    %dma_start3A_277 = tpu.memref_squeeze %dma_start3A_276 : memref<1x1x64xi32, #tpu.memory_space<vmem>> -> memref<64xi32, #tpu.memory_space<vmem>>
    %dma_start3A_278 = arith.constant 0 : i32
    %dma_start3A_279 = arith.constant 0 : i32
    %dma_start3A_280 = tpu.memref_slice %arg2[%dma_start3A_278, %dma_start3A_279] : memref<10000x128xf32, #tpu.memory_space<hbm>> -> memref<10000x128xf32, #tpu.memory_space<hbm>>
    tpu.enqueue_indirect_dma source(%dma_start3A_280 : memref<10000x128xf32, #tpu.memory_space<hbm>>) target(%arg7 : memref<64x128xf32, #tpu.memory_space<vmem>>) offsets(%dma_start3A_277 : memref<64xi32, #tpu.memory_space<vmem>>) semaphore(%arg13 : memref<!tpu.dma_semaphore, #tpu.memory_space<semaphore_mem>>)
    %dma_start3A_281 = arith.constant 0 : i32
    %dma_start3A_282 = arith.constant 0 : i32
    %dma_start3A_283 = arith.constant 64 : i32
    %dma_start3A_284 = tpu.memref_slice %arg6[%dma_start3A_281, %dma_start3A_282, %dma_start3A_283] : memref<2x2x512xi32, #tpu.memory_space<vmem>> -> memref<1x1x64xi32, #tpu.memory_space<vmem>>
    %dma_start3A_285 = tpu.memref_squeeze %dma_start3A_284 : memref<1x1x64xi32, #tpu.memory_space<vmem>> -> memref<64xi32, #tpu.memory_space<vmem>>
    %dma_start3A_286 = arith.constant 0 : i32
    %dma_start3A_287 = arith.constant 0 : i32
    %dma_start3A_288 = tpu.memref_slice %arg2[%dma_start3A_286, %dma_start3A_287] : memref<10000x128xf32, #tpu.memory_space<hbm>> -> memref<10000x128xf32, #tpu.memory_space<hbm>>
    tpu.enqueue_indirect_dma source(%dma_start3A_288 : memref<10000x128xf32, #tpu.memory_space<hbm>>) target(%arg8 : memref<64x128xf32, #tpu.memory_space<vmem>>) offsets(%dma_start3A_285 : memref<64xi32, #tpu.memory_space<vmem>>) semaphore(%arg14 : memref<!tpu.dma_semaphore, #tpu.memory_space<semaphore_mem>>)
    %dma_start3A_289 = arith.constant 0 : i32
    %dma_start3A_290 = arith.constant 0 : i32
    %dma_start3A_291 = arith.constant 128 : i32
    %dma_start3A_292 = tpu.memref_slice %arg6[%dma_start3A_289, %dma_start3A_290, %dma_start3A_291] : memref<2x2x512xi32, #tpu.memory_space<vmem>> -> memref<1x1x64xi32, #tpu.memory_space<vmem>>
    %dma_start3A_293 = tpu.memref_squeeze %dma_start3A_292 : memref<1x1x64xi32, #tpu.memory_space<vmem>> -> memref<64xi32, #tpu.memory_space<vmem>>
    %dma_start3A_294 = arith.constant 0 : i32
    %dma_start3A_295 = arith.constant 0 : i32
    %dma_start3A_296 = tpu.memref_slice %arg2[%dma_start3A_294, %dma_start3A_295] : memref<10000x128xf32, #tpu.memory_space<hbm>> -> memref<10000x128xf32, #tpu.memory_space<hbm>>
    tpu.enqueue_indirect_dma source(%dma_start3A_296 : memref<10000x128xf32, #tpu.memory_space<hbm>>) target(%arg9 : memref<64x128xf32, #tpu.memory_space<vmem>>) offsets(%dma_start3A_293 : memref<64xi32, #tpu.memory_space<vmem>>) semaphore(%arg15 : memref<!tpu.dma_semaphore, #tpu.memory_space<semaphore_mem>>)
    %scan3A_297 = arith.constant 0 : i32
    %scan3A_298 = arith.constant 0 : i32
    %scan3A_299 = arith.constant 10 : i32
    %scan3A_300 = arith.addi %scan3A_298, %scan3A_299 : i32
    %scan3A_301 = arith.constant 1 : i32
    %scan3A_302 = scf.for %scan3A_343 = %scan3A_298 to %scan3A_300 step %scan3A_301 iter_args(%scan3A_344 = %scan3A_297) -> (i32)  : i32 {
      %mul3A_345 = arith.constant 2 : i32
      %mul3A_346 = arith.muli %mul3A_345, %scan3A_343 : i32
      %add3A_347 = arith.constant 0 : i32
      %add3A_348 = arith.addi %mul3A_346, %add3A_347 : i32
      %add3A_349 = arith.constant 1 : i32
      %add3A_350 = arith.addi %add3A_348, %add3A_349 : i32
      %lt3A = arith.cmpi slt, %add3A_350, %select_n3A : i32
      %convert_element_type3A = arith.extui %lt3A : i1 to i32
      %cond3A = arith.constant 0 : i32
      %cond3A_351 = arith.cmpi ne, %convert_element_type3A, %cond3A : i32
      scf.if %cond3A_351 {
        %add3A_491 = arith.constant 1 : i32
        %add3A_492 = arith.addi %add3A_348, %add3A_491 : i32
        %mul3A_493 = arith.constant 8 : i32
        %mul3A_494 = arith.muli %add3A_492, %mul3A_493 : i32
        %mul3A_495 = arith.constant 64 : i32
        %mul3A_496 = arith.muli %mul3A_494, %mul3A_495 : i32
        %add3A_497 = arith.addi %mul3A_2, %mul3A_496 : i32
        %dma_start3A_498 = arith.constant 1 : i32
        %dma_start3A_499 = arith.constant 0 : i32
        %dma_start3A_500 = arith.constant 0 : i32
        %dma_start3A_501 = tpu.memref_slice %arg6[%dma_start3A_498, %dma_start3A_499, %dma_start3A_500] : memref<2x2x512xi32, #tpu.memory_space<vmem>> -> memref<1x2x512xi32, #tpu.memory_space<vmem>>
        %dma_start3A_502 = tpu.memref_squeeze %dma_start3A_501 : memref<1x2x512xi32, #tpu.memory_space<vmem>> -> memref<2x512xi32, #tpu.memory_space<vmem>>
        %dma_start3A_503 = arith.constant 0 : i32
        %dma_start3A_504 = tpu.memref_slice %arg3[%dma_start3A_503, %add3A_497] : memref<2x320000xi32, #tpu.memory_space<hbm>> -> memref<2x512xi32, #tpu.memory_space<hbm>>
        %dma_start3A_505 = arith.constant 0 : i32
        %dma_start3A_506 = arith.constant 0 : i32
        %dma_start3A_507 = tpu.memref_slice %arg6[%dma_start3A_498, %dma_start3A_505, %dma_start3A_506] : memref<2x2x512xi32, #tpu.memory_space<vmem>> -> memref<1x2x512xi32, #tpu.memory_space<vmem>>
        %dma_start3A_508 = tpu.memref_squeeze %dma_start3A_507 : memref<1x2x512xi32, #tpu.memory_space<vmem>> -> memref<2x512xi32, #tpu.memory_space<vmem>>
        %dma_start3A_509 = arith.constant 0 : i32
        %dma_start3A_510 = tpu.memref_slice %arg3[%dma_start3A_509, %add3A_497] : memref<2x320000xi32, #tpu.memory_space<hbm>> -> memref<2x512xi32, #tpu.memory_space<hbm>>
        tpu.enqueue_dma source(%dma_start3A_510 : memref<2x512xi32, #tpu.memory_space<hbm>>) target(%dma_start3A_508 : memref<2x512xi32, #tpu.memory_space<vmem>>) target_semaphore(%arg18 : memref<!tpu.dma_semaphore, #tpu.memory_space<semaphore_mem>>)
      } else {
      }
      %mul3A_352 = arith.constant 8 : i32
      %mul3A_353 = arith.muli %add3A_348, %mul3A_352 : i32
      %add3A_354 = arith.constant 0 : i32
      %add3A_355 = arith.addi %mul3A_353, %add3A_354 : i32
      %lt3A_356 = arith.cmpi slt, %add3A_348, %select_n3A : i32
      %convert_element_type3A_357 = arith.extui %lt3A_356 : i1 to i32
      %cond3A_358 = arith.constant 0 : i32
      %cond3A_359 = arith.cmpi ne, %convert_element_type3A_357, %cond3A_358 : i32
      scf.if %cond3A_359 {
        %ge3A = arith.constant 1 : i32
        %ge3A_491 = arith.cmpi sge, %add3A_355, %ge3A : i32
        %convert_element_type3A_492 = arith.extui %ge3A_491 : i1 to i32
        %cond3A_493 = arith.constant 0 : i32
        %cond3A_494 = arith.cmpi ne, %convert_element_type3A_492, %cond3A_493 : i32
        scf.if %cond3A_494 {
          %dma_wait3A_542 = arith.constant 0 : i32
          %dma_wait3A_543 = arith.constant 1 : i32
          %dma_wait3A_544 = arith.constant 0 : i32
          %dma_wait3A_545 = tpu.memref_slice %arg6[%dma_wait3A_542, %dma_wait3A_543, %dma_wait3A_544] : memref<2x2x512xi32, #tpu.memory_space<vmem>> -> memref<1x1x64xi32, #tpu.memory_space<vmem>>
          %dma_wait3A_546 = tpu.memref_squeeze %dma_wait3A_545 : memref<1x1x64xi32, #tpu.memory_space<vmem>> -> memref<64xi32, #tpu.memory_space<vmem>>
          %dma_wait3A_547 = arith.constant 0 : i32
          %dma_wait3A_548 = arith.constant 0 : i32
          %dma_wait3A_549 = tpu.memref_slice %arg12[%dma_wait3A_547, %dma_wait3A_548] : memref<10240x128xf32, #tpu.memory_space<vmem_shared>> -> memref<10240x128xf32, #tpu.memory_space<vmem_shared>>
          tpu.wait_indirect_dma semaphore(%arg22 : memref<!tpu.dma_semaphore, #tpu.memory_space<semaphore_mem>>) src(%arg10 : memref<64x128xf32, #tpu.memory_space<vmem>>) dst(%dma_wait3A_549 : memref<10240x128xf32, #tpu.memory_space<vmem_shared>>)
        } else {
        }
        %add3A_495 = arith.constant 3 : i32
        %add3A_496 = arith.addi %add3A_355, %add3A_495 : i32
        %mul3A_497 = arith.constant 8 : i32
        %mul3A_498 = arith.muli %select_n3A, %mul3A_497 : i32
        %lt3A_499 = arith.cmpi slt, %add3A_496, %mul3A_498 : i32
        %convert_element_type3A_500 = arith.extui %lt3A_499 : i1 to i32
        %cond3A_501 = arith.constant 0 : i32
        %cond3A_502 = arith.cmpi ne, %convert_element_type3A_500, %cond3A_501 : i32
        scf.if %cond3A_502 {
          %dma_start3A_542 = arith.constant 0 : i32
          %dma_start3A_543 = arith.constant 0 : i32
          %dma_start3A_544 = arith.constant 192 : i32
          %dma_start3A_545 = tpu.memref_slice %arg6[%dma_start3A_542, %dma_start3A_543, %dma_start3A_544] : memref<2x2x512xi32, #tpu.memory_space<vmem>> -> memref<1x1x64xi32, #tpu.memory_space<vmem>>
          %dma_start3A_546 = tpu.memref_squeeze %dma_start3A_545 : memref<1x1x64xi32, #tpu.memory_space<vmem>> -> memref<64xi32, #tpu.memory_space<vmem>>
          %dma_start3A_547 = arith.constant 0 : i32
          %dma_start3A_548 = arith.constant 0 : i32
          %dma_start3A_549 = tpu.memref_slice %arg2[%dma_start3A_547, %dma_start3A_548] : memref<10000x128xf32, #tpu.memory_space<hbm>> -> memref<10000x128xf32, #tpu.memory_space<hbm>>
          tpu.enqueue_indirect_dma source(%dma_start3A_549 : memref<10000x128xf32, #tpu.memory_space<hbm>>) target(%arg10 : memref<64x128xf32, #tpu.memory_space<vmem>>) offsets(%dma_start3A_546 : memref<64xi32, #tpu.memory_space<vmem>>) semaphore(%arg16 : memref<!tpu.dma_semaphore, #tpu.memory_space<semaphore_mem>>)
        } else {
        }
        %get3A = arith.constant 0 : i32
        %get3A_503 = arith.constant 1 : i32
        %get3A_504 = arith.index_cast %get3A : i32 to index
        %get3A_505 = arith.index_cast %get3A_503 : i32 to index
        %get3A_506 = arith.constant 0 : index
        %get3A_507 = tpu.vector_load %arg6[%get3A_504, %get3A_505, %get3A_506] {strides = array<i32>} : memref<2x2x512xi32, #tpu.memory_space<vmem>>, vector<16xi32>,
        tpu.vector_store_idx %arg11[%get3A_507], %broadcast_in_dim3A_21 {add = true} : memref<10240xf32, #tpu.memory_space<vmem>>[vector<16xi32>], vector<16xf32>,
        %get3A_508 = arith.constant 0 : i32
        %get3A_509 = arith.constant 1 : i32
        %get3A_510 = arith.index_cast %get3A_508 : i32 to index
        %get3A_511 = arith.index_cast %get3A_509 : i32 to index
        %get3A_512 = arith.constant 16 : index
        %get3A_513 = tpu.vector_load %arg6[%get3A_510, %get3A_511, %get3A_512] {strides = array<i32>} : memref<2x2x512xi32, #tpu.memory_space<vmem>>, vector<16xi32>,
        tpu.vector_store_idx %arg11[%get3A_513], %broadcast_in_dim3A_21 {add = true} : memref<10240xf32, #tpu.memory_space<vmem>>[vector<16xi32>], vector<16xf32>,
        %get3A_514 = arith.constant 0 : i32
        %get3A_515 = arith.constant 1 : i32
        %get3A_516 = arith.index_cast %get3A_514 : i32 to index
        %get3A_517 = arith.index_cast %get3A_515 : i32 to index
        %get3A_518 = arith.constant 32 : index
        %get3A_519 = tpu.vector_load %arg6[%get3A_516, %get3A_517, %get3A_518] {strides = array<i32>} : memref<2x2x512xi32, #tpu.memory_space<vmem>>, vector<16xi32>,
        tpu.vector_store_idx %arg11[%get3A_519], %broadcast_in_dim3A_21 {add = true} : memref<10240xf32, #tpu.memory_space<vmem>>[vector<16xi32>], vector<16xf32>,
        %get3A_520 = arith.constant 0 : i32
        %get3A_521 = arith.constant 1 : i32
        %get3A_522 = arith.index_cast %get3A_520 : i32 to index
        %get3A_523 = arith.index_cast %get3A_521 : i32 to index
        %get3A_524 = arith.constant 48 : index
        %get3A_525 = tpu.vector_load %arg6[%get3A_522, %get3A_523, %get3A_524] {strides = array<i32>} : memref<2x2x512xi32, #tpu.memory_space<vmem>>, vector<16xi32>,
        tpu.vector_store_idx %arg11[%get3A_525], %broadcast_in_dim3A_21 {add = true} : memref<10240xf32, #tpu.memory_space<vmem>>[vector<16xi32>], vector<16xf32>,
        %dma_wait3A_526 = arith.constant 0 : i32
        %dma_wait3A_527 = arith.constant 0 : i32
        %dma_wait3A_528 = arith.constant 0 : i32
        %dma_wait3A_529 = tpu.memref_slice %arg6[%dma_wait3A_526, %dma_wait3A_527, %dma_wait3A_528] : memref<2x2x512xi32, #tpu.memory_space<vmem>> -> memref<1x1x64xi32, #tpu.memory_space<vmem>>
        %dma_wait3A_530 = tpu.memref_squeeze %dma_wait3A_529 : memref<1x1x64xi32, #tpu.memory_space<vmem>> -> memref<64xi32, #tpu.memory_space<vmem>>
        %dma_wait3A_531 = arith.constant 0 : i32
        %dma_wait3A_532 = arith.constant 0 : i32
        %dma_wait3A_533 = tpu.memref_slice %arg2[%dma_wait3A_531, %dma_wait3A_532] : memref<10000x128xf32, #tpu.memory_space<hbm>> -> memref<10000x128xf32, #tpu.memory_space<hbm>>
        tpu.wait_indirect_dma semaphore(%arg13 : memref<!tpu.dma_semaphore, #tpu.memory_space<semaphore_mem>>) src(%dma_wait3A_533 : memref<10000x128xf32, #tpu.memory_space<hbm>>) dst(%arg7 : memref<64x128xf32, #tpu.memory_space<vmem>>)
        %dma_start3A_534 = arith.constant 0 : i32
        %dma_start3A_535 = arith.constant 1 : i32
        %dma_start3A_536 = arith.constant 0 : i32
        %dma_start3A_537 = tpu.memref_slice %arg6[%dma_start3A_534, %dma_start3A_535, %dma_start3A_536] : memref<2x2x512xi32, #tpu.memory_space<vmem>> -> memref<1x1x64xi32, #tpu.memory_space<vmem>>
        %dma_start3A_538 = tpu.memref_squeeze %dma_start3A_537 : memref<1x1x64xi32, #tpu.memory_space<vmem>> -> memref<64xi32, #tpu.memory_space<vmem>>
        %dma_start3A_539 = arith.constant 0 : i32
        %dma_start3A_540 = arith.constant 0 : i32
        %dma_start3A_541 = tpu.memref_slice %arg12[%dma_start3A_539, %dma_start3A_540] : memref<10240x128xf32, #tpu.memory_space<vmem_shared>> -> memref<10240x128xf32, #tpu.memory_space<vmem_shared>>
        tpu.enqueue_indirect_dma source(%arg7 : memref<64x128xf32, #tpu.memory_space<vmem>>) target(%dma_start3A_541 : memref<10240x128xf32, #tpu.memory_space<vmem_shared>>) offsets(%dma_start3A_538 : memref<64xi32, #tpu.memory_space<vmem>>) semaphore(%arg19 : memref<!tpu.dma_semaphore, #tpu.memory_space<semaphore_mem>>) {add = true}
      } else {
      }
      %mul3A_360 = arith.constant 8 : i32
      %mul3A_361 = arith.muli %add3A_348, %mul3A_360 : i32
      %add3A_362 = arith.constant 1 : i32
      %add3A_363 = arith.addi %mul3A_361, %add3A_362 : i32
      %lt3A_364 = arith.cmpi slt, %add3A_348, %select_n3A : i32
      %convert_element_type3A_365 = arith.extui %lt3A_364 : i1 to i32
      %cond3A_366 = arith.constant 0 : i32
      %cond3A_367 = arith.cmpi ne, %convert_element_type3A_365, %cond3A_366 : i32
      scf.if %cond3A_367 {
        %ge3A = arith.constant 1 : i32
        %ge3A_491 = arith.cmpi sge, %add3A_363, %ge3A : i32
        %convert_element_type3A_492 = arith.extui %ge3A_491 : i1 to i32
        %cond3A_493 = arith.constant 0 : i32
        %cond3A_494 = arith.cmpi ne, %convert_element_type3A_492, %cond3A_493 : i32
        scf.if %cond3A_494 {
          %dma_wait3A_542 = arith.constant 0 : i32
          %dma_wait3A_543 = arith.constant 1 : i32
          %dma_wait3A_544 = arith.constant 0 : i32
          %dma_wait3A_545 = tpu.memref_slice %arg6[%dma_wait3A_542, %dma_wait3A_543, %dma_wait3A_544] : memref<2x2x512xi32, #tpu.memory_space<vmem>> -> memref<1x1x64xi32, #tpu.memory_space<vmem>>
          %dma_wait3A_546 = tpu.memref_squeeze %dma_wait3A_545 : memref<1x1x64xi32, #tpu.memory_space<vmem>> -> memref<64xi32, #tpu.memory_space<vmem>>
          %dma_wait3A_547 = arith.constant 0 : i32
          %dma_wait3A_548 = arith.constant 0 : i32
          %dma_wait3A_549 = tpu.memref_slice %arg12[%dma_wait3A_547, %dma_wait3A_548] : memref<10240x128xf32, #tpu.memory_space<vmem_shared>> -> memref<10240x128xf32, #tpu.memory_space<vmem_shared>>
          tpu.wait_indirect_dma semaphore(%arg19 : memref<!tpu.dma_semaphore, #tpu.memory_space<semaphore_mem>>) src(%arg7 : memref<64x128xf32, #tpu.memory_space<vmem>>) dst(%dma_wait3A_549 : memref<10240x128xf32, #tpu.memory_space<vmem_shared>>)
        } else {
        }
        %add3A_495 = arith.constant 3 : i32
        %add3A_496 = arith.addi %add3A_363, %add3A_495 : i32
        %mul3A_497 = arith.constant 8 : i32
        %mul3A_498 = arith.muli %select_n3A, %mul3A_497 : i32
        %lt3A_499 = arith.cmpi slt, %add3A_496, %mul3A_498 : i32
        %convert_element_type3A_500 = arith.extui %lt3A_499 : i1 to i32
        %cond3A_501 = arith.constant 0 : i32
        %cond3A_502 = arith.cmpi ne, %convert_element_type3A_500, %cond3A_501 : i32
        scf.if %cond3A_502 {
          %dma_start3A_542 = arith.constant 0 : i32
          %dma_start3A_543 = arith.constant 0 : i32
          %dma_start3A_544 = arith.constant 256 : i32
          %dma_start3A_545 = tpu.memref_slice %arg6[%dma_start3A_542, %dma_start3A_543, %dma_start3A_544] : memref<2x2x512xi32, #tpu.memory_space<vmem>> -> memref<1x1x64xi32, #tpu.memory_space<vmem>>
          %dma_start3A_546 = tpu.memref_squeeze %dma_start3A_545 : memref<1x1x64xi32, #tpu.memory_space<vmem>> -> memref<64xi32, #tpu.memory_space<vmem>>
          %dma_start3A_547 = arith.constant 0 : i32
          %dma_start3A_548 = arith.constant 0 : i32
          %dma_start3A_549 = tpu.memref_slice %arg2[%dma_start3A_547, %dma_start3A_548] : memref<10000x128xf32, #tpu.memory_space<hbm>> -> memref<10000x128xf32, #tpu.memory_space<hbm>>
          tpu.enqueue_indirect_dma source(%dma_start3A_549 : memref<10000x128xf32, #tpu.memory_space<hbm>>) target(%arg7 : memref<64x128xf32, #tpu.memory_space<vmem>>) offsets(%dma_start3A_546 : memref<64xi32, #tpu.memory_space<vmem>>) semaphore(%arg13 : memref<!tpu.dma_semaphore, #tpu.memory_space<semaphore_mem>>)
        } else {
        }
        %get3A = arith.constant 0 : i32
        %get3A_503 = arith.constant 1 : i32
        %get3A_504 = arith.index_cast %get3A : i32 to index
        %get3A_505 = arith.index_cast %get3A_503 : i32 to index
        %get3A_506 = arith.constant 64 : index
        %get3A_507 = tpu.vector_load %arg6[%get3A_504, %get3A_505, %get3A_506] {strides = array<i32>} : memref<2x2x512xi32, #tpu.memory_space<vmem>>, vector<16xi32>,
        tpu.vector_store_idx %arg11[%get3A_507], %broadcast_in_dim3A_21 {add = true} : memref<10240xf32, #tpu.memory_space<vmem>>[vector<16xi32>], vector<16xf32>,
        %get3A_508 = arith.constant 0 : i32
        %get3A_509 = arith.constant 1 : i32
        %get3A_510 = arith.index_cast %get3A_508 : i32 to index
        %get3A_511 = arith.index_cast %get3A_509 : i32 to index
        %get3A_512 = arith.constant 80 : index
        %get3A_513 = tpu.vector_load %arg6[%get3A_510, %get3A_511, %get3A_512] {strides = array<i32>} : memref<2x2x512xi32, #tpu.memory_space<vmem>>, vector<16xi32>,
        tpu.vector_store_idx %arg11[%get3A_513], %broadcast_in_dim3A_21 {add = true} : memref<10240xf32, #tpu.memory_space<vmem>>[vector<16xi32>], vector<16xf32>,
        %get3A_514 = arith.constant 0 : i32
        %get3A_515 = arith.constant 1 : i32
        %get3A_516 = arith.index_cast %get3A_514 : i32 to index
        %get3A_517 = arith.index_cast %get3A_515 : i32 to index
        %get3A_518 = arith.constant 96 : index
        %get3A_519 = tpu.vector_load %arg6[%get3A_516, %get3A_517, %get3A_518] {strides = array<i32>} : memref<2x2x512xi32, #tpu.memory_space<vmem>>, vector<16xi32>,
        tpu.vector_store_idx %arg11[%get3A_519], %broadcast_in_dim3A_21 {add = true} : memref<10240xf32, #tpu.memory_space<vmem>>[vector<16xi32>], vector<16xf32>,
        %get3A_520 = arith.constant 0 : i32
        %get3A_521 = arith.constant 1 : i32
        %get3A_522 = arith.index_cast %get3A_520 : i32 to index
        %get3A_523 = arith.index_cast %get3A_521 : i32 to index
        %get3A_524 = arith.constant 112 : index
        %get3A_525 = tpu.vector_load %arg6[%get3A_522, %get3A_523, %get3A_524] {strides = array<i32>} : memref<2x2x512xi32, #tpu.memory_space<vmem>>, vector<16xi32>,
        tpu.vector_store_idx %arg11[%get3A_525], %broadcast_in_dim3A_21 {add = true} : memref<10240xf32, #tpu.memory_space<vmem>>[vector<16xi32>], vector<16xf32>,
        %dma_wait3A_526 = arith.constant 0 : i32
        %dma_wait3A_527 = arith.constant 0 : i32
        %dma_wait3A_528 = arith.constant 64 : i32
        %dma_wait3A_529 = tpu.memref_slice %arg6[%dma_wait3A_526, %dma_wait3A_527, %dma_wait3A_528] : memref<2x2x512xi32, #tpu.memory_space<vmem>> -> memref<1x1x64xi32, #tpu.memory_space<vmem>>
        %dma_wait3A_530 = tpu.memref_squeeze %dma_wait3A_529 : memref<1x1x64xi32, #tpu.memory_space<vmem>> -> memref<64xi32, #tpu.memory_space<vmem>>
        %dma_wait3A_531 = arith.constant 0 : i32
        %dma_wait3A_532 = arith.constant 0 : i32
        %dma_wait3A_533 = tpu.memref_slice %arg2[%dma_wait3A_531, %dma_wait3A_532] : memref<10000x128xf32, #tpu.memory_space<hbm>> -> memref<10000x128xf32, #tpu.memory_space<hbm>>
        tpu.wait_indirect_dma semaphore(%arg14 : memref<!tpu.dma_semaphore, #tpu.memory_space<semaphore_mem>>) src(%dma_wait3A_533 : memref<10000x128xf32, #tpu.memory_space<hbm>>) dst(%arg8 : memref<64x128xf32, #tpu.memory_space<vmem>>)
        %dma_start3A_534 = arith.constant 0 : i32
        %dma_start3A_535 = arith.constant 1 : i32
        %dma_start3A_536 = arith.constant 64 : i32
        %dma_start3A_537 = tpu.memref_slice %arg6[%dma_start3A_534, %dma_start3A_535, %dma_start3A_536] : memref<2x2x512xi32, #tpu.memory_space<vmem>> -> memref<1x1x64xi32, #tpu.memory_space<vmem>>
        %dma_start3A_538 = tpu.memref_squeeze %dma_start3A_537 : memref<1x1x64xi32, #tpu.memory_space<vmem>> -> memref<64xi32, #tpu.memory_space<vmem>>
        %dma_start3A_539 = arith.constant 0 : i32
        %dma_start3A_540 = arith.constant 0 : i32
        %dma_start3A_541 = tpu.memref_slice %arg12[%dma_start3A_539, %dma_start3A_540] : memref<10240x128xf32, #tpu.memory_space<vmem_shared>> -> memref<10240x128xf32, #tpu.memory_space<vmem_shared>>
        tpu.enqueue_indirect_dma source(%arg8 : memref<64x128xf32, #tpu.memory_space<vmem>>) target(%dma_start3A_541 : memref<10240x128xf32, #tpu.memory_space<vmem_shared>>) offsets(%dma_start3A_538 : memref<64xi32, #tpu.memory_space<vmem>>) semaphore(%arg20 : memref<!tpu.dma_semaphore, #tpu.memory_space<semaphore_mem>>) {add = true}
      } else {
      }
      %mul3A_368 = arith.constant 8 : i32
      %mul3A_369 = arith.muli %add3A_348, %mul3A_368 : i32
      %add3A_370 = arith.constant 2 : i32
      %add3A_371 = arith.addi %mul3A_369, %add3A_370 : i32
      %lt3A_372 = arith.cmpi slt, %add3A_348, %select_n3A : i32
      %convert_element_type3A_373 = arith.extui %lt3A_372 : i1 to i32
      %cond3A_374 = arith.constant 0 : i32
      %cond3A_375 = arith.cmpi ne, %convert_element_type3A_373, %cond3A_374 : i32
      scf.if %cond3A_375 {
        %ge3A = arith.constant 1 : i32
        %ge3A_491 = arith.cmpi sge, %add3A_371, %ge3A : i32
        %convert_element_type3A_492 = arith.extui %ge3A_491 : i1 to i32
        %cond3A_493 = arith.constant 0 : i32
        %cond3A_494 = arith.cmpi ne, %convert_element_type3A_492, %cond3A_493 : i32
        scf.if %cond3A_494 {
          %dma_wait3A_542 = arith.constant 0 : i32
          %dma_wait3A_543 = arith.constant 1 : i32
          %dma_wait3A_544 = arith.constant 0 : i32
          %dma_wait3A_545 = tpu.memref_slice %arg6[%dma_wait3A_542, %dma_wait3A_543, %dma_wait3A_544] : memref<2x2x512xi32, #tpu.memory_space<vmem>> -> memref<1x1x64xi32, #tpu.memory_space<vmem>>
          %dma_wait3A_546 = tpu.memref_squeeze %dma_wait3A_545 : memref<1x1x64xi32, #tpu.memory_space<vmem>> -> memref<64xi32, #tpu.memory_space<vmem>>
          %dma_wait3A_547 = arith.constant 0 : i32
          %dma_wait3A_548 = arith.constant 0 : i32
          %dma_wait3A_549 = tpu.memref_slice %arg12[%dma_wait3A_547, %dma_wait3A_548] : memref<10240x128xf32, #tpu.memory_space<vmem_shared>> -> memref<10240x128xf32, #tpu.memory_space<vmem_shared>>
          tpu.wait_indirect_dma semaphore(%arg20 : memref<!tpu.dma_semaphore, #tpu.memory_space<semaphore_mem>>) src(%arg8 : memref<64x128xf32, #tpu.memory_space<vmem>>) dst(%dma_wait3A_549 : memref<10240x128xf32, #tpu.memory_space<vmem_shared>>)
        } else {
        }
        %add3A_495 = arith.constant 3 : i32
        %add3A_496 = arith.addi %add3A_371, %add3A_495 : i32
        %mul3A_497 = arith.constant 8 : i32
        %mul3A_498 = arith.muli %select_n3A, %mul3A_497 : i32
        %lt3A_499 = arith.cmpi slt, %add3A_496, %mul3A_498 : i32
        %convert_element_type3A_500 = arith.extui %lt3A_499 : i1 to i32
        %cond3A_501 = arith.constant 0 : i32
        %cond3A_502 = arith.cmpi ne, %convert_element_type3A_500, %cond3A_501 : i32
        scf.if %cond3A_502 {
          %dma_start3A_542 = arith.constant 0 : i32
          %dma_start3A_543 = arith.constant 0 : i32
          %dma_start3A_544 = arith.constant 320 : i32
          %dma_start3A_545 = tpu.memref_slice %arg6[%dma_start3A_542, %dma_start3A_543, %dma_start3A_544] : memref<2x2x512xi32, #tpu.memory_space<vmem>> -> memref<1x1x64xi32, #tpu.memory_space<vmem>>
          %dma_start3A_546 = tpu.memref_squeeze %dma_start3A_545 : memref<1x1x64xi32, #tpu.memory_space<vmem>> -> memref<64xi32, #tpu.memory_space<vmem>>
          %dma_start3A_547 = arith.constant 0 : i32
          %dma_start3A_548 = arith.constant 0 : i32
          %dma_start3A_549 = tpu.memref_slice %arg2[%dma_start3A_547, %dma_start3A_548] : memref<10000x128xf32, #tpu.memory_space<hbm>> -> memref<10000x128xf32, #tpu.memory_space<hbm>>
          tpu.enqueue_indirect_dma source(%dma_start3A_549 : memref<10000x128xf32, #tpu.memory_space<hbm>>) target(%arg8 : memref<64x128xf32, #tpu.memory_space<vmem>>) offsets(%dma_start3A_546 : memref<64xi32, #tpu.memory_space<vmem>>) semaphore(%arg14 : memref<!tpu.dma_semaphore, #tpu.memory_space<semaphore_mem>>)
        } else {
        }
        %get3A = arith.constant 0 : i32
        %get3A_503 = arith.constant 1 : i32
        %get3A_504 = arith.index_cast %get3A : i32 to index
        %get3A_505 = arith.index_cast %get3A_503 : i32 to index
        %get3A_506 = arith.constant 128 : index
        %get3A_507 = tpu.vector_load %arg6[%get3A_504, %get3A_505, %get3A_506] {strides = array<i32>} : memref<2x2x512xi32, #tpu.memory_space<vmem>>, vector<16xi32>,
        tpu.vector_store_idx %arg11[%get3A_507], %broadcast_in_dim3A_21 {add = true} : memref<10240xf32, #tpu.memory_space<vmem>>[vector<16xi32>], vector<16xf32>,
        %get3A_508 = arith.constant 0 : i32
        %get3A_509 = arith.constant 1 : i32
        %get3A_510 = arith.index_cast %get3A_508 : i32 to index
        %get3A_511 = arith.index_cast %get3A_509 : i32 to index
        %get3A_512 = arith.constant 144 : index
        %get3A_513 = tpu.vector_load %arg6[%get3A_510, %get3A_511, %get3A_512] {strides = array<i32>} : memref<2x2x512xi32, #tpu.memory_space<vmem>>, vector<16xi32>,
        tpu.vector_store_idx %arg11[%get3A_513], %broadcast_in_dim3A_21 {add = true} : memref<10240xf32, #tpu.memory_space<vmem>>[vector<16xi32>], vector<16xf32>,
        %get3A_514 = arith.constant 0 : i32
        %get3A_515 = arith.constant 1 : i32
        %get3A_516 = arith.index_cast %get3A_514 : i32 to index
        %get3A_517 = arith.index_cast %get3A_515 : i32 to index
        %get3A_518 = arith.constant 160 : index
        %get3A_519 = tpu.vector_load %arg6[%get3A_516, %get3A_517, %get3A_518] {strides = array<i32>} : memref<2x2x512xi32, #tpu.memory_space<vmem>>, vector<16xi32>,
        tpu.vector_store_idx %arg11[%get3A_519], %broadcast_in_dim3A_21 {add = true} : memref<10240xf32, #tpu.memory_space<vmem>>[vector<16xi32>], vector<16xf32>,
        %get3A_520 = arith.constant 0 : i32
        %get3A_521 = arith.constant 1 : i32
        %get3A_522 = arith.index_cast %get3A_520 : i32 to index
        %get3A_523 = arith.index_cast %get3A_521 : i32 to index
        %get3A_524 = arith.constant 176 : index
        %get3A_525 = tpu.vector_load %arg6[%get3A_522, %get3A_523, %get3A_524] {strides = array<i32>} : memref<2x2x512xi32, #tpu.memory_space<vmem>>, vector<16xi32>,
        tpu.vector_store_idx %arg11[%get3A_525], %broadcast_in_dim3A_21 {add = true} : memref<10240xf32, #tpu.memory_space<vmem>>[vector<16xi32>], vector<16xf32>,
        %dma_wait3A_526 = arith.constant 0 : i32
        %dma_wait3A_527 = arith.constant 0 : i32
        %dma_wait3A_528 = arith.constant 128 : i32
        %dma_wait3A_529 = tpu.memref_slice %arg6[%dma_wait3A_526, %dma_wait3A_527, %dma_wait3A_528] : memref<2x2x512xi32, #tpu.memory_space<vmem>> -> memref<1x1x64xi32, #tpu.memory_space<vmem>>
        %dma_wait3A_530 = tpu.memref_squeeze %dma_wait3A_529 : memref<1x1x64xi32, #tpu.memory_space<vmem>> -> memref<64xi32, #tpu.memory_space<vmem>>
        %dma_wait3A_531 = arith.constant 0 : i32
        %dma_wait3A_532 = arith.constant 0 : i32
        %dma_wait3A_533 = tpu.memref_slice %arg2[%dma_wait3A_531, %dma_wait3A_532] : memref<10000x128xf32, #tpu.memory_space<hbm>> -> memref<10000x128xf32, #tpu.memory_space<hbm>>
        tpu.wait_indirect_dma semaphore(%arg15 : memref<!tpu.dma_semaphore, #tpu.memory_space<semaphore_mem>>) src(%dma_wait3A_533 : memref<10000x128xf32, #tpu.memory_space<hbm>>) dst(%arg9 : memref<64x128xf32, #tpu.memory_space<vmem>>)
        %dma_start3A_534 = arith.constant 0 : i32
        %dma_start3A_535 = arith.constant 1 : i32
        %dma_start3A_536 = arith.constant 128 : i32
        %dma_start3A_537 = tpu.memref_slice %arg6[%dma_start3A_534, %dma_start3A_535, %dma_start3A_536] : memref<2x2x512xi32, #tpu.memory_space<vmem>> -> memref<1x1x64xi32, #tpu.memory_space<vmem>>
        %dma_start3A_538 = tpu.memref_squeeze %dma_start3A_537 : memref<1x1x64xi32, #tpu.memory_space<vmem>> -> memref<64xi32, #tpu.memory_space<vmem>>
        %dma_start3A_539 = arith.constant 0 : i32
        %dma_start3A_540 = arith.constant 0 : i32
        %dma_start3A_541 = tpu.memref_slice %arg12[%dma_start3A_539, %dma_start3A_540] : memref<10240x128xf32, #tpu.memory_space<vmem_shared>> -> memref<10240x128xf32, #tpu.memory_space<vmem_shared>>
        tpu.enqueue_indirect_dma source(%arg9 : memref<64x128xf32, #tpu.memory_space<vmem>>) target(%dma_start3A_541 : memref<10240x128xf32, #tpu.memory_space<vmem_shared>>) offsets(%dma_start3A_538 : memref<64xi32, #tpu.memory_space<vmem>>) semaphore(%arg21 : memref<!tpu.dma_semaphore, #tpu.memory_space<semaphore_mem>>) {add = true}
      } else {
      }
      %mul3A_376 = arith.constant 8 : i32
      %mul3A_377 = arith.muli %add3A_348, %mul3A_376 : i32
      %add3A_378 = arith.constant 3 : i32
      %add3A_379 = arith.addi %mul3A_377, %add3A_378 : i32
      %lt3A_380 = arith.cmpi slt, %add3A_348, %select_n3A : i32
      %convert_element_type3A_381 = arith.extui %lt3A_380 : i1 to i32
      %cond3A_382 = arith.constant 0 : i32
      %cond3A_383 = arith.cmpi ne, %convert_element_type3A_381, %cond3A_382 : i32
      scf.if %cond3A_383 {
        %ge3A = arith.constant 1 : i32
        %ge3A_491 = arith.cmpi sge, %add3A_379, %ge3A : i32
        %convert_element_type3A_492 = arith.extui %ge3A_491 : i1 to i32
        %cond3A_493 = arith.constant 0 : i32
        %cond3A_494 = arith.cmpi ne, %convert_element_type3A_492, %cond3A_493 : i32
        scf.if %cond3A_494 {
          %dma_wait3A_542 = arith.constant 0 : i32
          %dma_wait3A_543 = arith.constant 1 : i32
          %dma_wait3A_544 = arith.constant 0 : i32
          %dma_wait3A_545 = tpu.memref_slice %arg6[%dma_wait3A_542, %dma_wait3A_543, %dma_wait3A_544] : memref<2x2x512xi32, #tpu.memory_space<vmem>> -> memref<1x1x64xi32, #tpu.memory_space<vmem>>
          %dma_wait3A_546 = tpu.memref_squeeze %dma_wait3A_545 : memref<1x1x64xi32, #tpu.memory_space<vmem>> -> memref<64xi32, #tpu.memory_space<vmem>>
          %dma_wait3A_547 = arith.constant 0 : i32
          %dma_wait3A_548 = arith.constant 0 : i32
          %dma_wait3A_549 = tpu.memref_slice %arg12[%dma_wait3A_547, %dma_wait3A_548] : memref<10240x128xf32, #tpu.memory_space<vmem_shared>> -> memref<10240x128xf32, #tpu.memory_space<vmem_shared>>
          tpu.wait_indirect_dma semaphore(%arg21 : memref<!tpu.dma_semaphore, #tpu.memory_space<semaphore_mem>>) src(%arg9 : memref<64x128xf32, #tpu.memory_space<vmem>>) dst(%dma_wait3A_549 : memref<10240x128xf32, #tpu.memory_space<vmem_shared>>)
        } else {
        }
        %add3A_495 = arith.constant 3 : i32
        %add3A_496 = arith.addi %add3A_379, %add3A_495 : i32
        %mul3A_497 = arith.constant 8 : i32
        %mul3A_498 = arith.muli %select_n3A, %mul3A_497 : i32
        %lt3A_499 = arith.cmpi slt, %add3A_496, %mul3A_498 : i32
        %convert_element_type3A_500 = arith.extui %lt3A_499 : i1 to i32
        %cond3A_501 = arith.constant 0 : i32
        %cond3A_502 = arith.cmpi ne, %convert_element_type3A_500, %cond3A_501 : i32
        scf.if %cond3A_502 {
          %dma_start3A_542 = arith.constant 0 : i32
          %dma_start3A_543 = arith.constant 0 : i32
          %dma_start3A_544 = arith.constant 384 : i32
          %dma_start3A_545 = tpu.memref_slice %arg6[%dma_start3A_542, %dma_start3A_543, %dma_start3A_544] : memref<2x2x512xi32, #tpu.memory_space<vmem>> -> memref<1x1x64xi32, #tpu.memory_space<vmem>>
          %dma_start3A_546 = tpu.memref_squeeze %dma_start3A_545 : memref<1x1x64xi32, #tpu.memory_space<vmem>> -> memref<64xi32, #tpu.memory_space<vmem>>
          %dma_start3A_547 = arith.constant 0 : i32
          %dma_start3A_548 = arith.constant 0 : i32
          %dma_start3A_549 = tpu.memref_slice %arg2[%dma_start3A_547, %dma_start3A_548] : memref<10000x128xf32, #tpu.memory_space<hbm>> -> memref<10000x128xf32, #tpu.memory_space<hbm>>
          tpu.enqueue_indirect_dma source(%dma_start3A_549 : memref<10000x128xf32, #tpu.memory_space<hbm>>) target(%arg9 : memref<64x128xf32, #tpu.memory_space<vmem>>) offsets(%dma_start3A_546 : memref<64xi32, #tpu.memory_space<vmem>>) semaphore(%arg15 : memref<!tpu.dma_semaphore, #tpu.memory_space<semaphore_mem>>)
        } else {
        }
        %get3A = arith.constant 0 : i32
        %get3A_503 = arith.constant 1 : i32
        %get3A_504 = arith.index_cast %get3A : i32 to index
        %get3A_505 = arith.index_cast %get3A_503 : i32 to index
        %get3A_506 = arith.constant 192 : index
        %get3A_507 = tpu.vector_load %arg6[%get3A_504, %get3A_505, %get3A_506] {strides = array<i32>} : memref<2x2x512xi32, #tpu.memory_space<vmem>>, vector<16xi32>,
        tpu.vector_store_idx %arg11[%get3A_507], %broadcast_in_dim3A_21 {add = true} : memref<10240xf32, #tpu.memory_space<vmem>>[vector<16xi32>], vector<16xf32>,
        %get3A_508 = arith.constant 0 : i32
        %get3A_509 = arith.constant 1 : i32
        %get3A_510 = arith.index_cast %get3A_508 : i32 to index
        %get3A_511 = arith.index_cast %get3A_509 : i32 to index
        %get3A_512 = arith.constant 208 : index
        %get3A_513 = tpu.vector_load %arg6[%get3A_510, %get3A_511, %get3A_512] {strides = array<i32>} : memref<2x2x512xi32, #tpu.memory_space<vmem>>, vector<16xi32>,
        tpu.vector_store_idx %arg11[%get3A_513], %broadcast_in_dim3A_21 {add = true} : memref<10240xf32, #tpu.memory_space<vmem>>[vector<16xi32>], vector<16xf32>,
        %get3A_514 = arith.constant 0 : i32
        %get3A_515 = arith.constant 1 : i32
        %get3A_516 = arith.index_cast %get3A_514 : i32 to index
        %get3A_517 = arith.index_cast %get3A_515 : i32 to index
        %get3A_518 = arith.constant 224 : index
        %get3A_519 = tpu.vector_load %arg6[%get3A_516, %get3A_517, %get3A_518] {strides = array<i32>} : memref<2x2x512xi32, #tpu.memory_space<vmem>>, vector<16xi32>,
        tpu.vector_store_idx %arg11[%get3A_519], %broadcast_in_dim3A_21 {add = true} : memref<10240xf32, #tpu.memory_space<vmem>>[vector<16xi32>], vector<16xf32>,
        %get3A_520 = arith.constant 0 : i32
        %get3A_521 = arith.constant 1 : i32
        %get3A_522 = arith.index_cast %get3A_520 : i32 to index
        %get3A_523 = arith.index_cast %get3A_521 : i32 to index
        %get3A_524 = arith.constant 240 : index
        %get3A_525 = tpu.vector_load %arg6[%get3A_522, %get3A_523, %get3A_524] {strides = array<i32>} : memref<2x2x512xi32, #tpu.memory_space<vmem>>, vector<16xi32>,
        tpu.vector_store_idx %arg11[%get3A_525], %broadcast_in_dim3A_21 {add = true} : memref<10240xf32, #tpu.memory_space<vmem>>[vector<16xi32>], vector<16xf32>,
        %dma_wait3A_526 = arith.constant 0 : i32
        %dma_wait3A_527 = arith.constant 0 : i32
        %dma_wait3A_528 = arith.constant 192 : i32
        %dma_wait3A_529 = tpu.memref_slice %arg6[%dma_wait3A_526, %dma_wait3A_527, %dma_wait3A_528] : memref<2x2x512xi32, #tpu.memory_space<vmem>> -> memref<1x1x64xi32, #tpu.memory_space<vmem>>
        %dma_wait3A_530 = tpu.memref_squeeze %dma_wait3A_529 : memref<1x1x64xi32, #tpu.memory_space<vmem>> -> memref<64xi32, #tpu.memory_space<vmem>>
        %dma_wait3A_531 = arith.constant 0 : i32
        %dma_wait3A_532 = arith.constant 0 : i32
        %dma_wait3A_533 = tpu.memref_slice %arg2[%dma_wait3A_531, %dma_wait3A_532] : memref<10000x128xf32, #tpu.memory_space<hbm>> -> memref<10000x128xf32, #tpu.memory_space<hbm>>
        tpu.wait_indirect_dma semaphore(%arg16 : memref<!tpu.dma_semaphore, #tpu.memory_space<semaphore_mem>>) src(%dma_wait3A_533 : memref<10000x128xf32, #tpu.memory_space<hbm>>) dst(%arg10 : memref<64x128xf32, #tpu.memory_space<vmem>>)
        %dma_start3A_534 = arith.constant 0 : i32
        %dma_start3A_535 = arith.constant 1 : i32
        %dma_start3A_536 = arith.constant 192 : i32
        %dma_start3A_537 = tpu.memref_slice %arg6[%dma_start3A_534, %dma_start3A_535, %dma_start3A_536] : memref<2x2x512xi32, #tpu.memory_space<vmem>> -> memref<1x1x64xi32, #tpu.memory_space<vmem>>
        %dma_start3A_538 = tpu.memref_squeeze %dma_start3A_537 : memref<1x1x64xi32, #tpu.memory_space<vmem>> -> memref<64xi32, #tpu.memory_space<vmem>>
        %dma_start3A_539 = arith.constant 0 : i32
        %dma_start3A_540 = arith.constant 0 : i32
        %dma_start3A_541 = tpu.memref_slice %arg12[%dma_start3A_539, %dma_start3A_540] : memref<10240x128xf32, #tpu.memory_space<vmem_shared>> -> memref<10240x128xf32, #tpu.memory_space<vmem_shared>>
        tpu.enqueue_indirect_dma source(%arg10 : memref<64x128xf32, #tpu.memory_space<vmem>>) target(%dma_start3A_541 : memref<10240x128xf32, #tpu.memory_space<vmem_shared>>) offsets(%dma_start3A_538 : memref<64xi32, #tpu.memory_space<vmem>>) semaphore(%arg22 : memref<!tpu.dma_semaphore, #tpu.memory_space<semaphore_mem>>) {add = true}
      } else {
      }
      %mul3A_384 = arith.constant 8 : i32
      %mul3A_385 = arith.muli %add3A_348, %mul3A_384 : i32
      %add3A_386 = arith.constant 4 : i32
      %add3A_387 = arith.addi %mul3A_385, %add3A_386 : i32
      %lt3A_388 = arith.cmpi slt, %add3A_348, %select_n3A : i32
      %convert_element_type3A_389 = arith.extui %lt3A_388 : i1 to i32
      %cond3A_390 = arith.constant 0 : i32
      %cond3A_391 = arith.cmpi ne, %convert_element_type3A_389, %cond3A_390 : i32
      scf.if %cond3A_391 {
        %ge3A = arith.constant 1 : i32
        %ge3A_491 = arith.cmpi sge, %add3A_387, %ge3A : i32
        %convert_element_type3A_492 = arith.extui %ge3A_491 : i1 to i32
        %cond3A_493 = arith.constant 0 : i32
        %cond3A_494 = arith.cmpi ne, %convert_element_type3A_492, %cond3A_493 : i32
        scf.if %cond3A_494 {
          %dma_wait3A_542 = arith.constant 0 : i32
          %dma_wait3A_543 = arith.constant 1 : i32
          %dma_wait3A_544 = arith.constant 0 : i32
          %dma_wait3A_545 = tpu.memref_slice %arg6[%dma_wait3A_542, %dma_wait3A_543, %dma_wait3A_544] : memref<2x2x512xi32, #tpu.memory_space<vmem>> -> memref<1x1x64xi32, #tpu.memory_space<vmem>>
          %dma_wait3A_546 = tpu.memref_squeeze %dma_wait3A_545 : memref<1x1x64xi32, #tpu.memory_space<vmem>> -> memref<64xi32, #tpu.memory_space<vmem>>
          %dma_wait3A_547 = arith.constant 0 : i32
          %dma_wait3A_548 = arith.constant 0 : i32
          %dma_wait3A_549 = tpu.memref_slice %arg12[%dma_wait3A_547, %dma_wait3A_548] : memref<10240x128xf32, #tpu.memory_space<vmem_shared>> -> memref<10240x128xf32, #tpu.memory_space<vmem_shared>>
          tpu.wait_indirect_dma semaphore(%arg22 : memref<!tpu.dma_semaphore, #tpu.memory_space<semaphore_mem>>) src(%arg10 : memref<64x128xf32, #tpu.memory_space<vmem>>) dst(%dma_wait3A_549 : memref<10240x128xf32, #tpu.memory_space<vmem_shared>>)
        } else {
        }
        %add3A_495 = arith.constant 3 : i32
        %add3A_496 = arith.addi %add3A_387, %add3A_495 : i32
        %mul3A_497 = arith.constant 8 : i32
        %mul3A_498 = arith.muli %select_n3A, %mul3A_497 : i32
        %lt3A_499 = arith.cmpi slt, %add3A_496, %mul3A_498 : i32
        %convert_element_type3A_500 = arith.extui %lt3A_499 : i1 to i32
        %cond3A_501 = arith.constant 0 : i32
        %cond3A_502 = arith.cmpi ne, %convert_element_type3A_500, %cond3A_501 : i32
        scf.if %cond3A_502 {
          %dma_start3A_542 = arith.constant 0 : i32
          %dma_start3A_543 = arith.constant 0 : i32
          %dma_start3A_544 = arith.constant 448 : i32
          %dma_start3A_545 = tpu.memref_slice %arg6[%dma_start3A_542, %dma_start3A_543, %dma_start3A_544] : memref<2x2x512xi32, #tpu.memory_space<vmem>> -> memref<1x1x64xi32, #tpu.memory_space<vmem>>
          %dma_start3A_546 = tpu.memref_squeeze %dma_start3A_545 : memref<1x1x64xi32, #tpu.memory_space<vmem>> -> memref<64xi32, #tpu.memory_space<vmem>>
          %dma_start3A_547 = arith.constant 0 : i32
          %dma_start3A_548 = arith.constant 0 : i32
          %dma_start3A_549 = tpu.memref_slice %arg2[%dma_start3A_547, %dma_start3A_548] : memref<10000x128xf32, #tpu.memory_space<hbm>> -> memref<10000x128xf32, #tpu.memory_space<hbm>>
          tpu.enqueue_indirect_dma source(%dma_start3A_549 : memref<10000x128xf32, #tpu.memory_space<hbm>>) target(%arg10 : memref<64x128xf32, #tpu.memory_space<vmem>>) offsets(%dma_start3A_546 : memref<64xi32, #tpu.memory_space<vmem>>) semaphore(%arg16 : memref<!tpu.dma_semaphore, #tpu.memory_space<semaphore_mem>>)
        } else {
        }
        %get3A = arith.constant 0 : i32
        %get3A_503 = arith.constant 1 : i32
        %get3A_504 = arith.index_cast %get3A : i32 to index
        %get3A_505 = arith.index_cast %get3A_503 : i32 to index
        %get3A_506 = arith.constant 256 : index
        %get3A_507 = tpu.vector_load %arg6[%get3A_504, %get3A_505, %get3A_506] {strides = array<i32>} : memref<2x2x512xi32, #tpu.memory_space<vmem>>, vector<16xi32>,
        tpu.vector_store_idx %arg11[%get3A_507], %broadcast_in_dim3A_21 {add = true} : memref<10240xf32, #tpu.memory_space<vmem>>[vector<16xi32>], vector<16xf32>,
        %get3A_508 = arith.constant 0 : i32
        %get3A_509 = arith.constant 1 : i32
        %get3A_510 = arith.index_cast %get3A_508 : i32 to index
        %get3A_511 = arith.index_cast %get3A_509 : i32 to index
        %get3A_512 = arith.constant 272 : index
        %get3A_513 = tpu.vector_load %arg6[%get3A_510, %get3A_511, %get3A_512] {strides = array<i32>} : memref<2x2x512xi32, #tpu.memory_space<vmem>>, vector<16xi32>,
        tpu.vector_store_idx %arg11[%get3A_513], %broadcast_in_dim3A_21 {add = true} : memref<10240xf32, #tpu.memory_space<vmem>>[vector<16xi32>], vector<16xf32>,
        %get3A_514 = arith.constant 0 : i32
        %get3A_515 = arith.constant 1 : i32
        %get3A_516 = arith.index_cast %get3A_514 : i32 to index
        %get3A_517 = arith.index_cast %get3A_515 : i32 to index
        %get3A_518 = arith.constant 288 : index
        %get3A_519 = tpu.vector_load %arg6[%get3A_516, %get3A_517, %get3A_518] {strides = array<i32>} : memref<2x2x512xi32, #tpu.memory_space<vmem>>, vector<16xi32>,
        tpu.vector_store_idx %arg11[%get3A_519], %broadcast_in_dim3A_21 {add = true} : memref<10240xf32, #tpu.memory_space<vmem>>[vector<16xi32>], vector<16xf32>,
        %get3A_520 = arith.constant 0 : i32
        %get3A_521 = arith.constant 1 : i32
        %get3A_522 = arith.index_cast %get3A_520 : i32 to index
        %get3A_523 = arith.index_cast %get3A_521 : i32 to index
        %get3A_524 = arith.constant 304 : index
        %get3A_525 = tpu.vector_load %arg6[%get3A_522, %get3A_523, %get3A_524] {strides = array<i32>} : memref<2x2x512xi32, #tpu.memory_space<vmem>>, vector<16xi32>,
        tpu.vector_store_idx %arg11[%get3A_525], %broadcast_in_dim3A_21 {add = true} : memref<10240xf32, #tpu.memory_space<vmem>>[vector<16xi32>], vector<16xf32>,
        %dma_wait3A_526 = arith.constant 0 : i32
        %dma_wait3A_527 = arith.constant 0 : i32
        %dma_wait3A_528 = arith.constant 256 : i32
        %dma_wait3A_529 = tpu.memref_slice %arg6[%dma_wait3A_526, %dma_wait3A_527, %dma_wait3A_528] : memref<2x2x512xi32, #tpu.memory_space<vmem>> -> memref<1x1x64xi32, #tpu.memory_space<vmem>>
        %dma_wait3A_530 = tpu.memref_squeeze %dma_wait3A_529 : memref<1x1x64xi32, #tpu.memory_space<vmem>> -> memref<64xi32, #tpu.memory_space<vmem>>
        %dma_wait3A_531 = arith.constant 0 : i32
        %dma_wait3A_532 = arith.constant 0 : i32
        %dma_wait3A_533 = tpu.memref_slice %arg2[%dma_wait3A_531, %dma_wait3A_532] : memref<10000x128xf32, #tpu.memory_space<hbm>> -> memref<10000x128xf32, #tpu.memory_space<hbm>>
        tpu.wait_indirect_dma semaphore(%arg13 : memref<!tpu.dma_semaphore, #tpu.memory_space<semaphore_mem>>) src(%dma_wait3A_533 : memref<10000x128xf32, #tpu.memory_space<hbm>>) dst(%arg7 : memref<64x128xf32, #tpu.memory_space<vmem>>)
        %dma_start3A_534 = arith.constant 0 : i32
        %dma_start3A_535 = arith.constant 1 : i32
        %dma_start3A_536 = arith.constant 256 : i32
        %dma_start3A_537 = tpu.memref_slice %arg6[%dma_start3A_534, %dma_start3A_535, %dma_start3A_536] : memref<2x2x512xi32, #tpu.memory_space<vmem>> -> memref<1x1x64xi32, #tpu.memory_space<vmem>>
        %dma_start3A_538 = tpu.memref_squeeze %dma_start3A_537 : memref<1x1x64xi32, #tpu.memory_space<vmem>> -> memref<64xi32, #tpu.memory_space<vmem>>
        %dma_start3A_539 = arith.constant 0 : i32
        %dma_start3A_540 = arith.constant 0 : i32
        %dma_start3A_541 = tpu.memref_slice %arg12[%dma_start3A_539, %dma_start3A_540] : memref<10240x128xf32, #tpu.memory_space<vmem_shared>> -> memref<10240x128xf32, #tpu.memory_space<vmem_shared>>
        tpu.enqueue_indirect_dma source(%arg7 : memref<64x128xf32, #tpu.memory_space<vmem>>) target(%dma_start3A_541 : memref<10240x128xf32, #tpu.memory_space<vmem_shared>>) offsets(%dma_start3A_538 : memref<64xi32, #tpu.memory_space<vmem>>) semaphore(%arg19 : memref<!tpu.dma_semaphore, #tpu.memory_space<semaphore_mem>>) {add = true}
      } else {
      }
      %mul3A_392 = arith.constant 8 : i32
      %mul3A_393 = arith.muli %add3A_348, %mul3A_392 : i32
      %add3A_394 = arith.constant 5 : i32
      %add3A_395 = arith.addi %mul3A_393, %add3A_394 : i32
      %lt3A_396 = arith.cmpi slt, %add3A_348, %select_n3A : i32
      %convert_element_type3A_397 = arith.extui %lt3A_396 : i1 to i32
      %cond3A_398 = arith.constant 0 : i32
      %cond3A_399 = arith.cmpi ne, %convert_element_type3A_397, %cond3A_398 : i32
      scf.if %cond3A_399 {
        %ge3A = arith.constant 1 : i32
        %ge3A_491 = arith.cmpi sge, %add3A_395, %ge3A : i32
        %convert_element_type3A_492 = arith.extui %ge3A_491 : i1 to i32
        %cond3A_493 = arith.constant 0 : i32
        %cond3A_494 = arith.cmpi ne, %convert_element_type3A_492, %cond3A_493 : i32
        scf.if %cond3A_494 {
          %dma_wait3A_546 = arith.constant 0 : i32
          %dma_wait3A_547 = arith.constant 1 : i32
          %dma_wait3A_548 = arith.constant 0 : i32
          %dma_wait3A_549 = tpu.memref_slice %arg6[%dma_wait3A_546, %dma_wait3A_547, %dma_wait3A_548] : memref<2x2x512xi32, #tpu.memory_space<vmem>> -> memref<1x1x64xi32, #tpu.memory_space<vmem>>
          %dma_wait3A_550 = tpu.memref_squeeze %dma_wait3A_549 : memref<1x1x64xi32, #tpu.memory_space<vmem>> -> memref<64xi32, #tpu.memory_space<vmem>>
          %dma_wait3A_551 = arith.constant 0 : i32
          %dma_wait3A_552 = arith.constant 0 : i32
          %dma_wait3A_553 = tpu.memref_slice %arg12[%dma_wait3A_551, %dma_wait3A_552] : memref<10240x128xf32, #tpu.memory_space<vmem_shared>> -> memref<10240x128xf32, #tpu.memory_space<vmem_shared>>
          tpu.wait_indirect_dma semaphore(%arg19 : memref<!tpu.dma_semaphore, #tpu.memory_space<semaphore_mem>>) src(%arg7 : memref<64x128xf32, #tpu.memory_space<vmem>>) dst(%dma_wait3A_553 : memref<10240x128xf32, #tpu.memory_space<vmem_shared>>)
        } else {
        }
        %add3A_495 = arith.constant 1 : i32
        %add3A_496 = arith.addi %add3A_348, %add3A_495 : i32
        %lt3A_497 = arith.cmpi slt, %add3A_496, %select_n3A : i32
        %convert_element_type3A_498 = arith.extui %lt3A_497 : i1 to i32
        %cond3A_499 = arith.constant 0 : i32
        %cond3A_500 = arith.cmpi ne, %convert_element_type3A_498, %cond3A_499 : i32
        scf.if %cond3A_500 {
          %dma_wait3A_546 = arith.constant 1 : i32
          %dma_wait3A_547 = arith.constant 0 : i32
          %dma_wait3A_548 = arith.constant 0 : i32
          %dma_wait3A_549 = tpu.memref_slice %arg6[%dma_wait3A_546, %dma_wait3A_547, %dma_wait3A_548] : memref<2x2x512xi32, #tpu.memory_space<vmem>> -> memref<1x2x512xi32, #tpu.memory_space<vmem>>
          %dma_wait3A_550 = tpu.memref_squeeze %dma_wait3A_549 : memref<1x2x512xi32, #tpu.memory_space<vmem>> -> memref<2x512xi32, #tpu.memory_space<vmem>>
          %dma_wait3A_551 = arith.constant 0 : i32
          %dma_wait3A_552 = arith.constant 0 : i32
          %dma_wait3A_553 = tpu.memref_slice %arg3[%dma_wait3A_551, %dma_wait3A_552] : memref<2x320000xi32, #tpu.memory_space<hbm>> -> memref<2x512xi32, #tpu.memory_space<hbm>>
          %dma_wait3A_554 = arith.constant 0 : i32
          %dma_wait3A_555 = arith.constant 0 : i32
          %dma_wait3A_556 = tpu.memref_slice %arg6[%dma_wait3A_546, %dma_wait3A_554, %dma_wait3A_555] : memref<2x2x512xi32, #tpu.memory_space<vmem>> -> memref<1x2x512xi32, #tpu.memory_space<vmem>>
          %dma_wait3A_557 = tpu.memref_squeeze %dma_wait3A_556 : memref<1x2x512xi32, #tpu.memory_space<vmem>> -> memref<2x512xi32, #tpu.memory_space<vmem>>
          %dma_wait3A_558 = arith.constant 0 : i32
          %dma_wait3A_559 = arith.constant 0 : i32
          %dma_wait3A_560 = tpu.memref_slice %arg3[%dma_wait3A_558, %dma_wait3A_559] : memref<2x320000xi32, #tpu.memory_space<hbm>> -> memref<2x512xi32, #tpu.memory_space<hbm>>
          tpu.wait_dma2 semaphore(%arg18 : memref<!tpu.dma_semaphore, #tpu.memory_space<semaphore_mem>>) src(%dma_wait3A_560 : memref<2x512xi32, #tpu.memory_space<hbm>>) dst(%dma_wait3A_557 : memref<2x512xi32, #tpu.memory_space<vmem>>)
        } else {
        }
        %add3A_501 = arith.constant 1 : i32
        %add3A_502 = arith.addi %add3A_348, %add3A_501 : i32
        %lt3A_503 = arith.cmpi slt, %add3A_502, %select_n3A : i32
        %convert_element_type3A_504 = arith.extui %lt3A_503 : i1 to i32
        %cond3A_505 = arith.constant 0 : i32
        %cond3A_506 = arith.cmpi ne, %convert_element_type3A_504, %cond3A_505 : i32
        scf.if %cond3A_506 {
          %dma_start3A_546 = arith.constant 1 : i32
          %dma_start3A_547 = arith.constant 0 : i32
          %dma_start3A_548 = arith.constant 0 : i32
          %dma_start3A_549 = tpu.memref_slice %arg6[%dma_start3A_546, %dma_start3A_547, %dma_start3A_548] : memref<2x2x512xi32, #tpu.memory_space<vmem>> -> memref<1x1x64xi32, #tpu.memory_space<vmem>>
          %dma_start3A_550 = tpu.memref_squeeze %dma_start3A_549 : memref<1x1x64xi32, #tpu.memory_space<vmem>> -> memref<64xi32, #tpu.memory_space<vmem>>
          %dma_start3A_551 = arith.constant 0 : i32
          %dma_start3A_552 = arith.constant 0 : i32
          %dma_start3A_553 = tpu.memref_slice %arg2[%dma_start3A_551, %dma_start3A_552] : memref<10000x128xf32, #tpu.memory_space<hbm>> -> memref<10000x128xf32, #tpu.memory_space<hbm>>
          tpu.enqueue_indirect_dma source(%dma_start3A_553 : memref<10000x128xf32, #tpu.memory_space<hbm>>) target(%arg7 : memref<64x128xf32, #tpu.memory_space<vmem>>) offsets(%dma_start3A_550 : memref<64xi32, #tpu.memory_space<vmem>>) semaphore(%arg13 : memref<!tpu.dma_semaphore, #tpu.memory_space<semaphore_mem>>)
        } else {
        }
        %get3A = arith.constant 0 : i32
        %get3A_507 = arith.constant 1 : i32
        %get3A_508 = arith.index_cast %get3A : i32 to index
        %get3A_509 = arith.index_cast %get3A_507 : i32 to index
        %get3A_510 = arith.constant 320 : index
        %get3A_511 = tpu.vector_load %arg6[%get3A_508, %get3A_509, %get3A_510] {strides = array<i32>} : memref<2x2x512xi32, #tpu.memory_space<vmem>>, vector<16xi32>,
        tpu.vector_store_idx %arg11[%get3A_511], %broadcast_in_dim3A_21 {add = true} : memref<10240xf32, #tpu.memory_space<vmem>>[vector<16xi32>], vector<16xf32>,
        %get3A_512 = arith.constant 0 : i32
        %get3A_513 = arith.constant 1 : i32
        %get3A_514 = arith.index_cast %get3A_512 : i32 to index
        %get3A_515 = arith.index_cast %get3A_513 : i32 to index
        %get3A_516 = arith.constant 336 : index
        %get3A_517 = tpu.vector_load %arg6[%get3A_514, %get3A_515, %get3A_516] {strides = array<i32>} : memref<2x2x512xi32, #tpu.memory_space<vmem>>, vector<16xi32>,
        tpu.vector_store_idx %arg11[%get3A_517], %broadcast_in_dim3A_21 {add = true} : memref<10240xf32, #tpu.memory_space<vmem>>[vector<16xi32>], vector<16xf32>,
        %get3A_518 = arith.constant 0 : i32
        %get3A_519 = arith.constant 1 : i32
        %get3A_520 = arith.index_cast %get3A_518 : i32 to index
        %get3A_521 = arith.index_cast %get3A_519 : i32 to index
        %get3A_522 = arith.constant 352 : index
        %get3A_523 = tpu.vector_load %arg6[%get3A_520, %get3A_521, %get3A_522] {strides = array<i32>} : memref<2x2x512xi32, #tpu.memory_space<vmem>>, vector<16xi32>,
        tpu.vector_store_idx %arg11[%get3A_523], %broadcast_in_dim3A_21 {add = true} : memref<10240xf32, #tpu.memory_space<vmem>>[vector<16xi32>], vector<16xf32>,
        %get3A_524 = arith.constant 0 : i32
        %get3A_525 = arith.constant 1 : i32
        %get3A_526 = arith.index_cast %get3A_524 : i32 to index
        %get3A_527 = arith.index_cast %get3A_525 : i32 to index
        %get3A_528 = arith.constant 368 : index
        %get3A_529 = tpu.vector_load %arg6[%get3A_526, %get3A_527, %get3A_528] {strides = array<i32>} : memref<2x2x512xi32, #tpu.memory_space<vmem>>, vector<16xi32>,
        tpu.vector_store_idx %arg11[%get3A_529], %broadcast_in_dim3A_21 {add = true} : memref<10240xf32, #tpu.memory_space<vmem>>[vector<16xi32>], vector<16xf32>,
        %dma_wait3A_530 = arith.constant 0 : i32
        %dma_wait3A_531 = arith.constant 0 : i32
        %dma_wait3A_532 = arith.constant 320 : i32
        %dma_wait3A_533 = tpu.memref_slice %arg6[%dma_wait3A_530, %dma_wait3A_531, %dma_wait3A_532] : memref<2x2x512xi32, #tpu.memory_space<vmem>> -> memref<1x1x64xi32, #tpu.memory_space<vmem>>
        %dma_wait3A_534 = tpu.memref_squeeze %dma_wait3A_533 : memref<1x1x64xi32, #tpu.memory_space<vmem>> -> memref<64xi32, #tpu.memory_space<vmem>>
        %dma_wait3A_535 = arith.constant 0 : i32
        %dma_wait3A_536 = arith.constant 0 : i32
        %dma_wait3A_537 = tpu.memref_slice %arg2[%dma_wait3A_535, %dma_wait3A_536] : memref<10000x128xf32, #tpu.memory_space<hbm>> -> memref<10000x128xf32, #tpu.memory_space<hbm>>
        tpu.wait_indirect_dma semaphore(%arg14 : memref<!tpu.dma_semaphore, #tpu.memory_space<semaphore_mem>>) src(%dma_wait3A_537 : memref<10000x128xf32, #tpu.memory_space<hbm>>) dst(%arg8 : memref<64x128xf32, #tpu.memory_space<vmem>>)
        %dma_start3A_538 = arith.constant 0 : i32
        %dma_start3A_539 = arith.constant 1 : i32
        %dma_start3A_540 = arith.constant 320 : i32
        %dma_start3A_541 = tpu.memref_slice %arg6[%dma_start3A_538, %dma_start3A_539, %dma_start3A_540] : memref<2x2x512xi32, #tpu.memory_space<vmem>> -> memref<1x1x64xi32, #tpu.memory_space<vmem>>
        %dma_start3A_542 = tpu.memref_squeeze %dma_start3A_541 : memref<1x1x64xi32, #tpu.memory_space<vmem>> -> memref<64xi32, #tpu.memory_space<vmem>>
        %dma_start3A_543 = arith.constant 0 : i32
        %dma_start3A_544 = arith.constant 0 : i32
        %dma_start3A_545 = tpu.memref_slice %arg12[%dma_start3A_543, %dma_start3A_544] : memref<10240x128xf32, #tpu.memory_space<vmem_shared>> -> memref<10240x128xf32, #tpu.memory_space<vmem_shared>>
        tpu.enqueue_indirect_dma source(%arg8 : memref<64x128xf32, #tpu.memory_space<vmem>>) target(%dma_start3A_545 : memref<10240x128xf32, #tpu.memory_space<vmem_shared>>) offsets(%dma_start3A_542 : memref<64xi32, #tpu.memory_space<vmem>>) semaphore(%arg20 : memref<!tpu.dma_semaphore, #tpu.memory_space<semaphore_mem>>) {add = true}
      } else {
      }
      %mul3A_400 = arith.constant 8 : i32
      %mul3A_401 = arith.muli %add3A_348, %mul3A_400 : i32
      %add3A_402 = arith.constant 6 : i32
      %add3A_403 = arith.addi %mul3A_401, %add3A_402 : i32
      %lt3A_404 = arith.cmpi slt, %add3A_348, %select_n3A : i32
      %convert_element_type3A_405 = arith.extui %lt3A_404 : i1 to i32
      %cond3A_406 = arith.constant 0 : i32
      %cond3A_407 = arith.cmpi ne, %convert_element_type3A_405, %cond3A_406 : i32
      scf.if %cond3A_407 {
        %ge3A = arith.constant 1 : i32
        %ge3A_491 = arith.cmpi sge, %add3A_403, %ge3A : i32
        %convert_element_type3A_492 = arith.extui %ge3A_491 : i1 to i32
        %cond3A_493 = arith.constant 0 : i32
        %cond3A_494 = arith.cmpi ne, %convert_element_type3A_492, %cond3A_493 : i32
        scf.if %cond3A_494 {
          %dma_wait3A_540 = arith.constant 0 : i32
          %dma_wait3A_541 = arith.constant 1 : i32
          %dma_wait3A_542 = arith.constant 0 : i32
          %dma_wait3A_543 = tpu.memref_slice %arg6[%dma_wait3A_540, %dma_wait3A_541, %dma_wait3A_542] : memref<2x2x512xi32, #tpu.memory_space<vmem>> -> memref<1x1x64xi32, #tpu.memory_space<vmem>>
          %dma_wait3A_544 = tpu.memref_squeeze %dma_wait3A_543 : memref<1x1x64xi32, #tpu.memory_space<vmem>> -> memref<64xi32, #tpu.memory_space<vmem>>
          %dma_wait3A_545 = arith.constant 0 : i32
          %dma_wait3A_546 = arith.constant 0 : i32
          %dma_wait3A_547 = tpu.memref_slice %arg12[%dma_wait3A_545, %dma_wait3A_546] : memref<10240x128xf32, #tpu.memory_space<vmem_shared>> -> memref<10240x128xf32, #tpu.memory_space<vmem_shared>>
          tpu.wait_indirect_dma semaphore(%arg20 : memref<!tpu.dma_semaphore, #tpu.memory_space<semaphore_mem>>) src(%arg8 : memref<64x128xf32, #tpu.memory_space<vmem>>) dst(%dma_wait3A_547 : memref<10240x128xf32, #tpu.memory_space<vmem_shared>>)
        } else {
        }
        %add3A_495 = arith.constant 1 : i32
        %add3A_496 = arith.addi %add3A_348, %add3A_495 : i32
        %lt3A_497 = arith.cmpi slt, %add3A_496, %select_n3A : i32
        %convert_element_type3A_498 = arith.extui %lt3A_497 : i1 to i32
        %cond3A_499 = arith.constant 0 : i32
        %cond3A_500 = arith.cmpi ne, %convert_element_type3A_498, %cond3A_499 : i32
        scf.if %cond3A_500 {
          %dma_start3A_540 = arith.constant 1 : i32
          %dma_start3A_541 = arith.constant 0 : i32
          %dma_start3A_542 = arith.constant 64 : i32
          %dma_start3A_543 = tpu.memref_slice %arg6[%dma_start3A_540, %dma_start3A_541, %dma_start3A_542] : memref<2x2x512xi32, #tpu.memory_space<vmem>> -> memref<1x1x64xi32, #tpu.memory_space<vmem>>
          %dma_start3A_544 = tpu.memref_squeeze %dma_start3A_543 : memref<1x1x64xi32, #tpu.memory_space<vmem>> -> memref<64xi32, #tpu.memory_space<vmem>>
          %dma_start3A_545 = arith.constant 0 : i32
          %dma_start3A_546 = arith.constant 0 : i32
          %dma_start3A_547 = tpu.memref_slice %arg2[%dma_start3A_545, %dma_start3A_546] : memref<10000x128xf32, #tpu.memory_space<hbm>> -> memref<10000x128xf32, #tpu.memory_space<hbm>>
          tpu.enqueue_indirect_dma source(%dma_start3A_547 : memref<10000x128xf32, #tpu.memory_space<hbm>>) target(%arg8 : memref<64x128xf32, #tpu.memory_space<vmem>>) offsets(%dma_start3A_544 : memref<64xi32, #tpu.memory_space<vmem>>) semaphore(%arg14 : memref<!tpu.dma_semaphore, #tpu.memory_space<semaphore_mem>>)
        } else {
        }
        %get3A = arith.constant 0 : i32
        %get3A_501 = arith.constant 1 : i32
        %get3A_502 = arith.index_cast %get3A : i32 to index
        %get3A_503 = arith.index_cast %get3A_501 : i32 to index
        %get3A_504 = arith.constant 384 : index
        %get3A_505 = tpu.vector_load %arg6[%get3A_502, %get3A_503, %get3A_504] {strides = array<i32>} : memref<2x2x512xi32, #tpu.memory_space<vmem>>, vector<16xi32>,
        tpu.vector_store_idx %arg11[%get3A_505], %broadcast_in_dim3A_21 {add = true} : memref<10240xf32, #tpu.memory_space<vmem>>[vector<16xi32>], vector<16xf32>,
        %get3A_506 = arith.constant 0 : i32
        %get3A_507 = arith.constant 1 : i32
        %get3A_508 = arith.index_cast %get3A_506 : i32 to index
        %get3A_509 = arith.index_cast %get3A_507 : i32 to index
        %get3A_510 = arith.constant 400 : index
        %get3A_511 = tpu.vector_load %arg6[%get3A_508, %get3A_509, %get3A_510] {strides = array<i32>} : memref<2x2x512xi32, #tpu.memory_space<vmem>>, vector<16xi32>,
        tpu.vector_store_idx %arg11[%get3A_511], %broadcast_in_dim3A_21 {add = true} : memref<10240xf32, #tpu.memory_space<vmem>>[vector<16xi32>], vector<16xf32>,
        %get3A_512 = arith.constant 0 : i32
        %get3A_513 = arith.constant 1 : i32
        %get3A_514 = arith.index_cast %get3A_512 : i32 to index
        %get3A_515 = arith.index_cast %get3A_513 : i32 to index
        %get3A_516 = arith.constant 416 : index
        %get3A_517 = tpu.vector_load %arg6[%get3A_514, %get3A_515, %get3A_516] {strides = array<i32>} : memref<2x2x512xi32, #tpu.memory_space<vmem>>, vector<16xi32>,
        tpu.vector_store_idx %arg11[%get3A_517], %broadcast_in_dim3A_21 {add = true} : memref<10240xf32, #tpu.memory_space<vmem>>[vector<16xi32>], vector<16xf32>,
        %get3A_518 = arith.constant 0 : i32
        %get3A_519 = arith.constant 1 : i32
        %get3A_520 = arith.index_cast %get3A_518 : i32 to index
        %get3A_521 = arith.index_cast %get3A_519 : i32 to index
        %get3A_522 = arith.constant 432 : index
        %get3A_523 = tpu.vector_load %arg6[%get3A_520, %get3A_521, %get3A_522] {strides = array<i32>} : memref<2x2x512xi32, #tpu.memory_space<vmem>>, vector<16xi32>,
        tpu.vector_store_idx %arg11[%get3A_523], %broadcast_in_dim3A_21 {add = true} : memref<10240xf32, #tpu.memory_space<vmem>>[vector<16xi32>], vector<16xf32>,
        %dma_wait3A_524 = arith.constant 0 : i32
        %dma_wait3A_525 = arith.constant 0 : i32
        %dma_wait3A_526 = arith.constant 384 : i32
        %dma_wait3A_527 = tpu.memref_slice %arg6[%dma_wait3A_524, %dma_wait3A_525, %dma_wait3A_526] : memref<2x2x512xi32, #tpu.memory_space<vmem>> -> memref<1x1x64xi32, #tpu.memory_space<vmem>>
        %dma_wait3A_528 = tpu.memref_squeeze %dma_wait3A_527 : memref<1x1x64xi32, #tpu.memory_space<vmem>> -> memref<64xi32, #tpu.memory_space<vmem>>
        %dma_wait3A_529 = arith.constant 0 : i32
        %dma_wait3A_530 = arith.constant 0 : i32
        %dma_wait3A_531 = tpu.memref_slice %arg2[%dma_wait3A_529, %dma_wait3A_530] : memref<10000x128xf32, #tpu.memory_space<hbm>> -> memref<10000x128xf32, #tpu.memory_space<hbm>>
        tpu.wait_indirect_dma semaphore(%arg15 : memref<!tpu.dma_semaphore, #tpu.memory_space<semaphore_mem>>) src(%dma_wait3A_531 : memref<10000x128xf32, #tpu.memory_space<hbm>>) dst(%arg9 : memref<64x128xf32, #tpu.memory_space<vmem>>)
        %dma_start3A_532 = arith.constant 0 : i32
        %dma_start3A_533 = arith.constant 1 : i32
        %dma_start3A_534 = arith.constant 384 : i32
        %dma_start3A_535 = tpu.memref_slice %arg6[%dma_start3A_532, %dma_start3A_533, %dma_start3A_534] : memref<2x2x512xi32, #tpu.memory_space<vmem>> -> memref<1x1x64xi32, #tpu.memory_space<vmem>>
        %dma_start3A_536 = tpu.memref_squeeze %dma_start3A_535 : memref<1x1x64xi32, #tpu.memory_space<vmem>> -> memref<64xi32, #tpu.memory_space<vmem>>
        %dma_start3A_537 = arith.constant 0 : i32
        %dma_start3A_538 = arith.constant 0 : i32
        %dma_start3A_539 = tpu.memref_slice %arg12[%dma_start3A_537, %dma_start3A_538] : memref<10240x128xf32, #tpu.memory_space<vmem_shared>> -> memref<10240x128xf32, #tpu.memory_space<vmem_shared>>
        tpu.enqueue_indirect_dma source(%arg9 : memref<64x128xf32, #tpu.memory_space<vmem>>) target(%dma_start3A_539 : memref<10240x128xf32, #tpu.memory_space<vmem_shared>>) offsets(%dma_start3A_536 : memref<64xi32, #tpu.memory_space<vmem>>) semaphore(%arg21 : memref<!tpu.dma_semaphore, #tpu.memory_space<semaphore_mem>>) {add = true}
      } else {
      }
      %mul3A_408 = arith.constant 8 : i32
      %mul3A_409 = arith.muli %add3A_348, %mul3A_408 : i32
      %add3A_410 = arith.constant 7 : i32
      %add3A_411 = arith.addi %mul3A_409, %add3A_410 : i32
      %lt3A_412 = arith.cmpi slt, %add3A_348, %select_n3A : i32
      %convert_element_type3A_413 = arith.extui %lt3A_412 : i1 to i32
      %cond3A_414 = arith.constant 0 : i32
      %cond3A_415 = arith.cmpi ne, %convert_element_type3A_413, %cond3A_414 : i32
      scf.if %cond3A_415 {
        %ge3A = arith.constant 1 : i32
        %ge3A_491 = arith.cmpi sge, %add3A_411, %ge3A : i32
        %convert_element_type3A_492 = arith.extui %ge3A_491 : i1 to i32
        %cond3A_493 = arith.constant 0 : i32
        %cond3A_494 = arith.cmpi ne, %convert_element_type3A_492, %cond3A_493 : i32
        scf.if %cond3A_494 {
          %dma_wait3A_540 = arith.constant 0 : i32
          %dma_wait3A_541 = arith.constant 1 : i32
          %dma_wait3A_542 = arith.constant 0 : i32
          %dma_wait3A_543 = tpu.memref_slice %arg6[%dma_wait3A_540, %dma_wait3A_541, %dma_wait3A_542] : memref<2x2x512xi32, #tpu.memory_space<vmem>> -> memref<1x1x64xi32, #tpu.memory_space<vmem>>
          %dma_wait3A_544 = tpu.memref_squeeze %dma_wait3A_543 : memref<1x1x64xi32, #tpu.memory_space<vmem>> -> memref<64xi32, #tpu.memory_space<vmem>>
          %dma_wait3A_545 = arith.constant 0 : i32
          %dma_wait3A_546 = arith.constant 0 : i32
          %dma_wait3A_547 = tpu.memref_slice %arg12[%dma_wait3A_545, %dma_wait3A_546] : memref<10240x128xf32, #tpu.memory_space<vmem_shared>> -> memref<10240x128xf32, #tpu.memory_space<vmem_shared>>
          tpu.wait_indirect_dma semaphore(%arg21 : memref<!tpu.dma_semaphore, #tpu.memory_space<semaphore_mem>>) src(%arg9 : memref<64x128xf32, #tpu.memory_space<vmem>>) dst(%dma_wait3A_547 : memref<10240x128xf32, #tpu.memory_space<vmem_shared>>)
        } else {
        }
        %add3A_495 = arith.constant 1 : i32
        %add3A_496 = arith.addi %add3A_348, %add3A_495 : i32
        %lt3A_497 = arith.cmpi slt, %add3A_496, %select_n3A : i32
        %convert_element_type3A_498 = arith.extui %lt3A_497 : i1 to i32
        %cond3A_499 = arith.constant 0 : i32
        %cond3A_500 = arith.cmpi ne, %convert_element_type3A_498, %cond3A_499 : i32
        scf.if %cond3A_500 {
          %dma_start3A_540 = arith.constant 1 : i32
          %dma_start3A_541 = arith.constant 0 : i32
          %dma_start3A_542 = arith.constant 128 : i32
          %dma_start3A_543 = tpu.memref_slice %arg6[%dma_start3A_540, %dma_start3A_541, %dma_start3A_542] : memref<2x2x512xi32, #tpu.memory_space<vmem>> -> memref<1x1x64xi32, #tpu.memory_space<vmem>>
          %dma_start3A_544 = tpu.memref_squeeze %dma_start3A_543 : memref<1x1x64xi32, #tpu.memory_space<vmem>> -> memref<64xi32, #tpu.memory_space<vmem>>
          %dma_start3A_545 = arith.constant 0 : i32
          %dma_start3A_546 = arith.constant 0 : i32
          %dma_start3A_547 = tpu.memref_slice %arg2[%dma_start3A_545, %dma_start3A_546] : memref<10000x128xf32, #tpu.memory_space<hbm>> -> memref<10000x128xf32, #tpu.memory_space<hbm>>
          tpu.enqueue_indirect_dma source(%dma_start3A_547 : memref<10000x128xf32, #tpu.memory_space<hbm>>) target(%arg9 : memref<64x128xf32, #tpu.memory_space<vmem>>) offsets(%dma_start3A_544 : memref<64xi32, #tpu.memory_space<vmem>>) semaphore(%arg15 : memref<!tpu.dma_semaphore, #tpu.memory_space<semaphore_mem>>)
        } else {
        }
        %get3A = arith.constant 0 : i32
        %get3A_501 = arith.constant 1 : i32
        %get3A_502 = arith.index_cast %get3A : i32 to index
        %get3A_503 = arith.index_cast %get3A_501 : i32 to index
        %get3A_504 = arith.constant 448 : index
        %get3A_505 = tpu.vector_load %arg6[%get3A_502, %get3A_503, %get3A_504] {strides = array<i32>} : memref<2x2x512xi32, #tpu.memory_space<vmem>>, vector<16xi32>,
        tpu.vector_store_idx %arg11[%get3A_505], %broadcast_in_dim3A_21 {add = true} : memref<10240xf32, #tpu.memory_space<vmem>>[vector<16xi32>], vector<16xf32>,
        %get3A_506 = arith.constant 0 : i32
        %get3A_507 = arith.constant 1 : i32
        %get3A_508 = arith.index_cast %get3A_506 : i32 to index
        %get3A_509 = arith.index_cast %get3A_507 : i32 to index
        %get3A_510 = arith.constant 464 : index
        %get3A_511 = tpu.vector_load %arg6[%get3A_508, %get3A_509, %get3A_510] {strides = array<i32>} : memref<2x2x512xi32, #tpu.memory_space<vmem>>, vector<16xi32>,
        tpu.vector_store_idx %arg11[%get3A_511], %broadcast_in_dim3A_21 {add = true} : memref<10240xf32, #tpu.memory_space<vmem>>[vector<16xi32>], vector<16xf32>,
        %get3A_512 = arith.constant 0 : i32
        %get3A_513 = arith.constant 1 : i32
        %get3A_514 = arith.index_cast %get3A_512 : i32 to index
        %get3A_515 = arith.index_cast %get3A_513 : i32 to index
        %get3A_516 = arith.constant 480 : index
        %get3A_517 = tpu.vector_load %arg6[%get3A_514, %get3A_515, %get3A_516] {strides = array<i32>} : memref<2x2x512xi32, #tpu.memory_space<vmem>>, vector<16xi32>,
        tpu.vector_store_idx %arg11[%get3A_517], %broadcast_in_dim3A_21 {add = true} : memref<10240xf32, #tpu.memory_space<vmem>>[vector<16xi32>], vector<16xf32>,
        %get3A_518 = arith.constant 0 : i32
        %get3A_519 = arith.constant 1 : i32
        %get3A_520 = arith.index_cast %get3A_518 : i32 to index
        %get3A_521 = arith.index_cast %get3A_519 : i32 to index
        %get3A_522 = arith.constant 496 : index
        %get3A_523 = tpu.vector_load %arg6[%get3A_520, %get3A_521, %get3A_522] {strides = array<i32>} : memref<2x2x512xi32, #tpu.memory_space<vmem>>, vector<16xi32>,
        tpu.vector_store_idx %arg11[%get3A_523], %broadcast_in_dim3A_21 {add = true} : memref<10240xf32, #tpu.memory_space<vmem>>[vector<16xi32>], vector<16xf32>,
        %dma_wait3A_524 = arith.constant 0 : i32
        %dma_wait3A_525 = arith.constant 0 : i32
        %dma_wait3A_526 = arith.constant 448 : i32
        %dma_wait3A_527 = tpu.memref_slice %arg6[%dma_wait3A_524, %dma_wait3A_525, %dma_wait3A_526] : memref<2x2x512xi32, #tpu.memory_space<vmem>> -> memref<1x1x64xi32, #tpu.memory_space<vmem>>
        %dma_wait3A_528 = tpu.memref_squeeze %dma_wait3A_527 : memref<1x1x64xi32, #tpu.memory_space<vmem>> -> memref<64xi32, #tpu.memory_space<vmem>>
        %dma_wait3A_529 = arith.constant 0 : i32
        %dma_wait3A_530 = arith.constant 0 : i32
        %dma_wait3A_531 = tpu.memref_slice %arg2[%dma_wait3A_529, %dma_wait3A_530] : memref<10000x128xf32, #tpu.memory_space<hbm>> -> memref<10000x128xf32, #tpu.memory_space<hbm>>
        tpu.wait_indirect_dma semaphore(%arg16 : memref<!tpu.dma_semaphore, #tpu.memory_space<semaphore_mem>>) src(%dma_wait3A_531 : memref<10000x128xf32, #tpu.memory_space<hbm>>) dst(%arg10 : memref<64x128xf32, #tpu.memory_space<vmem>>)
        %dma_start3A_532 = arith.constant 0 : i32
        %dma_start3A_533 = arith.constant 1 : i32
        %dma_start3A_534 = arith.constant 448 : i32
        %dma_start3A_535 = tpu.memref_slice %arg6[%dma_start3A_532, %dma_start3A_533, %dma_start3A_534] : memref<2x2x512xi32, #tpu.memory_space<vmem>> -> memref<1x1x64xi32, #tpu.memory_space<vmem>>
        %dma_start3A_536 = tpu.memref_squeeze %dma_start3A_535 : memref<1x1x64xi32, #tpu.memory_space<vmem>> -> memref<64xi32, #tpu.memory_space<vmem>>
        %dma_start3A_537 = arith.constant 0 : i32
        %dma_start3A_538 = arith.constant 0 : i32
        %dma_start3A_539 = tpu.memref_slice %arg12[%dma_start3A_537, %dma_start3A_538] : memref<10240x128xf32, #tpu.memory_space<vmem_shared>> -> memref<10240x128xf32, #tpu.memory_space<vmem_shared>>
        tpu.enqueue_indirect_dma source(%arg10 : memref<64x128xf32, #tpu.memory_space<vmem>>) target(%dma_start3A_539 : memref<10240x128xf32, #tpu.memory_space<vmem_shared>>) offsets(%dma_start3A_536 : memref<64xi32, #tpu.memory_space<vmem>>) semaphore(%arg22 : memref<!tpu.dma_semaphore, #tpu.memory_space<semaphore_mem>>) {add = true}
      } else {
      }
      %mul3A_416 = arith.constant 2 : i32
      %mul3A_417 = arith.muli %mul3A_416, %scan3A_343 : i32
      %add3A_418 = arith.constant 1 : i32
      %add3A_419 = arith.addi %mul3A_417, %add3A_418 : i32
      %add3A_420 = arith.constant 1 : i32
      %add3A_421 = arith.addi %add3A_419, %add3A_420 : i32
      %lt3A_422 = arith.cmpi slt, %add3A_421, %select_n3A : i32
      %convert_element_type3A_423 = arith.extui %lt3A_422 : i1 to i32
      %cond3A_424 = arith.constant 0 : i32
      %cond3A_425 = arith.cmpi ne, %convert_element_type3A_423, %cond3A_424 : i32
      scf.if %cond3A_425 {
        %add3A_491 = arith.constant 1 : i32
        %add3A_492 = arith.addi %add3A_419, %add3A_491 : i32
        %mul3A_493 = arith.constant 8 : i32
        %mul3A_494 = arith.muli %add3A_492, %mul3A_493 : i32
        %mul3A_495 = arith.constant 64 : i32
        %mul3A_496 = arith.muli %mul3A_494, %mul3A_495 : i32
        %add3A_497 = arith.addi %mul3A_2, %mul3A_496 : i32
        %dma_start3A_498 = arith.constant 0 : i32
        %dma_start3A_499 = arith.constant 0 : i32
        %dma_start3A_500 = arith.constant 0 : i32
        %dma_start3A_501 = tpu.memref_slice %arg6[%dma_start3A_498, %dma_start3A_499, %dma_start3A_500] : memref<2x2x512xi32, #tpu.memory_space<vmem>> -> memref<1x2x512xi32, #tpu.memory_space<vmem>>
        %dma_start3A_502 = tpu.memref_squeeze %dma_start3A_501 : memref<1x2x512xi32, #tpu.memory_space<vmem>> -> memref<2x512xi32, #tpu.memory_space<vmem>>
        %dma_start3A_503 = arith.constant 0 : i32
        %dma_start3A_504 = tpu.memref_slice %arg3[%dma_start3A_503, %add3A_497] : memref<2x320000xi32, #tpu.memory_space<hbm>> -> memref<2x512xi32, #tpu.memory_space<hbm>>
        %dma_start3A_505 = arith.constant 0 : i32
        %dma_start3A_506 = arith.constant 0 : i32
        %dma_start3A_507 = tpu.memref_slice %arg6[%dma_start3A_498, %dma_start3A_505, %dma_start3A_506] : memref<2x2x512xi32, #tpu.memory_space<vmem>> -> memref<1x2x512xi32, #tpu.memory_space<vmem>>
        %dma_start3A_508 = tpu.memref_squeeze %dma_start3A_507 : memref<1x2x512xi32, #tpu.memory_space<vmem>> -> memref<2x512xi32, #tpu.memory_space<vmem>>
        %dma_start3A_509 = arith.constant 0 : i32
        %dma_start3A_510 = tpu.memref_slice %arg3[%dma_start3A_509, %add3A_497] : memref<2x320000xi32, #tpu.memory_space<hbm>> -> memref<2x512xi32, #tpu.memory_space<hbm>>
        tpu.enqueue_dma source(%dma_start3A_510 : memref<2x512xi32, #tpu.memory_space<hbm>>) target(%dma_start3A_508 : memref<2x512xi32, #tpu.memory_space<vmem>>) target_semaphore(%arg17 : memref<!tpu.dma_semaphore, #tpu.memory_space<semaphore_mem>>)
      } else {
      }
      %mul3A_426 = arith.constant 8 : i32
      %mul3A_427 = arith.muli %add3A_419, %mul3A_426 : i32
      %add3A_428 = arith.constant 0 : i32
      %add3A_429 = arith.addi %mul3A_427, %add3A_428 : i32
      %lt3A_430 = arith.cmpi slt, %add3A_419, %select_n3A : i32
      %convert_element_type3A_431 = arith.extui %lt3A_430 : i1 to i32
      %cond3A_432 = arith.constant 0 : i32
      %cond3A_433 = arith.cmpi ne, %convert_element_type3A_431, %cond3A_432 : i32
      scf.if %cond3A_433 {
        %ge3A = arith.constant 1 : i32
        %ge3A_491 = arith.cmpi sge, %add3A_429, %ge3A : i32
        %convert_element_type3A_492 = arith.extui %ge3A_491 : i1 to i32
        %cond3A_493 = arith.constant 0 : i32
        %cond3A_494 = arith.cmpi ne, %convert_element_type3A_492, %cond3A_493 : i32
        scf.if %cond3A_494 {
          %dma_wait3A_542 = arith.constant 1 : i32
          %dma_wait3A_543 = arith.constant 1 : i32
          %dma_wait3A_544 = arith.constant 0 : i32
          %dma_wait3A_545 = tpu.memref_slice %arg6[%dma_wait3A_542, %dma_wait3A_543, %dma_wait3A_544] : memref<2x2x512xi32, #tpu.memory_space<vmem>> -> memref<1x1x64xi32, #tpu.memory_space<vmem>>
          %dma_wait3A_546 = tpu.memref_squeeze %dma_wait3A_545 : memref<1x1x64xi32, #tpu.memory_space<vmem>> -> memref<64xi32, #tpu.memory_space<vmem>>
          %dma_wait3A_547 = arith.constant 0 : i32
          %dma_wait3A_548 = arith.constant 0 : i32
          %dma_wait3A_549 = tpu.memref_slice %arg12[%dma_wait3A_547, %dma_wait3A_548] : memref<10240x128xf32, #tpu.memory_space<vmem_shared>> -> memref<10240x128xf32, #tpu.memory_space<vmem_shared>>
          tpu.wait_indirect_dma semaphore(%arg22 : memref<!tpu.dma_semaphore, #tpu.memory_space<semaphore_mem>>) src(%arg10 : memref<64x128xf32, #tpu.memory_space<vmem>>) dst(%dma_wait3A_549 : memref<10240x128xf32, #tpu.memory_space<vmem_shared>>)
        } else {
        }
        %add3A_495 = arith.constant 3 : i32
        %add3A_496 = arith.addi %add3A_429, %add3A_495 : i32
        %mul3A_497 = arith.constant 8 : i32
        %mul3A_498 = arith.muli %select_n3A, %mul3A_497 : i32
        %lt3A_499 = arith.cmpi slt, %add3A_496, %mul3A_498 : i32
        %convert_element_type3A_500 = arith.extui %lt3A_499 : i1 to i32
        %cond3A_501 = arith.constant 0 : i32
        %cond3A_502 = arith.cmpi ne, %convert_element_type3A_500, %cond3A_501 : i32
        scf.if %cond3A_502 {
          %dma_start3A_542 = arith.constant 1 : i32
          %dma_start3A_543 = arith.constant 0 : i32
          %dma_start3A_544 = arith.constant 192 : i32
          %dma_start3A_545 = tpu.memref_slice %arg6[%dma_start3A_542, %dma_start3A_543, %dma_start3A_544] : memref<2x2x512xi32, #tpu.memory_space<vmem>> -> memref<1x1x64xi32, #tpu.memory_space<vmem>>
          %dma_start3A_546 = tpu.memref_squeeze %dma_start3A_545 : memref<1x1x64xi32, #tpu.memory_space<vmem>> -> memref<64xi32, #tpu.memory_space<vmem>>
          %dma_start3A_547 = arith.constant 0 : i32
          %dma_start3A_548 = arith.constant 0 : i32
          %dma_start3A_549 = tpu.memref_slice %arg2[%dma_start3A_547, %dma_start3A_548] : memref<10000x128xf32, #tpu.memory_space<hbm>> -> memref<10000x128xf32, #tpu.memory_space<hbm>>
          tpu.enqueue_indirect_dma source(%dma_start3A_549 : memref<10000x128xf32, #tpu.memory_space<hbm>>) target(%arg10 : memref<64x128xf32, #tpu.memory_space<vmem>>) offsets(%dma_start3A_546 : memref<64xi32, #tpu.memory_space<vmem>>) semaphore(%arg16 : memref<!tpu.dma_semaphore, #tpu.memory_space<semaphore_mem>>)
        } else {
        }
        %get3A = arith.constant 1 : i32
        %get3A_503 = arith.constant 1 : i32
        %get3A_504 = arith.index_cast %get3A : i32 to index
        %get3A_505 = arith.index_cast %get3A_503 : i32 to index
        %get3A_506 = arith.constant 0 : index
        %get3A_507 = tpu.vector_load %arg6[%get3A_504, %get3A_505, %get3A_506] {strides = array<i32>} : memref<2x2x512xi32, #tpu.memory_space<vmem>>, vector<16xi32>,
        tpu.vector_store_idx %arg11[%get3A_507], %broadcast_in_dim3A_21 {add = true} : memref<10240xf32, #tpu.memory_space<vmem>>[vector<16xi32>], vector<16xf32>,
        %get3A_508 = arith.constant 1 : i32
        %get3A_509 = arith.constant 1 : i32
        %get3A_510 = arith.index_cast %get3A_508 : i32 to index
        %get3A_511 = arith.index_cast %get3A_509 : i32 to index
        %get3A_512 = arith.constant 16 : index
        %get3A_513 = tpu.vector_load %arg6[%get3A_510, %get3A_511, %get3A_512] {strides = array<i32>} : memref<2x2x512xi32, #tpu.memory_space<vmem>>, vector<16xi32>,
        tpu.vector_store_idx %arg11[%get3A_513], %broadcast_in_dim3A_21 {add = true} : memref<10240xf32, #tpu.memory_space<vmem>>[vector<16xi32>], vector<16xf32>,
        %get3A_514 = arith.constant 1 : i32
        %get3A_515 = arith.constant 1 : i32
        %get3A_516 = arith.index_cast %get3A_514 : i32 to index
        %get3A_517 = arith.index_cast %get3A_515 : i32 to index
        %get3A_518 = arith.constant 32 : index
        %get3A_519 = tpu.vector_load %arg6[%get3A_516, %get3A_517, %get3A_518] {strides = array<i32>} : memref<2x2x512xi32, #tpu.memory_space<vmem>>, vector<16xi32>,
        tpu.vector_store_idx %arg11[%get3A_519], %broadcast_in_dim3A_21 {add = true} : memref<10240xf32, #tpu.memory_space<vmem>>[vector<16xi32>], vector<16xf32>,
        %get3A_520 = arith.constant 1 : i32
        %get3A_521 = arith.constant 1 : i32
        %get3A_522 = arith.index_cast %get3A_520 : i32 to index
        %get3A_523 = arith.index_cast %get3A_521 : i32 to index
        %get3A_524 = arith.constant 48 : index
        %get3A_525 = tpu.vector_load %arg6[%get3A_522, %get3A_523, %get3A_524] {strides = array<i32>} : memref<2x2x512xi32, #tpu.memory_space<vmem>>, vector<16xi32>,
        tpu.vector_store_idx %arg11[%get3A_525], %broadcast_in_dim3A_21 {add = true} : memref<10240xf32, #tpu.memory_space<vmem>>[vector<16xi32>], vector<16xf32>,
        %dma_wait3A_526 = arith.constant 1 : i32
        %dma_wait3A_527 = arith.constant 0 : i32
        %dma_wait3A_528 = arith.constant 0 : i32
        %dma_wait3A_529 = tpu.memref_slice %arg6[%dma_wait3A_526, %dma_wait3A_527, %dma_wait3A_528] : memref<2x2x512xi32, #tpu.memory_space<vmem>> -> memref<1x1x64xi32, #tpu.memory_space<vmem>>
        %dma_wait3A_530 = tpu.memref_squeeze %dma_wait3A_529 : memref<1x1x64xi32, #tpu.memory_space<vmem>> -> memref<64xi32, #tpu.memory_space<vmem>>
        %dma_wait3A_531 = arith.constant 0 : i32
        %dma_wait3A_532 = arith.constant 0 : i32
        %dma_wait3A_533 = tpu.memref_slice %arg2[%dma_wait3A_531, %dma_wait3A_532] : memref<10000x128xf32, #tpu.memory_space<hbm>> -> memref<10000x128xf32, #tpu.memory_space<hbm>>
        tpu.wait_indirect_dma semaphore(%arg13 : memref<!tpu.dma_semaphore, #tpu.memory_space<semaphore_mem>>) src(%dma_wait3A_533 : memref<10000x128xf32, #tpu.memory_space<hbm>>) dst(%arg7 : memref<64x128xf32, #tpu.memory_space<vmem>>)
        %dma_start3A_534 = arith.constant 1 : i32
        %dma_start3A_535 = arith.constant 1 : i32
        %dma_start3A_536 = arith.constant 0 : i32
        %dma_start3A_537 = tpu.memref_slice %arg6[%dma_start3A_534, %dma_start3A_535, %dma_start3A_536] : memref<2x2x512xi32, #tpu.memory_space<vmem>> -> memref<1x1x64xi32, #tpu.memory_space<vmem>>
        %dma_start3A_538 = tpu.memref_squeeze %dma_start3A_537 : memref<1x1x64xi32, #tpu.memory_space<vmem>> -> memref<64xi32, #tpu.memory_space<vmem>>
        %dma_start3A_539 = arith.constant 0 : i32
        %dma_start3A_540 = arith.constant 0 : i32
        %dma_start3A_541 = tpu.memref_slice %arg12[%dma_start3A_539, %dma_start3A_540] : memref<10240x128xf32, #tpu.memory_space<vmem_shared>> -> memref<10240x128xf32, #tpu.memory_space<vmem_shared>>
        tpu.enqueue_indirect_dma source(%arg7 : memref<64x128xf32, #tpu.memory_space<vmem>>) target(%dma_start3A_541 : memref<10240x128xf32, #tpu.memory_space<vmem_shared>>) offsets(%dma_start3A_538 : memref<64xi32, #tpu.memory_space<vmem>>) semaphore(%arg19 : memref<!tpu.dma_semaphore, #tpu.memory_space<semaphore_mem>>) {add = true}
      } else {
      }
      %mul3A_434 = arith.constant 8 : i32
      %mul3A_435 = arith.muli %add3A_419, %mul3A_434 : i32
      %add3A_436 = arith.constant 1 : i32
      %add3A_437 = arith.addi %mul3A_435, %add3A_436 : i32
      %lt3A_438 = arith.cmpi slt, %add3A_419, %select_n3A : i32
      %convert_element_type3A_439 = arith.extui %lt3A_438 : i1 to i32
      %cond3A_440 = arith.constant 0 : i32
      %cond3A_441 = arith.cmpi ne, %convert_element_type3A_439, %cond3A_440 : i32
      scf.if %cond3A_441 {
        %ge3A = arith.constant 1 : i32
        %ge3A_491 = arith.cmpi sge, %add3A_437, %ge3A : i32
        %convert_element_type3A_492 = arith.extui %ge3A_491 : i1 to i32
        %cond3A_493 = arith.constant 0 : i32
        %cond3A_494 = arith.cmpi ne, %convert_element_type3A_492, %cond3A_493 : i32
        scf.if %cond3A_494 {
          %dma_wait3A_542 = arith.constant 1 : i32
          %dma_wait3A_543 = arith.constant 1 : i32
          %dma_wait3A_544 = arith.constant 0 : i32
          %dma_wait3A_545 = tpu.memref_slice %arg6[%dma_wait3A_542, %dma_wait3A_543, %dma_wait3A_544] : memref<2x2x512xi32, #tpu.memory_space<vmem>> -> memref<1x1x64xi32, #tpu.memory_space<vmem>>
          %dma_wait3A_546 = tpu.memref_squeeze %dma_wait3A_545 : memref<1x1x64xi32, #tpu.memory_space<vmem>> -> memref<64xi32, #tpu.memory_space<vmem>>
          %dma_wait3A_547 = arith.constant 0 : i32
          %dma_wait3A_548 = arith.constant 0 : i32
          %dma_wait3A_549 = tpu.memref_slice %arg12[%dma_wait3A_547, %dma_wait3A_548] : memref<10240x128xf32, #tpu.memory_space<vmem_shared>> -> memref<10240x128xf32, #tpu.memory_space<vmem_shared>>
          tpu.wait_indirect_dma semaphore(%arg19 : memref<!tpu.dma_semaphore, #tpu.memory_space<semaphore_mem>>) src(%arg7 : memref<64x128xf32, #tpu.memory_space<vmem>>) dst(%dma_wait3A_549 : memref<10240x128xf32, #tpu.memory_space<vmem_shared>>)
        } else {
        }
        %add3A_495 = arith.constant 3 : i32
        %add3A_496 = arith.addi %add3A_437, %add3A_495 : i32
        %mul3A_497 = arith.constant 8 : i32
        %mul3A_498 = arith.muli %select_n3A, %mul3A_497 : i32
        %lt3A_499 = arith.cmpi slt, %add3A_496, %mul3A_498 : i32
        %convert_element_type3A_500 = arith.extui %lt3A_499 : i1 to i32
        %cond3A_501 = arith.constant 0 : i32
        %cond3A_502 = arith.cmpi ne, %convert_element_type3A_500, %cond3A_501 : i32
        scf.if %cond3A_502 {
          %dma_start3A_542 = arith.constant 1 : i32
          %dma_start3A_543 = arith.constant 0 : i32
          %dma_start3A_544 = arith.constant 256 : i32
          %dma_start3A_545 = tpu.memref_slice %arg6[%dma_start3A_542, %dma_start3A_543, %dma_start3A_544] : memref<2x2x512xi32, #tpu.memory_space<vmem>> -> memref<1x1x64xi32, #tpu.memory_space<vmem>>
          %dma_start3A_546 = tpu.memref_squeeze %dma_start3A_545 : memref<1x1x64xi32, #tpu.memory_space<vmem>> -> memref<64xi32, #tpu.memory_space<vmem>>
          %dma_start3A_547 = arith.constant 0 : i32
          %dma_start3A_548 = arith.constant 0 : i32
          %dma_start3A_549 = tpu.memref_slice %arg2[%dma_start3A_547, %dma_start3A_548] : memref<10000x128xf32, #tpu.memory_space<hbm>> -> memref<10000x128xf32, #tpu.memory_space<hbm>>
          tpu.enqueue_indirect_dma source(%dma_start3A_549 : memref<10000x128xf32, #tpu.memory_space<hbm>>) target(%arg7 : memref<64x128xf32, #tpu.memory_space<vmem>>) offsets(%dma_start3A_546 : memref<64xi32, #tpu.memory_space<vmem>>) semaphore(%arg13 : memref<!tpu.dma_semaphore, #tpu.memory_space<semaphore_mem>>)
        } else {
        }
        %get3A = arith.constant 1 : i32
        %get3A_503 = arith.constant 1 : i32
        %get3A_504 = arith.index_cast %get3A : i32 to index
        %get3A_505 = arith.index_cast %get3A_503 : i32 to index
        %get3A_506 = arith.constant 64 : index
        %get3A_507 = tpu.vector_load %arg6[%get3A_504, %get3A_505, %get3A_506] {strides = array<i32>} : memref<2x2x512xi32, #tpu.memory_space<vmem>>, vector<16xi32>,
        tpu.vector_store_idx %arg11[%get3A_507], %broadcast_in_dim3A_21 {add = true} : memref<10240xf32, #tpu.memory_space<vmem>>[vector<16xi32>], vector<16xf32>,
        %get3A_508 = arith.constant 1 : i32
        %get3A_509 = arith.constant 1 : i32
        %get3A_510 = arith.index_cast %get3A_508 : i32 to index
        %get3A_511 = arith.index_cast %get3A_509 : i32 to index
        %get3A_512 = arith.constant 80 : index
        %get3A_513 = tpu.vector_load %arg6[%get3A_510, %get3A_511, %get3A_512] {strides = array<i32>} : memref<2x2x512xi32, #tpu.memory_space<vmem>>, vector<16xi32>,
        tpu.vector_store_idx %arg11[%get3A_513], %broadcast_in_dim3A_21 {add = true} : memref<10240xf32, #tpu.memory_space<vmem>>[vector<16xi32>], vector<16xf32>,
        %get3A_514 = arith.constant 1 : i32
        %get3A_515 = arith.constant 1 : i32
        %get3A_516 = arith.index_cast %get3A_514 : i32 to index
        %get3A_517 = arith.index_cast %get3A_515 : i32 to index
        %get3A_518 = arith.constant 96 : index
        %get3A_519 = tpu.vector_load %arg6[%get3A_516, %get3A_517, %get3A_518] {strides = array<i32>} : memref<2x2x512xi32, #tpu.memory_space<vmem>>, vector<16xi32>,
        tpu.vector_store_idx %arg11[%get3A_519], %broadcast_in_dim3A_21 {add = true} : memref<10240xf32, #tpu.memory_space<vmem>>[vector<16xi32>], vector<16xf32>,
        %get3A_520 = arith.constant 1 : i32
        %get3A_521 = arith.constant 1 : i32
        %get3A_522 = arith.index_cast %get3A_520 : i32 to index
        %get3A_523 = arith.index_cast %get3A_521 : i32 to index
        %get3A_524 = arith.constant 112 : index
        %get3A_525 = tpu.vector_load %arg6[%get3A_522, %get3A_523, %get3A_524] {strides = array<i32>} : memref<2x2x512xi32, #tpu.memory_space<vmem>>, vector<16xi32>,
        tpu.vector_store_idx %arg11[%get3A_525], %broadcast_in_dim3A_21 {add = true} : memref<10240xf32, #tpu.memory_space<vmem>>[vector<16xi32>], vector<16xf32>,
        %dma_wait3A_526 = arith.constant 1 : i32
        %dma_wait3A_527 = arith.constant 0 : i32
        %dma_wait3A_528 = arith.constant 64 : i32
        %dma_wait3A_529 = tpu.memref_slice %arg6[%dma_wait3A_526, %dma_wait3A_527, %dma_wait3A_528] : memref<2x2x512xi32, #tpu.memory_space<vmem>> -> memref<1x1x64xi32, #tpu.memory_space<vmem>>
        %dma_wait3A_530 = tpu.memref_squeeze %dma_wait3A_529 : memref<1x1x64xi32, #tpu.memory_space<vmem>> -> memref<64xi32, #tpu.memory_space<vmem>>
        %dma_wait3A_531 = arith.constant 0 : i32
        %dma_wait3A_532 = arith.constant 0 : i32
        %dma_wait3A_533 = tpu.memref_slice %arg2[%dma_wait3A_531, %dma_wait3A_532] : memref<10000x128xf32, #tpu.memory_space<hbm>> -> memref<10000x128xf32, #tpu.memory_space<hbm>>
        tpu.wait_indirect_dma semaphore(%arg14 : memref<!tpu.dma_semaphore, #tpu.memory_space<semaphore_mem>>) src(%dma_wait3A_533 : memref<10000x128xf32, #tpu.memory_space<hbm>>) dst(%arg8 : memref<64x128xf32, #tpu.memory_space<vmem>>)
        %dma_start3A_534 = arith.constant 1 : i32
        %dma_start3A_535 = arith.constant 1 : i32
        %dma_start3A_536 = arith.constant 64 : i32
        %dma_start3A_537 = tpu.memref_slice %arg6[%dma_start3A_534, %dma_start3A_535, %dma_start3A_536] : memref<2x2x512xi32, #tpu.memory_space<vmem>> -> memref<1x1x64xi32, #tpu.memory_space<vmem>>
        %dma_start3A_538 = tpu.memref_squeeze %dma_start3A_537 : memref<1x1x64xi32, #tpu.memory_space<vmem>> -> memref<64xi32, #tpu.memory_space<vmem>>
        %dma_start3A_539 = arith.constant 0 : i32
        %dma_start3A_540 = arith.constant 0 : i32
        %dma_start3A_541 = tpu.memref_slice %arg12[%dma_start3A_539, %dma_start3A_540] : memref<10240x128xf32, #tpu.memory_space<vmem_shared>> -> memref<10240x128xf32, #tpu.memory_space<vmem_shared>>
        tpu.enqueue_indirect_dma source(%arg8 : memref<64x128xf32, #tpu.memory_space<vmem>>) target(%dma_start3A_541 : memref<10240x128xf32, #tpu.memory_space<vmem_shared>>) offsets(%dma_start3A_538 : memref<64xi32, #tpu.memory_space<vmem>>) semaphore(%arg20 : memref<!tpu.dma_semaphore, #tpu.memory_space<semaphore_mem>>) {add = true}
      } else {
      }
      %mul3A_442 = arith.constant 8 : i32
      %mul3A_443 = arith.muli %add3A_419, %mul3A_442 : i32
      %add3A_444 = arith.constant 2 : i32
      %add3A_445 = arith.addi %mul3A_443, %add3A_444 : i32
      %lt3A_446 = arith.cmpi slt, %add3A_419, %select_n3A : i32
      %convert_element_type3A_447 = arith.extui %lt3A_446 : i1 to i32
      %cond3A_448 = arith.constant 0 : i32
      %cond3A_449 = arith.cmpi ne, %convert_element_type3A_447, %cond3A_448 : i32
      scf.if %cond3A_449 {
        %ge3A = arith.constant 1 : i32
        %ge3A_491 = arith.cmpi sge, %add3A_445, %ge3A : i32
        %convert_element_type3A_492 = arith.extui %ge3A_491 : i1 to i32
        %cond3A_493 = arith.constant 0 : i32
        %cond3A_494 = arith.cmpi ne, %convert_element_type3A_492, %cond3A_493 : i32
        scf.if %cond3A_494 {
          %dma_wait3A_542 = arith.constant 1 : i32
          %dma_wait3A_543 = arith.constant 1 : i32
          %dma_wait3A_544 = arith.constant 0 : i32
          %dma_wait3A_545 = tpu.memref_slice %arg6[%dma_wait3A_542, %dma_wait3A_543, %dma_wait3A_544] : memref<2x2x512xi32, #tpu.memory_space<vmem>> -> memref<1x1x64xi32, #tpu.memory_space<vmem>>
          %dma_wait3A_546 = tpu.memref_squeeze %dma_wait3A_545 : memref<1x1x64xi32, #tpu.memory_space<vmem>> -> memref<64xi32, #tpu.memory_space<vmem>>
          %dma_wait3A_547 = arith.constant 0 : i32
          %dma_wait3A_548 = arith.constant 0 : i32
          %dma_wait3A_549 = tpu.memref_slice %arg12[%dma_wait3A_547, %dma_wait3A_548] : memref<10240x128xf32, #tpu.memory_space<vmem_shared>> -> memref<10240x128xf32, #tpu.memory_space<vmem_shared>>
          tpu.wait_indirect_dma semaphore(%arg20 : memref<!tpu.dma_semaphore, #tpu.memory_space<semaphore_mem>>) src(%arg8 : memref<64x128xf32, #tpu.memory_space<vmem>>) dst(%dma_wait3A_549 : memref<10240x128xf32, #tpu.memory_space<vmem_shared>>)
        } else {
        }
        %add3A_495 = arith.constant 3 : i32
        %add3A_496 = arith.addi %add3A_445, %add3A_495 : i32
        %mul3A_497 = arith.constant 8 : i32
        %mul3A_498 = arith.muli %select_n3A, %mul3A_497 : i32
        %lt3A_499 = arith.cmpi slt, %add3A_496, %mul3A_498 : i32
        %convert_element_type3A_500 = arith.extui %lt3A_499 : i1 to i32
        %cond3A_501 = arith.constant 0 : i32
        %cond3A_502 = arith.cmpi ne, %convert_element_type3A_500, %cond3A_501 : i32
        scf.if %cond3A_502 {
          %dma_start3A_542 = arith.constant 1 : i32
          %dma_start3A_543 = arith.constant 0 : i32
          %dma_start3A_544 = arith.constant 320 : i32
          %dma_start3A_545 = tpu.memref_slice %arg6[%dma_start3A_542, %dma_start3A_543, %dma_start3A_544] : memref<2x2x512xi32, #tpu.memory_space<vmem>> -> memref<1x1x64xi32, #tpu.memory_space<vmem>>
          %dma_start3A_546 = tpu.memref_squeeze %dma_start3A_545 : memref<1x1x64xi32, #tpu.memory_space<vmem>> -> memref<64xi32, #tpu.memory_space<vmem>>
          %dma_start3A_547 = arith.constant 0 : i32
          %dma_start3A_548 = arith.constant 0 : i32
          %dma_start3A_549 = tpu.memref_slice %arg2[%dma_start3A_547, %dma_start3A_548] : memref<10000x128xf32, #tpu.memory_space<hbm>> -> memref<10000x128xf32, #tpu.memory_space<hbm>>
          tpu.enqueue_indirect_dma source(%dma_start3A_549 : memref<10000x128xf32, #tpu.memory_space<hbm>>) target(%arg8 : memref<64x128xf32, #tpu.memory_space<vmem>>) offsets(%dma_start3A_546 : memref<64xi32, #tpu.memory_space<vmem>>) semaphore(%arg14 : memref<!tpu.dma_semaphore, #tpu.memory_space<semaphore_mem>>)
        } else {
        }
        %get3A = arith.constant 1 : i32
        %get3A_503 = arith.constant 1 : i32
        %get3A_504 = arith.index_cast %get3A : i32 to index
        %get3A_505 = arith.index_cast %get3A_503 : i32 to index
        %get3A_506 = arith.constant 128 : index
        %get3A_507 = tpu.vector_load %arg6[%get3A_504, %get3A_505, %get3A_506] {strides = array<i32>} : memref<2x2x512xi32, #tpu.memory_space<vmem>>, vector<16xi32>,
        tpu.vector_store_idx %arg11[%get3A_507], %broadcast_in_dim3A_21 {add = true} : memref<10240xf32, #tpu.memory_space<vmem>>[vector<16xi32>], vector<16xf32>,
        %get3A_508 = arith.constant 1 : i32
        %get3A_509 = arith.constant 1 : i32
        %get3A_510 = arith.index_cast %get3A_508 : i32 to index
        %get3A_511 = arith.index_cast %get3A_509 : i32 to index
        %get3A_512 = arith.constant 144 : index
        %get3A_513 = tpu.vector_load %arg6[%get3A_510, %get3A_511, %get3A_512] {strides = array<i32>} : memref<2x2x512xi32, #tpu.memory_space<vmem>>, vector<16xi32>,
        tpu.vector_store_idx %arg11[%get3A_513], %broadcast_in_dim3A_21 {add = true} : memref<10240xf32, #tpu.memory_space<vmem>>[vector<16xi32>], vector<16xf32>,
        %get3A_514 = arith.constant 1 : i32
        %get3A_515 = arith.constant 1 : i32
        %get3A_516 = arith.index_cast %get3A_514 : i32 to index
        %get3A_517 = arith.index_cast %get3A_515 : i32 to index
        %get3A_518 = arith.constant 160 : index
        %get3A_519 = tpu.vector_load %arg6[%get3A_516, %get3A_517, %get3A_518] {strides = array<i32>} : memref<2x2x512xi32, #tpu.memory_space<vmem>>, vector<16xi32>,
        tpu.vector_store_idx %arg11[%get3A_519], %broadcast_in_dim3A_21 {add = true} : memref<10240xf32, #tpu.memory_space<vmem>>[vector<16xi32>], vector<16xf32>,
        %get3A_520 = arith.constant 1 : i32
        %get3A_521 = arith.constant 1 : i32
        %get3A_522 = arith.index_cast %get3A_520 : i32 to index
        %get3A_523 = arith.index_cast %get3A_521 : i32 to index
        %get3A_524 = arith.constant 176 : index
        %get3A_525 = tpu.vector_load %arg6[%get3A_522, %get3A_523, %get3A_524] {strides = array<i32>} : memref<2x2x512xi32, #tpu.memory_space<vmem>>, vector<16xi32>,
        tpu.vector_store_idx %arg11[%get3A_525], %broadcast_in_dim3A_21 {add = true} : memref<10240xf32, #tpu.memory_space<vmem>>[vector<16xi32>], vector<16xf32>,
        %dma_wait3A_526 = arith.constant 1 : i32
        %dma_wait3A_527 = arith.constant 0 : i32
        %dma_wait3A_528 = arith.constant 128 : i32
        %dma_wait3A_529 = tpu.memref_slice %arg6[%dma_wait3A_526, %dma_wait3A_527, %dma_wait3A_528] : memref<2x2x512xi32, #tpu.memory_space<vmem>> -> memref<1x1x64xi32, #tpu.memory_space<vmem>>
        %dma_wait3A_530 = tpu.memref_squeeze %dma_wait3A_529 : memref<1x1x64xi32, #tpu.memory_space<vmem>> -> memref<64xi32, #tpu.memory_space<vmem>>
        %dma_wait3A_531 = arith.constant 0 : i32
        %dma_wait3A_532 = arith.constant 0 : i32
        %dma_wait3A_533 = tpu.memref_slice %arg2[%dma_wait3A_531, %dma_wait3A_532] : memref<10000x128xf32, #tpu.memory_space<hbm>> -> memref<10000x128xf32, #tpu.memory_space<hbm>>
        tpu.wait_indirect_dma semaphore(%arg15 : memref<!tpu.dma_semaphore, #tpu.memory_space<semaphore_mem>>) src(%dma_wait3A_533 : memref<10000x128xf32, #tpu.memory_space<hbm>>) dst(%arg9 : memref<64x128xf32, #tpu.memory_space<vmem>>)
        %dma_start3A_534 = arith.constant 1 : i32
        %dma_start3A_535 = arith.constant 1 : i32
        %dma_start3A_536 = arith.constant 128 : i32
        %dma_start3A_537 = tpu.memref_slice %arg6[%dma_start3A_534, %dma_start3A_535, %dma_start3A_536] : memref<2x2x512xi32, #tpu.memory_space<vmem>> -> memref<1x1x64xi32, #tpu.memory_space<vmem>>
        %dma_start3A_538 = tpu.memref_squeeze %dma_start3A_537 : memref<1x1x64xi32, #tpu.memory_space<vmem>> -> memref<64xi32, #tpu.memory_space<vmem>>
        %dma_start3A_539 = arith.constant 0 : i32
        %dma_start3A_540 = arith.constant 0 : i32
        %dma_start3A_541 = tpu.memref_slice %arg12[%dma_start3A_539, %dma_start3A_540] : memref<10240x128xf32, #tpu.memory_space<vmem_shared>> -> memref<10240x128xf32, #tpu.memory_space<vmem_shared>>
        tpu.enqueue_indirect_dma source(%arg9 : memref<64x128xf32, #tpu.memory_space<vmem>>) target(%dma_start3A_541 : memref<10240x128xf32, #tpu.memory_space<vmem_shared>>) offsets(%dma_start3A_538 : memref<64xi32, #tpu.memory_space<vmem>>) semaphore(%arg21 : memref<!tpu.dma_semaphore, #tpu.memory_space<semaphore_mem>>) {add = true}
      } else {
      }
      %mul3A_450 = arith.constant 8 : i32
      %mul3A_451 = arith.muli %add3A_419, %mul3A_450 : i32
      %add3A_452 = arith.constant 3 : i32
      %add3A_453 = arith.addi %mul3A_451, %add3A_452 : i32
      %lt3A_454 = arith.cmpi slt, %add3A_419, %select_n3A : i32
      %convert_element_type3A_455 = arith.extui %lt3A_454 : i1 to i32
      %cond3A_456 = arith.constant 0 : i32
      %cond3A_457 = arith.cmpi ne, %convert_element_type3A_455, %cond3A_456 : i32
      scf.if %cond3A_457 {
        %ge3A = arith.constant 1 : i32
        %ge3A_491 = arith.cmpi sge, %add3A_453, %ge3A : i32
        %convert_element_type3A_492 = arith.extui %ge3A_491 : i1 to i32
        %cond3A_493 = arith.constant 0 : i32
        %cond3A_494 = arith.cmpi ne, %convert_element_type3A_492, %cond3A_493 : i32
        scf.if %cond3A_494 {
          %dma_wait3A_542 = arith.constant 1 : i32
          %dma_wait3A_543 = arith.constant 1 : i32
          %dma_wait3A_544 = arith.constant 0 : i32
          %dma_wait3A_545 = tpu.memref_slice %arg6[%dma_wait3A_542, %dma_wait3A_543, %dma_wait3A_544] : memref<2x2x512xi32, #tpu.memory_space<vmem>> -> memref<1x1x64xi32, #tpu.memory_space<vmem>>
          %dma_wait3A_546 = tpu.memref_squeeze %dma_wait3A_545 : memref<1x1x64xi32, #tpu.memory_space<vmem>> -> memref<64xi32, #tpu.memory_space<vmem>>
          %dma_wait3A_547 = arith.constant 0 : i32
          %dma_wait3A_548 = arith.constant 0 : i32
          %dma_wait3A_549 = tpu.memref_slice %arg12[%dma_wait3A_547, %dma_wait3A_548] : memref<10240x128xf32, #tpu.memory_space<vmem_shared>> -> memref<10240x128xf32, #tpu.memory_space<vmem_shared>>
          tpu.wait_indirect_dma semaphore(%arg21 : memref<!tpu.dma_semaphore, #tpu.memory_space<semaphore_mem>>) src(%arg9 : memref<64x128xf32, #tpu.memory_space<vmem>>) dst(%dma_wait3A_549 : memref<10240x128xf32, #tpu.memory_space<vmem_shared>>)
        } else {
        }
        %add3A_495 = arith.constant 3 : i32
        %add3A_496 = arith.addi %add3A_453, %add3A_495 : i32
        %mul3A_497 = arith.constant 8 : i32
        %mul3A_498 = arith.muli %select_n3A, %mul3A_497 : i32
        %lt3A_499 = arith.cmpi slt, %add3A_496, %mul3A_498 : i32
        %convert_element_type3A_500 = arith.extui %lt3A_499 : i1 to i32
        %cond3A_501 = arith.constant 0 : i32
        %cond3A_502 = arith.cmpi ne, %convert_element_type3A_500, %cond3A_501 : i32
        scf.if %cond3A_502 {
          %dma_start3A_542 = arith.constant 1 : i32
          %dma_start3A_543 = arith.constant 0 : i32
          %dma_start3A_544 = arith.constant 384 : i32
          %dma_start3A_545 = tpu.memref_slice %arg6[%dma_start3A_542, %dma_start3A_543, %dma_start3A_544] : memref<2x2x512xi32, #tpu.memory_space<vmem>> -> memref<1x1x64xi32, #tpu.memory_space<vmem>>
          %dma_start3A_546 = tpu.memref_squeeze %dma_start3A_545 : memref<1x1x64xi32, #tpu.memory_space<vmem>> -> memref<64xi32, #tpu.memory_space<vmem>>
          %dma_start3A_547 = arith.constant 0 : i32
          %dma_start3A_548 = arith.constant 0 : i32
          %dma_start3A_549 = tpu.memref_slice %arg2[%dma_start3A_547, %dma_start3A_548] : memref<10000x128xf32, #tpu.memory_space<hbm>> -> memref<10000x128xf32, #tpu.memory_space<hbm>>
          tpu.enqueue_indirect_dma source(%dma_start3A_549 : memref<10000x128xf32, #tpu.memory_space<hbm>>) target(%arg9 : memref<64x128xf32, #tpu.memory_space<vmem>>) offsets(%dma_start3A_546 : memref<64xi32, #tpu.memory_space<vmem>>) semaphore(%arg15 : memref<!tpu.dma_semaphore, #tpu.memory_space<semaphore_mem>>)
        } else {
        }
        %get3A = arith.constant 1 : i32
        %get3A_503 = arith.constant 1 : i32
        %get3A_504 = arith.index_cast %get3A : i32 to index
        %get3A_505 = arith.index_cast %get3A_503 : i32 to index
        %get3A_506 = arith.constant 192 : index
        %get3A_507 = tpu.vector_load %arg6[%get3A_504, %get3A_505, %get3A_506] {strides = array<i32>} : memref<2x2x512xi32, #tpu.memory_space<vmem>>, vector<16xi32>,
        tpu.vector_store_idx %arg11[%get3A_507], %broadcast_in_dim3A_21 {add = true} : memref<10240xf32, #tpu.memory_space<vmem>>[vector<16xi32>], vector<16xf32>,
        %get3A_508 = arith.constant 1 : i32
        %get3A_509 = arith.constant 1 : i32
        %get3A_510 = arith.index_cast %get3A_508 : i32 to index
        %get3A_511 = arith.index_cast %get3A_509 : i32 to index
        %get3A_512 = arith.constant 208 : index
        %get3A_513 = tpu.vector_load %arg6[%get3A_510, %get3A_511, %get3A_512] {strides = array<i32>} : memref<2x2x512xi32, #tpu.memory_space<vmem>>, vector<16xi32>,
        tpu.vector_store_idx %arg11[%get3A_513], %broadcast_in_dim3A_21 {add = true} : memref<10240xf32, #tpu.memory_space<vmem>>[vector<16xi32>], vector<16xf32>,
        %get3A_514 = arith.constant 1 : i32
        %get3A_515 = arith.constant 1 : i32
        %get3A_516 = arith.index_cast %get3A_514 : i32 to index
        %get3A_517 = arith.index_cast %get3A_515 : i32 to index
        %get3A_518 = arith.constant 224 : index
        %get3A_519 = tpu.vector_load %arg6[%get3A_516, %get3A_517, %get3A_518] {strides = array<i32>} : memref<2x2x512xi32, #tpu.memory_space<vmem>>, vector<16xi32>,
        tpu.vector_store_idx %arg11[%get3A_519], %broadcast_in_dim3A_21 {add = true} : memref<10240xf32, #tpu.memory_space<vmem>>[vector<16xi32>], vector<16xf32>,
        %get3A_520 = arith.constant 1 : i32
        %get3A_521 = arith.constant 1 : i32
        %get3A_522 = arith.index_cast %get3A_520 : i32 to index
        %get3A_523 = arith.index_cast %get3A_521 : i32 to index
        %get3A_524 = arith.constant 240 : index
        %get3A_525 = tpu.vector_load %arg6[%get3A_522, %get3A_523, %get3A_524] {strides = array<i32>} : memref<2x2x512xi32, #tpu.memory_space<vmem>>, vector<16xi32>,
        tpu.vector_store_idx %arg11[%get3A_525], %broadcast_in_dim3A_21 {add = true} : memref<10240xf32, #tpu.memory_space<vmem>>[vector<16xi32>], vector<16xf32>,
        %dma_wait3A_526 = arith.constant 1 : i32
        %dma_wait3A_527 = arith.constant 0 : i32
        %dma_wait3A_528 = arith.constant 192 : i32
        %dma_wait3A_529 = tpu.memref_slice %arg6[%dma_wait3A_526, %dma_wait3A_527, %dma_wait3A_528] : memref<2x2x512xi32, #tpu.memory_space<vmem>> -> memref<1x1x64xi32, #tpu.memory_space<vmem>>
        %dma_wait3A_530 = tpu.memref_squeeze %dma_wait3A_529 : memref<1x1x64xi32, #tpu.memory_space<vmem>> -> memref<64xi32, #tpu.memory_space<vmem>>
        %dma_wait3A_531 = arith.constant 0 : i32
        %dma_wait3A_532 = arith.constant 0 : i32
        %dma_wait3A_533 = tpu.memref_slice %arg2[%dma_wait3A_531, %dma_wait3A_532] : memref<10000x128xf32, #tpu.memory_space<hbm>> -> memref<10000x128xf32, #tpu.memory_space<hbm>>
        tpu.wait_indirect_dma semaphore(%arg16 : memref<!tpu.dma_semaphore, #tpu.memory_space<semaphore_mem>>) src(%dma_wait3A_533 : memref<10000x128xf32, #tpu.memory_space<hbm>>) dst(%arg10 : memref<64x128xf32, #tpu.memory_space<vmem>>)
        %dma_start3A_534 = arith.constant 1 : i32
        %dma_start3A_535 = arith.constant 1 : i32
        %dma_start3A_536 = arith.constant 192 : i32
        %dma_start3A_537 = tpu.memref_slice %arg6[%dma_start3A_534, %dma_start3A_535, %dma_start3A_536] : memref<2x2x512xi32, #tpu.memory_space<vmem>> -> memref<1x1x64xi32, #tpu.memory_space<vmem>>
        %dma_start3A_538 = tpu.memref_squeeze %dma_start3A_537 : memref<1x1x64xi32, #tpu.memory_space<vmem>> -> memref<64xi32, #tpu.memory_space<vmem>>
        %dma_start3A_539 = arith.constant 0 : i32
        %dma_start3A_540 = arith.constant 0 : i32
        %dma_start3A_541 = tpu.memref_slice %arg12[%dma_start3A_539, %dma_start3A_540] : memref<10240x128xf32, #tpu.memory_space<vmem_shared>> -> memref<10240x128xf32, #tpu.memory_space<vmem_shared>>
        tpu.enqueue_indirect_dma source(%arg10 : memref<64x128xf32, #tpu.memory_space<vmem>>) target(%dma_start3A_541 : memref<10240x128xf32, #tpu.memory_space<vmem_shared>>) offsets(%dma_start3A_538 : memref<64xi32, #tpu.memory_space<vmem>>) semaphore(%arg22 : memref<!tpu.dma_semaphore, #tpu.memory_space<semaphore_mem>>) {add = true}
      } else {
      }
      %mul3A_458 = arith.constant 8 : i32
      %mul3A_459 = arith.muli %add3A_419, %mul3A_458 : i32
      %add3A_460 = arith.constant 4 : i32
      %add3A_461 = arith.addi %mul3A_459, %add3A_460 : i32
      %lt3A_462 = arith.cmpi slt, %add3A_419, %select_n3A : i32
      %convert_element_type3A_463 = arith.extui %lt3A_462 : i1 to i32
      %cond3A_464 = arith.constant 0 : i32
      %cond3A_465 = arith.cmpi ne, %convert_element_type3A_463, %cond3A_464 : i32
      scf.if %cond3A_465 {
        %ge3A = arith.constant 1 : i32
        %ge3A_491 = arith.cmpi sge, %add3A_461, %ge3A : i32
        %convert_element_type3A_492 = arith.extui %ge3A_491 : i1 to i32
        %cond3A_493 = arith.constant 0 : i32
        %cond3A_494 = arith.cmpi ne, %convert_element_type3A_492, %cond3A_493 : i32
        scf.if %cond3A_494 {
          %dma_wait3A_542 = arith.constant 1 : i32
          %dma_wait3A_543 = arith.constant 1 : i32
          %dma_wait3A_544 = arith.constant 0 : i32
          %dma_wait3A_545 = tpu.memref_slice %arg6[%dma_wait3A_542, %dma_wait3A_543, %dma_wait3A_544] : memref<2x2x512xi32, #tpu.memory_space<vmem>> -> memref<1x1x64xi32, #tpu.memory_space<vmem>>
          %dma_wait3A_546 = tpu.memref_squeeze %dma_wait3A_545 : memref<1x1x64xi32, #tpu.memory_space<vmem>> -> memref<64xi32, #tpu.memory_space<vmem>>
          %dma_wait3A_547 = arith.constant 0 : i32
          %dma_wait3A_548 = arith.constant 0 : i32
          %dma_wait3A_549 = tpu.memref_slice %arg12[%dma_wait3A_547, %dma_wait3A_548] : memref<10240x128xf32, #tpu.memory_space<vmem_shared>> -> memref<10240x128xf32, #tpu.memory_space<vmem_shared>>
          tpu.wait_indirect_dma semaphore(%arg22 : memref<!tpu.dma_semaphore, #tpu.memory_space<semaphore_mem>>) src(%arg10 : memref<64x128xf32, #tpu.memory_space<vmem>>) dst(%dma_wait3A_549 : memref<10240x128xf32, #tpu.memory_space<vmem_shared>>)
        } else {
        }
        %add3A_495 = arith.constant 3 : i32
        %add3A_496 = arith.addi %add3A_461, %add3A_495 : i32
        %mul3A_497 = arith.constant 8 : i32
        %mul3A_498 = arith.muli %select_n3A, %mul3A_497 : i32
        %lt3A_499 = arith.cmpi slt, %add3A_496, %mul3A_498 : i32
        %convert_element_type3A_500 = arith.extui %lt3A_499 : i1 to i32
        %cond3A_501 = arith.constant 0 : i32
        %cond3A_502 = arith.cmpi ne, %convert_element_type3A_500, %cond3A_501 : i32
        scf.if %cond3A_502 {
          %dma_start3A_542 = arith.constant 1 : i32
          %dma_start3A_543 = arith.constant 0 : i32
          %dma_start3A_544 = arith.constant 448 : i32
          %dma_start3A_545 = tpu.memref_slice %arg6[%dma_start3A_542, %dma_start3A_543, %dma_start3A_544] : memref<2x2x512xi32, #tpu.memory_space<vmem>> -> memref<1x1x64xi32, #tpu.memory_space<vmem>>
          %dma_start3A_546 = tpu.memref_squeeze %dma_start3A_545 : memref<1x1x64xi32, #tpu.memory_space<vmem>> -> memref<64xi32, #tpu.memory_space<vmem>>
          %dma_start3A_547 = arith.constant 0 : i32
          %dma_start3A_548 = arith.constant 0 : i32
          %dma_start3A_549 = tpu.memref_slice %arg2[%dma_start3A_547, %dma_start3A_548] : memref<10000x128xf32, #tpu.memory_space<hbm>> -> memref<10000x128xf32, #tpu.memory_space<hbm>>
          tpu.enqueue_indirect_dma source(%dma_start3A_549 : memref<10000x128xf32, #tpu.memory_space<hbm>>) target(%arg10 : memref<64x128xf32, #tpu.memory_space<vmem>>) offsets(%dma_start3A_546 : memref<64xi32, #tpu.memory_space<vmem>>) semaphore(%arg16 : memref<!tpu.dma_semaphore, #tpu.memory_space<semaphore_mem>>)
        } else {
        }
        %get3A = arith.constant 1 : i32
        %get3A_503 = arith.constant 1 : i32
        %get3A_504 = arith.index_cast %get3A : i32 to index
        %get3A_505 = arith.index_cast %get3A_503 : i32 to index
        %get3A_506 = arith.constant 256 : index
        %get3A_507 = tpu.vector_load %arg6[%get3A_504, %get3A_505, %get3A_506] {strides = array<i32>} : memref<2x2x512xi32, #tpu.memory_space<vmem>>, vector<16xi32>,
        tpu.vector_store_idx %arg11[%get3A_507], %broadcast_in_dim3A_21 {add = true} : memref<10240xf32, #tpu.memory_space<vmem>>[vector<16xi32>], vector<16xf32>,
        %get3A_508 = arith.constant 1 : i32
        %get3A_509 = arith.constant 1 : i32
        %get3A_510 = arith.index_cast %get3A_508 : i32 to index
        %get3A_511 = arith.index_cast %get3A_509 : i32 to index
        %get3A_512 = arith.constant 272 : index
        %get3A_513 = tpu.vector_load %arg6[%get3A_510, %get3A_511, %get3A_512] {strides = array<i32>} : memref<2x2x512xi32, #tpu.memory_space<vmem>>, vector<16xi32>,
        tpu.vector_store_idx %arg11[%get3A_513], %broadcast_in_dim3A_21 {add = true} : memref<10240xf32, #tpu.memory_space<vmem>>[vector<16xi32>], vector<16xf32>,
        %get3A_514 = arith.constant 1 : i32
        %get3A_515 = arith.constant 1 : i32
        %get3A_516 = arith.index_cast %get3A_514 : i32 to index
        %get3A_517 = arith.index_cast %get3A_515 : i32 to index
        %get3A_518 = arith.constant 288 : index
        %get3A_519 = tpu.vector_load %arg6[%get3A_516, %get3A_517, %get3A_518] {strides = array<i32>} : memref<2x2x512xi32, #tpu.memory_space<vmem>>, vector<16xi32>,
        tpu.vector_store_idx %arg11[%get3A_519], %broadcast_in_dim3A_21 {add = true} : memref<10240xf32, #tpu.memory_space<vmem>>[vector<16xi32>], vector<16xf32>,
        %get3A_520 = arith.constant 1 : i32
        %get3A_521 = arith.constant 1 : i32
        %get3A_522 = arith.index_cast %get3A_520 : i32 to index
        %get3A_523 = arith.index_cast %get3A_521 : i32 to index
        %get3A_524 = arith.constant 304 : index
        %get3A_525 = tpu.vector_load %arg6[%get3A_522, %get3A_523, %get3A_524] {strides = array<i32>} : memref<2x2x512xi32, #tpu.memory_space<vmem>>, vector<16xi32>,
        tpu.vector_store_idx %arg11[%get3A_525], %broadcast_in_dim3A_21 {add = true} : memref<10240xf32, #tpu.memory_space<vmem>>[vector<16xi32>], vector<16xf32>,
        %dma_wait3A_526 = arith.constant 1 : i32
        %dma_wait3A_527 = arith.constant 0 : i32
        %dma_wait3A_528 = arith.constant 256 : i32
        %dma_wait3A_529 = tpu.memref_slice %arg6[%dma_wait3A_526, %dma_wait3A_527, %dma_wait3A_528] : memref<2x2x512xi32, #tpu.memory_space<vmem>> -> memref<1x1x64xi32, #tpu.memory_space<vmem>>
        %dma_wait3A_530 = tpu.memref_squeeze %dma_wait3A_529 : memref<1x1x64xi32, #tpu.memory_space<vmem>> -> memref<64xi32, #tpu.memory_space<vmem>>
        %dma_wait3A_531 = arith.constant 0 : i32
        %dma_wait3A_532 = arith.constant 0 : i32
        %dma_wait3A_533 = tpu.memref_slice %arg2[%dma_wait3A_531, %dma_wait3A_532] : memref<10000x128xf32, #tpu.memory_space<hbm>> -> memref<10000x128xf32, #tpu.memory_space<hbm>>
        tpu.wait_indirect_dma semaphore(%arg13 : memref<!tpu.dma_semaphore, #tpu.memory_space<semaphore_mem>>) src(%dma_wait3A_533 : memref<10000x128xf32, #tpu.memory_space<hbm>>) dst(%arg7 : memref<64x128xf32, #tpu.memory_space<vmem>>)
        %dma_start3A_534 = arith.constant 1 : i32
        %dma_start3A_535 = arith.constant 1 : i32
        %dma_start3A_536 = arith.constant 256 : i32
        %dma_start3A_537 = tpu.memref_slice %arg6[%dma_start3A_534, %dma_start3A_535, %dma_start3A_536] : memref<2x2x512xi32, #tpu.memory_space<vmem>> -> memref<1x1x64xi32, #tpu.memory_space<vmem>>
        %dma_start3A_538 = tpu.memref_squeeze %dma_start3A_537 : memref<1x1x64xi32, #tpu.memory_space<vmem>> -> memref<64xi32, #tpu.memory_space<vmem>>
        %dma_start3A_539 = arith.constant 0 : i32
        %dma_start3A_540 = arith.constant 0 : i32
        %dma_start3A_541 = tpu.memref_slice %arg12[%dma_start3A_539, %dma_start3A_540] : memref<10240x128xf32, #tpu.memory_space<vmem_shared>> -> memref<10240x128xf32, #tpu.memory_space<vmem_shared>>
        tpu.enqueue_indirect_dma source(%arg7 : memref<64x128xf32, #tpu.memory_space<vmem>>) target(%dma_start3A_541 : memref<10240x128xf32, #tpu.memory_space<vmem_shared>>) offsets(%dma_start3A_538 : memref<64xi32, #tpu.memory_space<vmem>>) semaphore(%arg19 : memref<!tpu.dma_semaphore, #tpu.memory_space<semaphore_mem>>) {add = true}
      } else {
      }
      %mul3A_466 = arith.constant 8 : i32
      %mul3A_467 = arith.muli %add3A_419, %mul3A_466 : i32
      %add3A_468 = arith.constant 5 : i32
      %add3A_469 = arith.addi %mul3A_467, %add3A_468 : i32
      %lt3A_470 = arith.cmpi slt, %add3A_419, %select_n3A : i32
      %convert_element_type3A_471 = arith.extui %lt3A_470 : i1 to i32
      %cond3A_472 = arith.constant 0 : i32
      %cond3A_473 = arith.cmpi ne, %convert_element_type3A_471, %cond3A_472 : i32
      scf.if %cond3A_473 {
        %ge3A = arith.constant 1 : i32
        %ge3A_491 = arith.cmpi sge, %add3A_469, %ge3A : i32
        %convert_element_type3A_492 = arith.extui %ge3A_491 : i1 to i32
        %cond3A_493 = arith.constant 0 : i32
        %cond3A_494 = arith.cmpi ne, %convert_element_type3A_492, %cond3A_493 : i32
        scf.if %cond3A_494 {
          %dma_wait3A_546 = arith.constant 1 : i32
          %dma_wait3A_547 = arith.constant 1 : i32
          %dma_wait3A_548 = arith.constant 0 : i32
          %dma_wait3A_549 = tpu.memref_slice %arg6[%dma_wait3A_546, %dma_wait3A_547, %dma_wait3A_548] : memref<2x2x512xi32, #tpu.memory_space<vmem>> -> memref<1x1x64xi32, #tpu.memory_space<vmem>>
          %dma_wait3A_550 = tpu.memref_squeeze %dma_wait3A_549 : memref<1x1x64xi32, #tpu.memory_space<vmem>> -> memref<64xi32, #tpu.memory_space<vmem>>
          %dma_wait3A_551 = arith.constant 0 : i32
          %dma_wait3A_552 = arith.constant 0 : i32
          %dma_wait3A_553 = tpu.memref_slice %arg12[%dma_wait3A_551, %dma_wait3A_552] : memref<10240x128xf32, #tpu.memory_space<vmem_shared>> -> memref<10240x128xf32, #tpu.memory_space<vmem_shared>>
          tpu.wait_indirect_dma semaphore(%arg19 : memref<!tpu.dma_semaphore, #tpu.memory_space<semaphore_mem>>) src(%arg7 : memref<64x128xf32, #tpu.memory_space<vmem>>) dst(%dma_wait3A_553 : memref<10240x128xf32, #tpu.memory_space<vmem_shared>>)
        } else {
        }
        %add3A_495 = arith.constant 1 : i32
        %add3A_496 = arith.addi %add3A_419, %add3A_495 : i32
        %lt3A_497 = arith.cmpi slt, %add3A_496, %select_n3A : i32
        %convert_element_type3A_498 = arith.extui %lt3A_497 : i1 to i32
        %cond3A_499 = arith.constant 0 : i32
        %cond3A_500 = arith.cmpi ne, %convert_element_type3A_498, %cond3A_499 : i32
        scf.if %cond3A_500 {
          %dma_wait3A_546 = arith.constant 0 : i32
          %dma_wait3A_547 = arith.constant 0 : i32
          %dma_wait3A_548 = arith.constant 0 : i32
          %dma_wait3A_549 = tpu.memref_slice %arg6[%dma_wait3A_546, %dma_wait3A_547, %dma_wait3A_548] : memref<2x2x512xi32, #tpu.memory_space<vmem>> -> memref<1x2x512xi32, #tpu.memory_space<vmem>>
          %dma_wait3A_550 = tpu.memref_squeeze %dma_wait3A_549 : memref<1x2x512xi32, #tpu.memory_space<vmem>> -> memref<2x512xi32, #tpu.memory_space<vmem>>
          %dma_wait3A_551 = arith.constant 0 : i32
          %dma_wait3A_552 = arith.constant 0 : i32
          %dma_wait3A_553 = tpu.memref_slice %arg3[%dma_wait3A_551, %dma_wait3A_552] : memref<2x320000xi32, #tpu.memory_space<hbm>> -> memref<2x512xi32, #tpu.memory_space<hbm>>
          %dma_wait3A_554 = arith.constant 0 : i32
          %dma_wait3A_555 = arith.constant 0 : i32
          %dma_wait3A_556 = tpu.memref_slice %arg6[%dma_wait3A_546, %dma_wait3A_554, %dma_wait3A_555] : memref<2x2x512xi32, #tpu.memory_space<vmem>> -> memref<1x2x512xi32, #tpu.memory_space<vmem>>
          %dma_wait3A_557 = tpu.memref_squeeze %dma_wait3A_556 : memref<1x2x512xi32, #tpu.memory_space<vmem>> -> memref<2x512xi32, #tpu.memory_space<vmem>>
          %dma_wait3A_558 = arith.constant 0 : i32
          %dma_wait3A_559 = arith.constant 0 : i32
          %dma_wait3A_560 = tpu.memref_slice %arg3[%dma_wait3A_558, %dma_wait3A_559] : memref<2x320000xi32, #tpu.memory_space<hbm>> -> memref<2x512xi32, #tpu.memory_space<hbm>>
          tpu.wait_dma2 semaphore(%arg17 : memref<!tpu.dma_semaphore, #tpu.memory_space<semaphore_mem>>) src(%dma_wait3A_560 : memref<2x512xi32, #tpu.memory_space<hbm>>) dst(%dma_wait3A_557 : memref<2x512xi32, #tpu.memory_space<vmem>>)
        } else {
        }
        %add3A_501 = arith.constant 1 : i32
        %add3A_502 = arith.addi %add3A_419, %add3A_501 : i32
        %lt3A_503 = arith.cmpi slt, %add3A_502, %select_n3A : i32
        %convert_element_type3A_504 = arith.extui %lt3A_503 : i1 to i32
        %cond3A_505 = arith.constant 0 : i32
        %cond3A_506 = arith.cmpi ne, %convert_element_type3A_504, %cond3A_505 : i32
        scf.if %cond3A_506 {
          %dma_start3A_546 = arith.constant 0 : i32
          %dma_start3A_547 = arith.constant 0 : i32
          %dma_start3A_548 = arith.constant 0 : i32
          %dma_start3A_549 = tpu.memref_slice %arg6[%dma_start3A_546, %dma_start3A_547, %dma_start3A_548] : memref<2x2x512xi32, #tpu.memory_space<vmem>> -> memref<1x1x64xi32, #tpu.memory_space<vmem>>
          %dma_start3A_550 = tpu.memref_squeeze %dma_start3A_549 : memref<1x1x64xi32, #tpu.memory_space<vmem>> -> memref<64xi32, #tpu.memory_space<vmem>>
          %dma_start3A_551 = arith.constant 0 : i32
          %dma_start3A_552 = arith.constant 0 : i32
          %dma_start3A_553 = tpu.memref_slice %arg2[%dma_start3A_551, %dma_start3A_552] : memref<10000x128xf32, #tpu.memory_space<hbm>> -> memref<10000x128xf32, #tpu.memory_space<hbm>>
          tpu.enqueue_indirect_dma source(%dma_start3A_553 : memref<10000x128xf32, #tpu.memory_space<hbm>>) target(%arg7 : memref<64x128xf32, #tpu.memory_space<vmem>>) offsets(%dma_start3A_550 : memref<64xi32, #tpu.memory_space<vmem>>) semaphore(%arg13 : memref<!tpu.dma_semaphore, #tpu.memory_space<semaphore_mem>>)
        } else {
        }
        %get3A = arith.constant 1 : i32
        %get3A_507 = arith.constant 1 : i32
        %get3A_508 = arith.index_cast %get3A : i32 to index
        %get3A_509 = arith.index_cast %get3A_507 : i32 to index
        %get3A_510 = arith.constant 320 : index
        %get3A_511 = tpu.vector_load %arg6[%get3A_508, %get3A_509, %get3A_510] {strides = array<i32>} : memref<2x2x512xi32, #tpu.memory_space<vmem>>, vector<16xi32>,
        tpu.vector_store_idx %arg11[%get3A_511], %broadcast_in_dim3A_21 {add = true} : memref<10240xf32, #tpu.memory_space<vmem>>[vector<16xi32>], vector<16xf32>,
        %get3A_512 = arith.constant 1 : i32
        %get3A_513 = arith.constant 1 : i32
        %get3A_514 = arith.index_cast %get3A_512 : i32 to index
        %get3A_515 = arith.index_cast %get3A_513 : i32 to index
        %get3A_516 = arith.constant 336 : index
        %get3A_517 = tpu.vector_load %arg6[%get3A_514, %get3A_515, %get3A_516] {strides = array<i32>} : memref<2x2x512xi32, #tpu.memory_space<vmem>>, vector<16xi32>,
        tpu.vector_store_idx %arg11[%get3A_517], %broadcast_in_dim3A_21 {add = true} : memref<10240xf32, #tpu.memory_space<vmem>>[vector<16xi32>], vector<16xf32>,
        %get3A_518 = arith.constant 1 : i32
        %get3A_519 = arith.constant 1 : i32
        %get3A_520 = arith.index_cast %get3A_518 : i32 to index
        %get3A_521 = arith.index_cast %get3A_519 : i32 to index
        %get3A_522 = arith.constant 352 : index
        %get3A_523 = tpu.vector_load %arg6[%get3A_520, %get3A_521, %get3A_522] {strides = array<i32>} : memref<2x2x512xi32, #tpu.memory_space<vmem>>, vector<16xi32>,
        tpu.vector_store_idx %arg11[%get3A_523], %broadcast_in_dim3A_21 {add = true} : memref<10240xf32, #tpu.memory_space<vmem>>[vector<16xi32>], vector<16xf32>,
        %get3A_524 = arith.constant 1 : i32
        %get3A_525 = arith.constant 1 : i32
        %get3A_526 = arith.index_cast %get3A_524 : i32 to index
        %get3A_527 = arith.index_cast %get3A_525 : i32 to index
        %get3A_528 = arith.constant 368 : index
        %get3A_529 = tpu.vector_load %arg6[%get3A_526, %get3A_527, %get3A_528] {strides = array<i32>} : memref<2x2x512xi32, #tpu.memory_space<vmem>>, vector<16xi32>,
        tpu.vector_store_idx %arg11[%get3A_529], %broadcast_in_dim3A_21 {add = true} : memref<10240xf32, #tpu.memory_space<vmem>>[vector<16xi32>], vector<16xf32>,
        %dma_wait3A_530 = arith.constant 1 : i32
        %dma_wait3A_531 = arith.constant 0 : i32
        %dma_wait3A_532 = arith.constant 320 : i32
        %dma_wait3A_533 = tpu.memref_slice %arg6[%dma_wait3A_530, %dma_wait3A_531, %dma_wait3A_532] : memref<2x2x512xi32, #tpu.memory_space<vmem>> -> memref<1x1x64xi32, #tpu.memory_space<vmem>>
        %dma_wait3A_534 = tpu.memref_squeeze %dma_wait3A_533 : memref<1x1x64xi32, #tpu.memory_space<vmem>> -> memref<64xi32, #tpu.memory_space<vmem>>
        %dma_wait3A_535 = arith.constant 0 : i32
        %dma_wait3A_536 = arith.constant 0 : i32
        %dma_wait3A_537 = tpu.memref_slice %arg2[%dma_wait3A_535, %dma_wait3A_536] : memref<10000x128xf32, #tpu.memory_space<hbm>> -> memref<10000x128xf32, #tpu.memory_space<hbm>>
        tpu.wait_indirect_dma semaphore(%arg14 : memref<!tpu.dma_semaphore, #tpu.memory_space<semaphore_mem>>) src(%dma_wait3A_537 : memref<10000x128xf32, #tpu.memory_space<hbm>>) dst(%arg8 : memref<64x128xf32, #tpu.memory_space<vmem>>)
        %dma_start3A_538 = arith.constant 1 : i32
        %dma_start3A_539 = arith.constant 1 : i32
        %dma_start3A_540 = arith.constant 320 : i32
        %dma_start3A_541 = tpu.memref_slice %arg6[%dma_start3A_538, %dma_start3A_539, %dma_start3A_540] : memref<2x2x512xi32, #tpu.memory_space<vmem>> -> memref<1x1x64xi32, #tpu.memory_space<vmem>>
        %dma_start3A_542 = tpu.memref_squeeze %dma_start3A_541 : memref<1x1x64xi32, #tpu.memory_space<vmem>> -> memref<64xi32, #tpu.memory_space<vmem>>
        %dma_start3A_543 = arith.constant 0 : i32
        %dma_start3A_544 = arith.constant 0 : i32
        %dma_start3A_545 = tpu.memref_slice %arg12[%dma_start3A_543, %dma_start3A_544] : memref<10240x128xf32, #tpu.memory_space<vmem_shared>> -> memref<10240x128xf32, #tpu.memory_space<vmem_shared>>
        tpu.enqueue_indirect_dma source(%arg8 : memref<64x128xf32, #tpu.memory_space<vmem>>) target(%dma_start3A_545 : memref<10240x128xf32, #tpu.memory_space<vmem_shared>>) offsets(%dma_start3A_542 : memref<64xi32, #tpu.memory_space<vmem>>) semaphore(%arg20 : memref<!tpu.dma_semaphore, #tpu.memory_space<semaphore_mem>>) {add = true}
      } else {
      }
      %mul3A_474 = arith.constant 8 : i32
      %mul3A_475 = arith.muli %add3A_419, %mul3A_474 : i32
      %add3A_476 = arith.constant 6 : i32
      %add3A_477 = arith.addi %mul3A_475, %add3A_476 : i32
      %lt3A_478 = arith.cmpi slt, %add3A_419, %select_n3A : i32
      %convert_element_type3A_479 = arith.extui %lt3A_478 : i1 to i32
      %cond3A_480 = arith.constant 0 : i32
      %cond3A_481 = arith.cmpi ne, %convert_element_type3A_479, %cond3A_480 : i32
      scf.if %cond3A_481 {
        %ge3A = arith.constant 1 : i32
        %ge3A_491 = arith.cmpi sge, %add3A_477, %ge3A : i32
        %convert_element_type3A_492 = arith.extui %ge3A_491 : i1 to i32
        %cond3A_493 = arith.constant 0 : i32
        %cond3A_494 = arith.cmpi ne, %convert_element_type3A_492, %cond3A_493 : i32
        scf.if %cond3A_494 {
          %dma_wait3A_540 = arith.constant 1 : i32
          %dma_wait3A_541 = arith.constant 1 : i32
          %dma_wait3A_542 = arith.constant 0 : i32
          %dma_wait3A_543 = tpu.memref_slice %arg6[%dma_wait3A_540, %dma_wait3A_541, %dma_wait3A_542] : memref<2x2x512xi32, #tpu.memory_space<vmem>> -> memref<1x1x64xi32, #tpu.memory_space<vmem>>
          %dma_wait3A_544 = tpu.memref_squeeze %dma_wait3A_543 : memref<1x1x64xi32, #tpu.memory_space<vmem>> -> memref<64xi32, #tpu.memory_space<vmem>>
          %dma_wait3A_545 = arith.constant 0 : i32
          %dma_wait3A_546 = arith.constant 0 : i32
          %dma_wait3A_547 = tpu.memref_slice %arg12[%dma_wait3A_545, %dma_wait3A_546] : memref<10240x128xf32, #tpu.memory_space<vmem_shared>> -> memref<10240x128xf32, #tpu.memory_space<vmem_shared>>
          tpu.wait_indirect_dma semaphore(%arg20 : memref<!tpu.dma_semaphore, #tpu.memory_space<semaphore_mem>>) src(%arg8 : memref<64x128xf32, #tpu.memory_space<vmem>>) dst(%dma_wait3A_547 : memref<10240x128xf32, #tpu.memory_space<vmem_shared>>)
        } else {
        }
        %add3A_495 = arith.constant 1 : i32
        %add3A_496 = arith.addi %add3A_419, %add3A_495 : i32
        %lt3A_497 = arith.cmpi slt, %add3A_496, %select_n3A : i32
        %convert_element_type3A_498 = arith.extui %lt3A_497 : i1 to i32
        %cond3A_499 = arith.constant 0 : i32
        %cond3A_500 = arith.cmpi ne, %convert_element_type3A_498, %cond3A_499 : i32
        scf.if %cond3A_500 {
          %dma_start3A_540 = arith.constant 0 : i32
          %dma_start3A_541 = arith.constant 0 : i32
          %dma_start3A_542 = arith.constant 64 : i32
          %dma_start3A_543 = tpu.memref_slice %arg6[%dma_start3A_540, %dma_start3A_541, %dma_start3A_542] : memref<2x2x512xi32, #tpu.memory_space<vmem>> -> memref<1x1x64xi32, #tpu.memory_space<vmem>>
          %dma_start3A_544 = tpu.memref_squeeze %dma_start3A_543 : memref<1x1x64xi32, #tpu.memory_space<vmem>> -> memref<64xi32, #tpu.memory_space<vmem>>
          %dma_start3A_545 = arith.constant 0 : i32
          %dma_start3A_546 = arith.constant 0 : i32
          %dma_start3A_547 = tpu.memref_slice %arg2[%dma_start3A_545, %dma_start3A_546] : memref<10000x128xf32, #tpu.memory_space<hbm>> -> memref<10000x128xf32, #tpu.memory_space<hbm>>
          tpu.enqueue_indirect_dma source(%dma_start3A_547 : memref<10000x128xf32, #tpu.memory_space<hbm>>) target(%arg8 : memref<64x128xf32, #tpu.memory_space<vmem>>) offsets(%dma_start3A_544 : memref<64xi32, #tpu.memory_space<vmem>>) semaphore(%arg14 : memref<!tpu.dma_semaphore, #tpu.memory_space<semaphore_mem>>)
        } else {
        }
        %get3A = arith.constant 1 : i32
        %get3A_501 = arith.constant 1 : i32
        %get3A_502 = arith.index_cast %get3A : i32 to index
        %get3A_503 = arith.index_cast %get3A_501 : i32 to index
        %get3A_504 = arith.constant 384 : index
        %get3A_505 = tpu.vector_load %arg6[%get3A_502, %get3A_503, %get3A_504] {strides = array<i32>} : memref<2x2x512xi32, #tpu.memory_space<vmem>>, vector<16xi32>,
        tpu.vector_store_idx %arg11[%get3A_505], %broadcast_in_dim3A_21 {add = true} : memref<10240xf32, #tpu.memory_space<vmem>>[vector<16xi32>], vector<16xf32>,
        %get3A_506 = arith.constant 1 : i32
        %get3A_507 = arith.constant 1 : i32
        %get3A_508 = arith.index_cast %get3A_506 : i32 to index
        %get3A_509 = arith.index_cast %get3A_507 : i32 to index
        %get3A_510 = arith.constant 400 : index
        %get3A_511 = tpu.vector_load %arg6[%get3A_508, %get3A_509, %get3A_510] {strides = array<i32>} : memref<2x2x512xi32, #tpu.memory_space<vmem>>, vector<16xi32>,
        tpu.vector_store_idx %arg11[%get3A_511], %broadcast_in_dim3A_21 {add = true} : memref<10240xf32, #tpu.memory_space<vmem>>[vector<16xi32>], vector<16xf32>,
        %get3A_512 = arith.constant 1 : i32
        %get3A_513 = arith.constant 1 : i32
        %get3A_514 = arith.index_cast %get3A_512 : i32 to index
        %get3A_515 = arith.index_cast %get3A_513 : i32 to index
        %get3A_516 = arith.constant 416 : index
        %get3A_517 = tpu.vector_load %arg6[%get3A_514, %get3A_515, %get3A_516] {strides = array<i32>} : memref<2x2x512xi32, #tpu.memory_space<vmem>>, vector<16xi32>,
        tpu.vector_store_idx %arg11[%get3A_517], %broadcast_in_dim3A_21 {add = true} : memref<10240xf32, #tpu.memory_space<vmem>>[vector<16xi32>], vector<16xf32>,
        %get3A_518 = arith.constant 1 : i32
        %get3A_519 = arith.constant 1 : i32
        %get3A_520 = arith.index_cast %get3A_518 : i32 to index
        %get3A_521 = arith.index_cast %get3A_519 : i32 to index
        %get3A_522 = arith.constant 432 : index
        %get3A_523 = tpu.vector_load %arg6[%get3A_520, %get3A_521, %get3A_522] {strides = array<i32>} : memref<2x2x512xi32, #tpu.memory_space<vmem>>, vector<16xi32>,
        tpu.vector_store_idx %arg11[%get3A_523], %broadcast_in_dim3A_21 {add = true} : memref<10240xf32, #tpu.memory_space<vmem>>[vector<16xi32>], vector<16xf32>,
        %dma_wait3A_524 = arith.constant 1 : i32
        %dma_wait3A_525 = arith.constant 0 : i32
        %dma_wait3A_526 = arith.constant 384 : i32
        %dma_wait3A_527 = tpu.memref_slice %arg6[%dma_wait3A_524, %dma_wait3A_525, %dma_wait3A_526] : memref<2x2x512xi32, #tpu.memory_space<vmem>> -> memref<1x1x64xi32, #tpu.memory_space<vmem>>
        %dma_wait3A_528 = tpu.memref_squeeze %dma_wait3A_527 : memref<1x1x64xi32, #tpu.memory_space<vmem>> -> memref<64xi32, #tpu.memory_space<vmem>>
        %dma_wait3A_529 = arith.constant 0 : i32
        %dma_wait3A_530 = arith.constant 0 : i32
        %dma_wait3A_531 = tpu.memref_slice %arg2[%dma_wait3A_529, %dma_wait3A_530] : memref<10000x128xf32, #tpu.memory_space<hbm>> -> memref<10000x128xf32, #tpu.memory_space<hbm>>
        tpu.wait_indirect_dma semaphore(%arg15 : memref<!tpu.dma_semaphore, #tpu.memory_space<semaphore_mem>>) src(%dma_wait3A_531 : memref<10000x128xf32, #tpu.memory_space<hbm>>) dst(%arg9 : memref<64x128xf32, #tpu.memory_space<vmem>>)
        %dma_start3A_532 = arith.constant 1 : i32
        %dma_start3A_533 = arith.constant 1 : i32
        %dma_start3A_534 = arith.constant 384 : i32
        %dma_start3A_535 = tpu.memref_slice %arg6[%dma_start3A_532, %dma_start3A_533, %dma_start3A_534] : memref<2x2x512xi32, #tpu.memory_space<vmem>> -> memref<1x1x64xi32, #tpu.memory_space<vmem>>
        %dma_start3A_536 = tpu.memref_squeeze %dma_start3A_535 : memref<1x1x64xi32, #tpu.memory_space<vmem>> -> memref<64xi32, #tpu.memory_space<vmem>>
        %dma_start3A_537 = arith.constant 0 : i32
        %dma_start3A_538 = arith.constant 0 : i32
        %dma_start3A_539 = tpu.memref_slice %arg12[%dma_start3A_537, %dma_start3A_538] : memref<10240x128xf32, #tpu.memory_space<vmem_shared>> -> memref<10240x128xf32, #tpu.memory_space<vmem_shared>>
        tpu.enqueue_indirect_dma source(%arg9 : memref<64x128xf32, #tpu.memory_space<vmem>>) target(%dma_start3A_539 : memref<10240x128xf32, #tpu.memory_space<vmem_shared>>) offsets(%dma_start3A_536 : memref<64xi32, #tpu.memory_space<vmem>>) semaphore(%arg21 : memref<!tpu.dma_semaphore, #tpu.memory_space<semaphore_mem>>) {add = true}
      } else {
      }
      %mul3A_482 = arith.constant 8 : i32
      %mul3A_483 = arith.muli %add3A_419, %mul3A_482 : i32
      %add3A_484 = arith.constant 7 : i32
      %add3A_485 = arith.addi %mul3A_483, %add3A_484 : i32
      %lt3A_486 = arith.cmpi slt, %add3A_419, %select_n3A : i32
      %convert_element_type3A_487 = arith.extui %lt3A_486 : i1 to i32
      %cond3A_488 = arith.constant 0 : i32
      %cond3A_489 = arith.cmpi ne, %convert_element_type3A_487, %cond3A_488 : i32
      scf.if %cond3A_489 {
        %ge3A = arith.constant 1 : i32
        %ge3A_491 = arith.cmpi sge, %add3A_485, %ge3A : i32
        %convert_element_type3A_492 = arith.extui %ge3A_491 : i1 to i32
        %cond3A_493 = arith.constant 0 : i32
        %cond3A_494 = arith.cmpi ne, %convert_element_type3A_492, %cond3A_493 : i32
        scf.if %cond3A_494 {
          %dma_wait3A_540 = arith.constant 1 : i32
          %dma_wait3A_541 = arith.constant 1 : i32
          %dma_wait3A_542 = arith.constant 0 : i32
          %dma_wait3A_543 = tpu.memref_slice %arg6[%dma_wait3A_540, %dma_wait3A_541, %dma_wait3A_542] : memref<2x2x512xi32, #tpu.memory_space<vmem>> -> memref<1x1x64xi32, #tpu.memory_space<vmem>>
          %dma_wait3A_544 = tpu.memref_squeeze %dma_wait3A_543 : memref<1x1x64xi32, #tpu.memory_space<vmem>> -> memref<64xi32, #tpu.memory_space<vmem>>
          %dma_wait3A_545 = arith.constant 0 : i32
          %dma_wait3A_546 = arith.constant 0 : i32
          %dma_wait3A_547 = tpu.memref_slice %arg12[%dma_wait3A_545, %dma_wait3A_546] : memref<10240x128xf32, #tpu.memory_space<vmem_shared>> -> memref<10240x128xf32, #tpu.memory_space<vmem_shared>>
          tpu.wait_indirect_dma semaphore(%arg21 : memref<!tpu.dma_semaphore, #tpu.memory_space<semaphore_mem>>) src(%arg9 : memref<64x128xf32, #tpu.memory_space<vmem>>) dst(%dma_wait3A_547 : memref<10240x128xf32, #tpu.memory_space<vmem_shared>>)
        } else {
        }
        %add3A_495 = arith.constant 1 : i32
        %add3A_496 = arith.addi %add3A_419, %add3A_495 : i32
        %lt3A_497 = arith.cmpi slt, %add3A_496, %select_n3A : i32
        %convert_element_type3A_498 = arith.extui %lt3A_497 : i1 to i32
        %cond3A_499 = arith.constant 0 : i32
        %cond3A_500 = arith.cmpi ne, %convert_element_type3A_498, %cond3A_499 : i32
        scf.if %cond3A_500 {
          %dma_start3A_540 = arith.constant 0 : i32
          %dma_start3A_541 = arith.constant 0 : i32
          %dma_start3A_542 = arith.constant 128 : i32
          %dma_start3A_543 = tpu.memref_slice %arg6[%dma_start3A_540, %dma_start3A_541, %dma_start3A_542] : memref<2x2x512xi32, #tpu.memory_space<vmem>> -> memref<1x1x64xi32, #tpu.memory_space<vmem>>
          %dma_start3A_544 = tpu.memref_squeeze %dma_start3A_543 : memref<1x1x64xi32, #tpu.memory_space<vmem>> -> memref<64xi32, #tpu.memory_space<vmem>>
          %dma_start3A_545 = arith.constant 0 : i32
          %dma_start3A_546 = arith.constant 0 : i32
          %dma_start3A_547 = tpu.memref_slice %arg2[%dma_start3A_545, %dma_start3A_546] : memref<10000x128xf32, #tpu.memory_space<hbm>> -> memref<10000x128xf32, #tpu.memory_space<hbm>>
          tpu.enqueue_indirect_dma source(%dma_start3A_547 : memref<10000x128xf32, #tpu.memory_space<hbm>>) target(%arg9 : memref<64x128xf32, #tpu.memory_space<vmem>>) offsets(%dma_start3A_544 : memref<64xi32, #tpu.memory_space<vmem>>) semaphore(%arg15 : memref<!tpu.dma_semaphore, #tpu.memory_space<semaphore_mem>>)
        } else {
        }
        %get3A = arith.constant 1 : i32
        %get3A_501 = arith.constant 1 : i32
        %get3A_502 = arith.index_cast %get3A : i32 to index
        %get3A_503 = arith.index_cast %get3A_501 : i32 to index
        %get3A_504 = arith.constant 448 : index
        %get3A_505 = tpu.vector_load %arg6[%get3A_502, %get3A_503, %get3A_504] {strides = array<i32>} : memref<2x2x512xi32, #tpu.memory_space<vmem>>, vector<16xi32>,
        tpu.vector_store_idx %arg11[%get3A_505], %broadcast_in_dim3A_21 {add = true} : memref<10240xf32, #tpu.memory_space<vmem>>[vector<16xi32>], vector<16xf32>,
        %get3A_506 = arith.constant 1 : i32
        %get3A_507 = arith.constant 1 : i32
        %get3A_508 = arith.index_cast %get3A_506 : i32 to index
        %get3A_509 = arith.index_cast %get3A_507 : i32 to index
        %get3A_510 = arith.constant 464 : index
        %get3A_511 = tpu.vector_load %arg6[%get3A_508, %get3A_509, %get3A_510] {strides = array<i32>} : memref<2x2x512xi32, #tpu.memory_space<vmem>>, vector<16xi32>,
        tpu.vector_store_idx %arg11[%get3A_511], %broadcast_in_dim3A_21 {add = true} : memref<10240xf32, #tpu.memory_space<vmem>>[vector<16xi32>], vector<16xf32>,
        %get3A_512 = arith.constant 1 : i32
        %get3A_513 = arith.constant 1 : i32
        %get3A_514 = arith.index_cast %get3A_512 : i32 to index
        %get3A_515 = arith.index_cast %get3A_513 : i32 to index
        %get3A_516 = arith.constant 480 : index
        %get3A_517 = tpu.vector_load %arg6[%get3A_514, %get3A_515, %get3A_516] {strides = array<i32>} : memref<2x2x512xi32, #tpu.memory_space<vmem>>, vector<16xi32>,
        tpu.vector_store_idx %arg11[%get3A_517], %broadcast_in_dim3A_21 {add = true} : memref<10240xf32, #tpu.memory_space<vmem>>[vector<16xi32>], vector<16xf32>,
        %get3A_518 = arith.constant 1 : i32
        %get3A_519 = arith.constant 1 : i32
        %get3A_520 = arith.index_cast %get3A_518 : i32 to index
        %get3A_521 = arith.index_cast %get3A_519 : i32 to index
        %get3A_522 = arith.constant 496 : index
        %get3A_523 = tpu.vector_load %arg6[%get3A_520, %get3A_521, %get3A_522] {strides = array<i32>} : memref<2x2x512xi32, #tpu.memory_space<vmem>>, vector<16xi32>,
        tpu.vector_store_idx %arg11[%get3A_523], %broadcast_in_dim3A_21 {add = true} : memref<10240xf32, #tpu.memory_space<vmem>>[vector<16xi32>], vector<16xf32>,
        %dma_wait3A_524 = arith.constant 1 : i32
        %dma_wait3A_525 = arith.constant 0 : i32
        %dma_wait3A_526 = arith.constant 448 : i32
        %dma_wait3A_527 = tpu.memref_slice %arg6[%dma_wait3A_524, %dma_wait3A_525, %dma_wait3A_526] : memref<2x2x512xi32, #tpu.memory_space<vmem>> -> memref<1x1x64xi32, #tpu.memory_space<vmem>>
        %dma_wait3A_528 = tpu.memref_squeeze %dma_wait3A_527 : memref<1x1x64xi32, #tpu.memory_space<vmem>> -> memref<64xi32, #tpu.memory_space<vmem>>
        %dma_wait3A_529 = arith.constant 0 : i32
        %dma_wait3A_530 = arith.constant 0 : i32
        %dma_wait3A_531 = tpu.memref_slice %arg2[%dma_wait3A_529, %dma_wait3A_530] : memref<10000x128xf32, #tpu.memory_space<hbm>> -> memref<10000x128xf32, #tpu.memory_space<hbm>>
        tpu.wait_indirect_dma semaphore(%arg16 : memref<!tpu.dma_semaphore, #tpu.memory_space<semaphore_mem>>) src(%dma_wait3A_531 : memref<10000x128xf32, #tpu.memory_space<hbm>>) dst(%arg10 : memref<64x128xf32, #tpu.memory_space<vmem>>)
        %dma_start3A_532 = arith.constant 1 : i32
        %dma_start3A_533 = arith.constant 1 : i32
        %dma_start3A_534 = arith.constant 448 : i32
        %dma_start3A_535 = tpu.memref_slice %arg6[%dma_start3A_532, %dma_start3A_533, %dma_start3A_534] : memref<2x2x512xi32, #tpu.memory_space<vmem>> -> memref<1x1x64xi32, #tpu.memory_space<vmem>>
        %dma_start3A_536 = tpu.memref_squeeze %dma_start3A_535 : memref<1x1x64xi32, #tpu.memory_space<vmem>> -> memref<64xi32, #tpu.memory_space<vmem>>
        %dma_start3A_537 = arith.constant 0 : i32
        %dma_start3A_538 = arith.constant 0 : i32
        %dma_start3A_539 = tpu.memref_slice %arg12[%dma_start3A_537, %dma_start3A_538] : memref<10240x128xf32, #tpu.memory_space<vmem_shared>> -> memref<10240x128xf32, #tpu.memory_space<vmem_shared>>
        tpu.enqueue_indirect_dma source(%arg10 : memref<64x128xf32, #tpu.memory_space<vmem>>) target(%dma_start3A_539 : memref<10240x128xf32, #tpu.memory_space<vmem_shared>>) offsets(%dma_start3A_536 : memref<64xi32, #tpu.memory_space<vmem>>) semaphore(%arg22 : memref<!tpu.dma_semaphore, #tpu.memory_space<semaphore_mem>>) {add = true}
      } else {
      }
      %scan3A_490 = arith.constant 0 : i32
      scf.yield %scan3A_490 : i32
    }
    %scan3A_303 = arith.constant 10 : i32
    %dma_wait3A_304 = arith.constant 0 : i32
    %dma_wait3A_305 = arith.constant 1 : i32
    %dma_wait3A_306 = arith.constant 0 : i32
    %dma_wait3A_307 = tpu.memref_slice %arg6[%dma_wait3A_304, %dma_wait3A_305, %dma_wait3A_306] : memref<2x2x512xi32, #tpu.memory_space<vmem>> -> memref<1x1x64xi32, #tpu.memory_space<vmem>>
    %dma_wait3A_308 = tpu.memref_squeeze %dma_wait3A_307 : memref<1x1x64xi32, #tpu.memory_space<vmem>> -> memref<64xi32, #tpu.memory_space<vmem>>
    %dma_wait3A_309 = arith.constant 0 : i32
    %dma_wait3A_310 = arith.constant 0 : i32
    %dma_wait3A_311 = tpu.memref_slice %arg12[%dma_wait3A_309, %dma_wait3A_310] : memref<10240x128xf32, #tpu.memory_space<vmem_shared>> -> memref<10240x128xf32, #tpu.memory_space<vmem_shared>>
    tpu.wait_indirect_dma semaphore(%arg22 : memref<!tpu.dma_semaphore, #tpu.memory_space<semaphore_mem>>) src(%arg10 : memref<64x128xf32, #tpu.memory_space<vmem>>) dst(%dma_wait3A_311 : memref<10240x128xf32, #tpu.memory_space<vmem_shared>>)
    %barrier3A_312 = arith.constant 0 : index
    tpu.barrier barrier_id(%barrier3A_312)
    %mul3A_313 = arith.constant 640 : i32
    %mul3A_314 = arith.muli %arg1, %mul3A_313 : i32
    %mul3A_315 = arith.constant 640 : i32
    %mul3A_316 = arith.muli %arg1, %mul3A_315 : i32
    %dma_start3A_317 = arith.constant 0 : i32
    %dma_start3A_318 = tpu.memref_slice %arg4[%arg0, %mul3A_316, %dma_start3A_317] : memref<2x10240x128xf32, #tpu.memory_space<hbm>> -> memref<1x640x128xf32, #tpu.memory_space<hbm>>
    %dma_start3A_319 = tpu.memref_squeeze %dma_start3A_318 : memref<1x640x128xf32, #tpu.memory_space<hbm>> -> memref<640x128xf32, #tpu.memory_space<hbm>>
    %dma_start3A_320 = arith.constant 0 : i32
    %dma_start3A_321 = tpu.memref_slice %arg12[%mul3A_314, %dma_start3A_320] : memref<10240x128xf32, #tpu.memory_space<vmem_shared>> -> memref<640x128xf32, #tpu.memory_space<vmem_shared>>
    tpu.enqueue_dma source(%dma_start3A_321 : memref<640x128xf32, #tpu.memory_space<vmem_shared>>) target(%dma_start3A_319 : memref<640x128xf32, #tpu.memory_space<hbm>>) target_semaphore(%arg13 : memref<!tpu.dma_semaphore, #tpu.memory_space<semaphore_mem>>)
    %dma_start3A_322 = arith.constant 0 : i32
    %dma_start3A_323 = tpu.memref_slice %arg5[%add3A, %dma_start3A_322] : memref<32x10240xf32, #tpu.memory_space<hbm>> -> memref<1x10240xf32, #tpu.memory_space<hbm>>
    %dma_start3A_324 = tpu.memref_squeeze %dma_start3A_323 : memref<1x10240xf32, #tpu.memory_space<hbm>> -> memref<10240xf32, #tpu.memory_space<hbm>>
    %dma_start3A_325 = arith.constant 0 : i32
    %dma_start3A_326 = tpu.memref_slice %arg5[%add3A, %dma_start3A_325] : memref<32x10240xf32, #tpu.memory_space<hbm>> -> memref<1x10240xf32, #tpu.memory_space<hbm>>
    %dma_start3A_327 = tpu.memref_squeeze %dma_start3A_326 : memref<1x10240xf32, #tpu.memory_space<hbm>> -> memref<10240xf32, #tpu.memory_space<hbm>>
    tpu.enqueue_dma source(%arg11 : memref<10240xf32, #tpu.memory_space<vmem>>) target(%dma_start3A_327 : memref<10240xf32, #tpu.memory_space<hbm>>) target_semaphore(%arg14 : memref<!tpu.dma_semaphore, #tpu.memory_space<semaphore_mem>>)
    %mul3A_328 = arith.constant 640 : i32
    %mul3A_329 = arith.muli %arg1, %mul3A_328 : i32
    %mul3A_330 = arith.constant 640 : i32
    %mul3A_331 = arith.muli %arg1, %mul3A_330 : i32
    %dma_wait3A_332 = arith.constant 0 : i32
    %dma_wait3A_333 = tpu.memref_slice %arg4[%arg0, %mul3A_331, %dma_wait3A_332] : memref<2x10240x128xf32, #tpu.memory_space<hbm>> -> memref<1x640x128xf32, #tpu.memory_space<hbm>>
    %dma_wait3A_334 = tpu.memref_squeeze %dma_wait3A_333 : memref<1x640x128xf32, #tpu.memory_space<hbm>> -> memref<640x128xf32, #tpu.memory_space<hbm>>
    %dma_wait3A_335 = arith.constant 0 : i32
    %dma_wait3A_336 = tpu.memref_slice %arg12[%mul3A_329, %dma_wait3A_335] : memref<10240x128xf32, #tpu.memory_space<vmem_shared>> -> memref<640x128xf32, #tpu.memory_space<vmem_shared>>
    tpu.wait_dma2 semaphore(%arg13 : memref<!tpu.dma_semaphore, #tpu.memory_space<semaphore_mem>>) src(%dma_wait3A_336 : memref<640x128xf32, #tpu.memory_space<vmem_shared>>) dst(%dma_wait3A_334 : memref<640x128xf32, #tpu.memory_space<hbm>>)
    %dma_wait3A_337 = arith.constant 0 : i32
    %dma_wait3A_338 = tpu.memref_slice %arg5[%add3A, %dma_wait3A_337] : memref<32x10240xf32, #tpu.memory_space<hbm>> -> memref<1x10240xf32, #tpu.memory_space<hbm>>
    %dma_wait3A_339 = tpu.memref_squeeze %dma_wait3A_338 : memref<1x10240xf32, #tpu.memory_space<hbm>> -> memref<10240xf32, #tpu.memory_space<hbm>>
    %dma_wait3A_340 = arith.constant 0 : i32
    %dma_wait3A_341 = tpu.memref_slice %arg5[%add3A, %dma_wait3A_340] : memref<32x10240xf32, #tpu.memory_space<hbm>> -> memref<1x10240xf32, #tpu.memory_space<hbm>>
    %dma_wait3A_342 = tpu.memref_squeeze %dma_wait3A_341 : memref<1x10240xf32, #tpu.memory_space<hbm>> -> memref<10240xf32, #tpu.memory_space<hbm>>
    tpu.wait_dma2 semaphore(%arg14 : memref<!tpu.dma_semaphore, #tpu.memory_space<semaphore_mem>>) src(%arg11 : memref<10240xf32, #tpu.memory_space<vmem>>) dst(%dma_wait3A_342 : memref<10240xf32, #tpu.memory_space<hbm>>)
    return
  }
}

module attributes {stable_mosaic.version = 14 : i64} {
  func.func @_tc_body(%arg0: i32, %arg1: memref<2x2048x128xf32, #tpu.memory_space<vmem>>, %arg2: memref<32x2048xf32, #tpu.memory_space<vmem>>, %arg3: memref<2048x128xf32, #tpu.memory_space<vmem>>, %arg4: memref<128x128xf32, #tpu.memory_space<vmem>>, %arg5: memref<128x128xf32, #tpu.memory_space<vmem>>, %arg6: memref<128xf32, #tpu.memory_space<vmem>>, %arg7: memref<128x1280xf32, #tpu.memory_space<vmem>>, %arg8: memref<1280xf32, #tpu.memory_space<vmem>>, %arg9: memref<1280x480xf32, #tpu.memory_space<vmem>>, %arg10: memref<480xf32, #tpu.memory_space<vmem>>, %arg11: memref<480x1xf32, #tpu.memory_space<vmem>>, %arg12: memref<1xf32, #tpu.memory_space<vmem>>, %arg13: memref<2048xf32, #tpu.memory_space<vmem>>) attributes {dimension_semantics = [#tpu.dimension_semantics<arbitrary>], iteration_bounds = array<i64: 5>, scalar_prefetch = 0 : i64, scratch_operands = 0 : i64, tpu.core_type = #tpu.core_type<tc>, window_params = [{transform_indices = @transform_0, window_bounds = array<i64: 2, 2048, 128>}, {transform_indices = @transform_1, window_bounds = array<i64: 32, 2048>}, {transform_indices = @transform_2, window_bounds = array<i64: 2048, 128>}, {pipeline_mode = #tpu.pipeline_mode<synchronous>, transform_indices = @transform_3, window_bounds = array<i64: 128, 128>}, {pipeline_mode = #tpu.pipeline_mode<synchronous>, transform_indices = @transform_4, window_bounds = array<i64: 128, 128>}, {pipeline_mode = #tpu.pipeline_mode<synchronous>, transform_indices = @transform_5, window_bounds = array<i64: 128>}, {pipeline_mode = #tpu.pipeline_mode<synchronous>, transform_indices = @transform_6, window_bounds = array<i64: 128, 1280>}, {pipeline_mode = #tpu.pipeline_mode<synchronous>, transform_indices = @transform_7, window_bounds = array<i64: 1280>}, {pipeline_mode = #tpu.pipeline_mode<synchronous>, transform_indices = @transform_8, window_bounds = array<i64: 1280, 480>}, {pipeline_mode = #tpu.pipeline_mode<synchronous>, transform_indices = @transform_9, window_bounds = array<i64: 480>}, {pipeline_mode = #tpu.pipeline_mode<synchronous>, transform_indices = @transform_10, window_bounds = array<i64: 480, 1>}, {pipeline_mode = #tpu.pipeline_mode<synchronous>, transform_indices = @transform_11, window_bounds = array<i64: 1>}, {transform_indices = @transform_12, window_bounds = array<i64: 2048>}]} {
    %get3A = arith.constant 0 : index
    %get3A_0 = arith.constant 0 : index
    %get3A_1 = arith.constant 0 : index
    %get3A_2 = vector.load %arg1[%get3A, %get3A_0, %get3A_1] : memref<2x2048x128xf32, #tpu.memory_space<vmem>>, vector<1x2048x128xf32>
    %get3A_3 = vector.shape_cast %get3A_2 : vector<1x2048x128xf32> to vector<2048x128xf32>
    %get3A_4 = arith.constant 1 : index
    %get3A_5 = arith.constant 0 : index
    %get3A_6 = arith.constant 0 : index
    %get3A_7 = vector.load %arg1[%get3A_4, %get3A_5, %get3A_6] : memref<2x2048x128xf32, #tpu.memory_space<vmem>>, vector<1x2048x128xf32>
    %get3A_8 = vector.shape_cast %get3A_7 : vector<1x2048x128xf32> to vector<2048x128xf32>
    %add3A = arith.addf %get3A_3, %get3A_8 : vector<2048x128xf32>
    %get3A_9 = arith.constant 0 : index
    %get3A_10 = arith.constant 0 : index
    %get3A_11 = vector.load %arg2[%get3A_9, %get3A_10] : memref<32x2048xf32, #tpu.memory_space<vmem>>, vector<32x2048xf32>
    %reduce_sum3A = arith.constant dense<0.000000e+00> : vector<2048xf32>
    %reduce_sum3A_12 = vector.multi_reduction <add>, %get3A_11, %reduce_sum3A [0] : vector<32x2048xf32> to vector<2048xf32>
    %max3A = arith.constant 1.000000e+00 : f32
    %max3A_13 = vector.broadcast %max3A : f32 to vector<2048xf32>
    %max3A_14 = arith.maximumf %reduce_sum3A_12, %max3A_13 : vector<2048xf32>
    %broadcast_in_dim3A = vector.shape_cast %max3A_14 : vector<2048xf32> to vector<2048x1xf32>
    %div3A = vector.broadcast %broadcast_in_dim3A : vector<2048x1xf32> to vector<2048x128xf32>
    %div3A_15 = arith.divf %add3A, %div3A : vector<2048x128xf32>
    %get3A_16 = arith.constant 0 : index
    %get3A_17 = arith.constant 0 : index
    %get3A_18 = vector.load %arg4[%get3A_16, %get3A_17] : memref<128x128xf32, #tpu.memory_space<vmem>>, vector<128x128xf32>
    %dot_general3A = arith.constant dense<0.000000e+00> : vector<2048x128xf32>
    %dot_general3A_19 = tpu.matmul %div3A_15, %get3A_18, %dot_general3A {dimension_numbers = #tpu.dot_dimension_numbers<[1], [0], [0], [1], [0, 0, 1, 1], [], []>, transpose_lhs_hint = false} : vector<2048x128xf32>, vector<128x128xf32>, vector<2048x128xf32> -> vector<2048x128xf32>
    %get3A_20 = arith.constant 0 : index
    %get3A_21 = arith.constant 0 : index
    %get3A_22 = vector.load %arg3[%get3A_20, %get3A_21] : memref<2048x128xf32, #tpu.memory_space<vmem>>, vector<2048x128xf32>
    %get3A_23 = arith.constant 0 : index
    %get3A_24 = arith.constant 0 : index
    %get3A_25 = vector.load %arg5[%get3A_23, %get3A_24] : memref<128x128xf32, #tpu.memory_space<vmem>>, vector<128x128xf32>
    %dot_general3A_26 = arith.constant dense<0.000000e+00> : vector<2048x128xf32>
    %dot_general3A_27 = tpu.matmul %get3A_22, %get3A_25, %dot_general3A_26 {dimension_numbers = #tpu.dot_dimension_numbers<[1], [0], [0], [1], [0, 0, 1, 1], [], []>, transpose_lhs_hint = false} : vector<2048x128xf32>, vector<128x128xf32>, vector<2048x128xf32> -> vector<2048x128xf32>
    %add3A_28 = arith.addf %dot_general3A_19, %dot_general3A_27 : vector<2048x128xf32>
    %get3A_29 = arith.constant 0 : index
    %get3A_30 = vector.load %arg6[%get3A_29] : memref<128xf32, #tpu.memory_space<vmem>>, vector<128xf32>
    %broadcast_in_dim3A_31 = vector.shape_cast %get3A_30 : vector<128xf32> to vector<1x128xf32>
    %add3A_32 = vector.broadcast %broadcast_in_dim3A_31 : vector<1x128xf32> to vector<2048x128xf32>
    %add3A_33 = arith.addf %add3A_28, %add3A_32 : vector<2048x128xf32>
    %get3A_34 = arith.constant 0 : index
    %get3A_35 = arith.constant 0 : index
    %get3A_36 = vector.load %arg7[%get3A_34, %get3A_35] : memref<128x1280xf32, #tpu.memory_space<vmem>>, vector<128x1280xf32>
    %dot_general3A_37 = arith.constant dense<0.000000e+00> : vector<2048x1280xf32>
    %dot_general3A_38 = tpu.matmul %add3A_33, %get3A_36, %dot_general3A_37 {dimension_numbers = #tpu.dot_dimension_numbers<[1], [0], [0], [1], [0, 0, 1, 1], [], []>, transpose_lhs_hint = false} : vector<2048x128xf32>, vector<128x1280xf32>, vector<2048x1280xf32> -> vector<2048x1280xf32>
    %get3A_39 = arith.constant 0 : index
    %get3A_40 = vector.load %arg8[%get3A_39] : memref<1280xf32, #tpu.memory_space<vmem>>, vector<1280xf32>
    %broadcast_in_dim3A_41 = vector.shape_cast %get3A_40 : vector<1280xf32> to vector<1x1280xf32>
    %add3A_42 = vector.broadcast %broadcast_in_dim3A_41 : vector<1x1280xf32> to vector<2048x1280xf32>
    %add3A_43 = arith.addf %dot_general3A_38, %add3A_42 : vector<2048x1280xf32>
    %gt3A = arith.constant 0.000000e+00 : f32
    %gt3A_44 = vector.broadcast %gt3A : f32 to vector<2048x1280xf32>
    %gt3A_45 = arith.cmpf ogt, %add3A_43, %gt3A_44 : vector<2048x1280xf32>
    %mul3A = arith.constant 0.00999999977 : f32
    %mul3A_46 = vector.broadcast %mul3A : f32 to vector<2048x1280xf32>
    %mul3A_47 = arith.mulf %mul3A_46, %add3A_43 : vector<2048x1280xf32>
    %select_n3A = arith.select %gt3A_45, %add3A_43, %mul3A_47 : vector<2048x1280xi1>, vector<2048x1280xf32>
    %get3A_48 = arith.constant 0 : index
    %get3A_49 = arith.constant 0 : index
    %get3A_50 = vector.load %arg9[%get3A_48, %get3A_49] : memref<1280x480xf32, #tpu.memory_space<vmem>>, vector<1280x480xf32>
    %dot_general3A_51 = arith.constant dense<0.000000e+00> : vector<2048x480xf32>
    %dot_general3A_52 = tpu.matmul %select_n3A, %get3A_50, %dot_general3A_51 {dimension_numbers = #tpu.dot_dimension_numbers<[1], [0], [0], [1], [0, 0, 1, 1], [], []>, transpose_lhs_hint = false} : vector<2048x1280xf32>, vector<1280x480xf32>, vector<2048x480xf32> -> vector<2048x480xf32>
    %get3A_53 = arith.constant 0 : index
    %get3A_54 = vector.load %arg10[%get3A_53] : memref<480xf32, #tpu.memory_space<vmem>>, vector<480xf32>
    %broadcast_in_dim3A_55 = vector.shape_cast %get3A_54 : vector<480xf32> to vector<1x480xf32>
    %add3A_56 = vector.broadcast %broadcast_in_dim3A_55 : vector<1x480xf32> to vector<2048x480xf32>
    %add3A_57 = arith.addf %dot_general3A_52, %add3A_56 : vector<2048x480xf32>
    %gt3A_58 = arith.constant 0.000000e+00 : f32
    %gt3A_59 = vector.broadcast %gt3A_58 : f32 to vector<2048x480xf32>
    %gt3A_60 = arith.cmpf ogt, %add3A_57, %gt3A_59 : vector<2048x480xf32>
    %mul3A_61 = arith.constant 0.00999999977 : f32
    %mul3A_62 = vector.broadcast %mul3A_61 : f32 to vector<2048x480xf32>
    %mul3A_63 = arith.mulf %mul3A_62, %add3A_57 : vector<2048x480xf32>
    %select_n3A_64 = arith.select %gt3A_60, %add3A_57, %mul3A_63 : vector<2048x480xi1>, vector<2048x480xf32>
    %get3A_65 = arith.constant 0 : index
    %get3A_66 = arith.constant 0 : index
    %get3A_67 = vector.load %arg11[%get3A_65, %get3A_66] : memref<480x1xf32, #tpu.memory_space<vmem>>, vector<480x1xf32>
    %dot_general3A_68 = arith.constant dense<0.000000e+00> : vector<2048x1xf32>
    %dot_general3A_69 = tpu.matmul %select_n3A_64, %get3A_67, %dot_general3A_68 {dimension_numbers = #tpu.dot_dimension_numbers<[1], [0], [0], [1], [0, 0, 1, 1], [], []>, transpose_lhs_hint = false} : vector<2048x480xf32>, vector<480x1xf32>, vector<2048x1xf32> -> vector<2048x1xf32>
    %squeeze3A = vector.shape_cast %dot_general3A_69 : vector<2048x1xf32> to vector<2048xf32>
    %get3A_70 = arith.constant 0 : index
    %get3A_71 = vector.load %arg12[%get3A_70] : memref<1xf32, #tpu.memory_space<vmem>>, vector<1xf32>
    %add3A_72 = vector.broadcast %get3A_71 : vector<1xf32> to vector<2048xf32>
    %add3A_73 = arith.addf %squeeze3A, %add3A_72 : vector<2048xf32>
    %swap3A = arith.constant 0 : index
    %swap3A_74 = vector.load %arg13[%swap3A] : memref<2048xf32, #tpu.memory_space<vmem>>, vector<2048xf32>
    tpu.vector_store %arg13[%swap3A], %add3A_73 {strides = array<i32>} : memref<2048xf32, #tpu.memory_space<vmem>>, vector<2048xf32>,
    return
  }
  func.func @transform_0(%arg0: i32) -> (i32, i32, i32) {
    %c0_i32 = arith.constant 0 : i32
    %c0_i32_0 = arith.constant 0 : i32
    %c0_i32_1 = arith.constant 0 : i32
    return %c0_i32, %arg0, %c0_i32_0 : i32, i32, i32
  }
  func.func @transform_1(%arg0: i32) -> (i32, i32) {
    %c0_i32 = arith.constant 0 : i32
    %c0_i32_0 = arith.constant 0 : i32
    return %c0_i32, %arg0 : i32, i32
  }
  func.func @transform_2(%arg0: i32) -> (i32, i32) {
    %c0_i32 = arith.constant 0 : i32
    %c0_i32_0 = arith.constant 0 : i32
    return %arg0, %c0_i32 : i32, i32
  }
  func.func @transform_3(%arg0: i32) -> (i32, i32) {
    %c0_i32 = arith.constant 0 : i32
    %c0_i32_0 = arith.constant 0 : i32
    %c0_i32_1 = arith.constant 0 : i32
    return %c0_i32, %c0_i32_0 : i32, i32
  }
  func.func @transform_4(%arg0: i32) -> (i32, i32) {
    %c0_i32 = arith.constant 0 : i32
    %c0_i32_0 = arith.constant 0 : i32
    %c0_i32_1 = arith.constant 0 : i32
    return %c0_i32, %c0_i32_0 : i32, i32
  }
  func.func @transform_5(%arg0: i32) -> i32 {
    %c0_i32 = arith.constant 0 : i32
    %c0_i32_0 = arith.constant 0 : i32
    return %c0_i32 : i32
  }
  func.func @transform_6(%arg0: i32) -> (i32, i32) {
    %c0_i32 = arith.constant 0 : i32
    %c0_i32_0 = arith.constant 0 : i32
    %c0_i32_1 = arith.constant 0 : i32
    return %c0_i32, %c0_i32_0 : i32, i32
  }
  func.func @transform_7(%arg0: i32) -> i32 {
    %c0_i32 = arith.constant 0 : i32
    %c0_i32_0 = arith.constant 0 : i32
    return %c0_i32 : i32
  }
  func.func @transform_8(%arg0: i32) -> (i32, i32) {
    %c0_i32 = arith.constant 0 : i32
    %c0_i32_0 = arith.constant 0 : i32
    %c0_i32_1 = arith.constant 0 : i32
    return %c0_i32, %c0_i32_0 : i32, i32
  }
  func.func @transform_9(%arg0: i32) -> i32 {
    %c0_i32 = arith.constant 0 : i32
    %c0_i32_0 = arith.constant 0 : i32
    return %c0_i32 : i32
  }
  func.func @transform_10(%arg0: i32) -> (i32, i32) {
    %c0_i32 = arith.constant 0 : i32
    %c0_i32_0 = arith.constant 0 : i32
    %c0_i32_1 = arith.constant 0 : i32
    return %c0_i32, %c0_i32_0 : i32, i32
  }
  func.func @transform_11(%arg0: i32) -> i32 {
    %c0_i32 = arith.constant 0 : i32
    %c0_i32_0 = arith.constant 0 : i32
    return %c0_i32 : i32
  }
  func.func @transform_12(%arg0: i32) -> i32 {
    %c0_i32 = arith.constant 0 : i32
    return %arg0 : i32
  }
}

</mosaic_0001>

<sc_bundles>
// kernel: kernel.4.cloned.1.call-start
scs
__scs_entry_jumppad:
0x0: {  	(pc) =	sbr.rel $0x88, $3  }
0x1: {  	(tag) =	ssettag $0x0;
	lr =	simm.s32 $0x1  }
0x2: {  	[smem:$0x3F91] =	sst lr;
	_ =	strace $0xD0000000  }
0x3: {  	_ = 	snop  }
0x4: {  	_ = 	snop  }
0x5: {  	_ = 	snop  }
0x6: {  	_ = 	snop  }
0x7: {  	_ = 	snop  }
__scs_overlays_trampoline_lowered:
0x8: {  	[smem:$0x3FA0] =	sst s0  }
0x9: {  	[smem:$0x3FA1] =	sst s1  }
0xa: {  	[smem:$0x3FA2] =	sst s2  }
0xb: {  	[smem:$0x3FA3] =	sst s3  }
0xc: {  	[smem:$0x3FA4] =	sst s4  }
0xd: {  	[smem:$0x3FA5] =	sst s5  }
0xe: {  	[smem:$0x3FA6] =	sst s6  }
0xf: {  	[smem:$0x3FA7] =	sst s7  }
0x10: {  	[smem:$0x3FA8] =	sst s8  }
0x11: {  	[smem:$0x3FA9] =	sst s9;
	s0 =	simm.s32 @!p0 $0x0  }
0x12: {  	s1 =	sld [smem:$0x3F8F];
	s0 =	simm.s32 @p0 $0x1  }
0x13: {  	[smem:$0x3FAA] =	sst s0;
	s0 =	simm.s32 @!p1 $0x0  }
0x14: {  	s2 =	sld [smem:$0x3F8E];
	s0 =	simm.s32 @p1 $0x1  }
0x15: {  	[smem:$0x3FAB] =	sst s0;
	s0 =	simm.s32 @!p2 $0x0  }
0x16: {  	s3 =	sld [smem:$0x3FDB];
	s0 =	simm.s32 @p2 $0x1  }
0x17: {  	s4 =	simm.s32 $0x1BF5;
	[smem:$0x3FAD] =	sst s0  }
0x18: {  	s0 =	sld [smem:$0x3F90];
	_ =	swait.ge [sflag:s4], $0x0  }
0x19: {  	s7 =	sld [smem:$0x3F91]  }
0x1a: {  	s8 =	sadd.s32 $0xFFFFE003, lr  }
0x1b: {  	s9 =	sadd.s32 $0xFFFFFEF7, lr;
	s5 =	simm.s32 $0xFFFFFFFF;
	p2 =	slt.u32 s8, $0xFFFFF086  }
0x1c: {  	p1 =	slt.u32 s9, $0xF7A;
	s5 =	simm.s32 @!p2 $0x0  }
0x1d: {  	s5 =	simm.s32 @p1 $0x1;
	p0 =	seq.s32 s7, s2  }
0x1e: {  	s7 =	smul.u32 @!p0 $0xF7A, s2;
	p2 =	seq.s32 @!p0 s5, $0x0  }
0x1f: {  	s9 =	smul.u32 $0xF7A, s1;
	s8 =	simm.s32 @!p0 $0x1BF5;
	p2 =	por !p2, p0  }
0x20: {  	[sflag:s8] =	ssyncset.s32 @!p0 $0xFFFFF086;
	s6 =	sadd.s32 @!p0 s3, s7;
	s7 =	simm.s32 @!p0 $0x108  }
0x21: {  	s3 =	sadd.s32 s3, s9;
	s6 =	sadd.s32 @!p0 $0x88, s6;
	s7 =	simm.s32 @p2 $0x1082  }
0x22: {  	[simem:s7], [sflag:s8] =	dma.local @!p0 [hbm:s6], $0xF7A  }
0x23: {  	s9 =	sor.u32 $0xD0000000, s2;
	s6 =	simm.s32 $0x108;
	_ =	swait.ge @!p0 [sflag:s8], $0x0  }
0x24: {  	s3 =	sadd.s32 $0x88, s3;
	s6 =	simm.s32 @!p1 $0x1082;
	[sflag:s4] =	ssyncset.s32 $0xFFFFF086  }
0x25: {  	[simem:s6], [sflag:s4] =	dma.local [hbm:s3], $0xF7A  }
0x26: {  	[smem:$0x3F91] =	sst s1;
	(tag) =	ssettag s2;
	_ =	strace s9  }
0x27: {  	s1 =	sld [smem:$0x3FA1]  }
0x28: {  	s2 =	sld [smem:$0x3FA2]  }
0x29: {  	s4 =	sld [smem:$0x3FA4]  }
0x2a: {  	p0 =	seq.s32 s5, $0x0;
	s5 =	sld [smem:$0x3FA5]  }
0x2b: {  	s6 =	sld [smem:$0x3FA6]  }
0x2c: {  	s7 =	sld [smem:$0x3FA7]  }
0x2d: {  	s3 =	simm.s32 $0x108;
	s8 =	sld [smem:$0x3FA8]  }
0x2e: {  	s3 =	simm.s32 @!p0 $0x1082;
	s9 =	sld [smem:$0x3FA9]  }
0x2f: {  	lr =	sadd.s32 s0, s3;
	s0 =	sld [smem:$0x3FA0]  }
0x30: {  	s3 =	sld [smem:$0x3FA3]  }
0x31: {  	[smem:$0x3FAC] =	sst s10  }
0x32: {  	s10 =	sld [smem:$0x3FAA];
	_ =	sdelay $0x3  }
0x33: {  	p0 =	seq.s32 s10, $0x1;
	s10 =	sld [smem:$0x3FAC];
	_ =	sdelay $0x3  }
0x34: {  	[smem:$0x3FAC] =	sst s10  }
0x35: {  	s10 =	sld [smem:$0x3FAB];
	_ =	sdelay $0x3  }
0x36: {  	p1 =	seq.s32 s10, $0x1;
	s10 =	sld [smem:$0x3FAC];
	_ =	sdelay $0x3  }
0x37: {  	[smem:$0x3FAC] =	sst s10  }
0x38: {  	s10 =	sld [smem:$0x3FAD]  }
0x39: {  	_ = 	snop;
	(pc) =	sbr.ind lr, $3  }
0x3a: {  	_ = 	snop  }
0x3b: {  	_ = 	snop  }
0x3c: {  	p2 =	seq.s32 s10, $0x1;
	s10 =	sld [smem:$0x3FAC]  }
0x3d: {  	_ =	shalt  }
0x3e: {  	_ =	shalt  }
0x3f: {  	_ =	shalt  }
0x40: {  	_ =	shalt  }
0x41: {  	_ =	shalt  }
0x42: {  	_ =	shalt  }
0x43: {  	_ =	shalt  }
0x44: {  	_ =	shalt  }
0x45: {  	_ =	shalt  }
0x46: {  	_ =	shalt  }
0x47: {  	_ =	shalt  }
0x48: {  	_ =	shalt  }
0x49: {  	_ =	shalt  }
0x4a: {  	_ =	shalt  }
0x4b: {  	_ =	shalt  }
0x4c: {  	_ =	shalt  }
0x4d: {  	_ =	shalt  }
0x4e: {  	_ =	shalt  }
0x4f: {  	_ =	shalt  }
0x50: {  	_ =	shalt  }
0x51: {  	_ =	shalt  }
0x52: {  	_ =	shalt  }
0x53: {  	_ =	shalt  }
0x54: {  	_ =	shalt  }
0x55: {  	_ =	shalt  }
0x56: {  	_ =	shalt  }
0x57: {  	_ =	shalt  }
0x58: {  	_ =	shalt  }
0x59: {  	_ =	shalt  }
0x5a: {  	_ =	shalt  }
0x5b: {  	_ =	shalt  }
0x5c: {  	_ =	shalt  }
0x5d: {  	_ =	shalt  }
0x5e: {  	_ =	shalt  }
0x5f: {  	_ =	shalt  }
0x60: {  	_ =	shalt  }
0x61: {  	_ =	shalt  }
0x62: {  	_ =	shalt  }
0x63: {  	_ =	shalt  }
0x64: {  	_ =	shalt  }
0x65: {  	_ =	shalt  }
0x66: {  	_ =	shalt  }
0x67: {  	_ =	shalt  }
0x68: {  	_ =	shalt  }
0x69: {  	_ =	shalt  }
0x6a: {  	_ =	shalt  }
0x6b: {  	_ =	shalt  }
0x6c: {  	_ =	shalt  }
0x6d: {  	_ =	shalt  }
0x6e: {  	_ =	shalt  }
0x6f: {  	_ =	shalt  }
0x70: {  	_ =	shalt  }
0x71: {  	_ =	shalt  }
0x72: {  	_ =	shalt  }
0x73: {  	_ =	shalt  }
0x74: {  	_ =	shalt  }
0x75: {  	_ =	shalt  }
0x76: {  	_ =	shalt  }
0x77: {  	_ =	shalt  }
0x78: {  	_ =	shalt  }
0x79: {  	_ =	shalt  }
0x7a: {  	_ =	shalt  }
0x7b: {  	_ =	shalt  }
0x7c: {  	_ =	shalt  }
0x7d: {  	_ =	shalt  }
0x7e: {  	_ =	shalt  }
0x7f: {  	_ =	shalt  }
0x80: {  	_ =	shalt  }
0x81: {  	_ =	shalt  }
0x82: {  	_ =	shalt  }
0x83: {  	_ =	shalt  }
0x84: {  	_ =	shalt  }
0x85: {  	_ =	shalt  }
0x86: {  	_ =	shalt  }
0x87: {  	_ =	shalt  }
.Lfunc_end0:
.L_simem_size_0:
called_computation_lowered:
.L_overlay_start_0:
0x88: {  	s2 =	sld [smem:$0x3FD9]  }
0x89: {  	s3 =	sld [smem:$0x3FFE];
	_ =	sdelay $0x1  }
0x8a: {  	s1 =	srdreg.scid  }
0x8b: {  	s0 =	sand.u32 $0x1, s1  }
0x8c: {  	s17 =	sshll.u32 s0, $0xA;
	s2 =	sadd.s32 s3, s2  }
0x8d: {  	s2 =	sadd.s32 s2, s17  }
0x8e: {  	[smem:$0x3FB8] =	sst s2  }
0x8f: {  	_ = 	snop  }
0x90: {  	s2 =	sld [smem:$0x3FC9]  }
0x91: {  	s18 =	sld [smem:$0x3FC7];
	(tm) =	ssettm $0x1  }
0x92: {  	s4 =	sld [smem:$0x3FFB];
	_ =	sdelay $0x3  }
0x93: {  	_ =	strace s4  }
0x94: {  	s4 =	sld [smem:$0x3FFC];
	_ =	sdelay $0x3  }
0x95: {  	_ =	strace s4  }
0x96: {  	s4 =	sld [smem:$0x3FFD];
	_ =	sdelay $0x3  }
0x97: {  	_ =	strace s4  }
0x98: {  	_ =	strace $0x8FFFFFFF  }
0x99: {  	s19 =	sld [smem:$0x3FDB];
	_ =	sdelay $0x1  }
0x9a: {  	s5 =	simm.s32 $_scs_section_size  }
0x9b: {  	s6 =	simm.s32 $_size__tile_overlayer_lowered;
	s7 =	simm.s32 $_tile_overlayer_lowered  }
0x9c: {  	s22 =	simm.s32 $0x1BFF;
	s21 =	sshll.u32 s7, $0x1;
	s4 =	sadd.s32 s5, s19  }
0x9d: {  	s8 =	simm.s32 $0x0;
	s20 =	sshll.u32 s6, $0x1;
	s6 =	sadd.s32 s21, s4  }
0x9e: {  	[timem:s8], [sflag:s22] =	dma.local [hbm:s6], s20  }
0x9f: {  	_ =	swait.ge [sflag:s22], s20  }
0xa0: {  	s5 =	ssub.s32 $0x0, s20;
	[sflag:s22] =	ssyncset.done $0x0  }
0xa1: {  	[sflag:s22] =	ssyncadd.s32 s5;
	_ =	sdelay $0x1  }
0xa2: {  	s23 =	simm.s32 $0x1B8B  }
0xa3: {  	_ =	swait.ge [sflag:s23], $0x1  }
0xa4: {  	[sflag:s23] =	ssyncset.done $0x0  }
0xa5: {  	s25 =	simm.s32 $0x1B8E;
	s24 =	sld [smem:$0x3FFE];
	[sflag:s23] =	ssyncadd.s32 $0xFFFFFFFF  }
0xa6: {  	s26 =	simm.s32 $execute0_lowered;
	[smem:$0x3FD2] =	sst s25  }
0xa7: {  	s6 =	sshll.u32 s26, $0x1;
	_ =	strace $0x80000046;
	[dreg:$0x1] =	wrdreg $0xFFFFFFFF  }
0xa8: {  	s28 =	simm.s32 $_size_execute0_lowered;
	s4 =	sadd.s32 s4, s6;
	[dreg:$0x0] =	wrdreg $0x0  }
0xa9: {  	s6 =	sshll.u32 s28, $0x1;
	[dreg:$0x2] =	wrdreg s4  }
0xaa: {  	[dreg:$0x3] =	wrdreg s6  }
0xab: {  	[dreg:$0x4] =	wrdreg $0xC0  }
0xac: {  	_ =	task [dreg:s8], $0x5FFFF  }
0xad: {  	[dreg:$0x1] =	wrdreg $0xFFFFFFFF  }
0xae: {  	[dreg:$0x0] =	wrdreg $0x60  }
0xaf: {  	[dreg:$0x2] =	wrdreg s2  }
0xb0: {  	[dreg:$0x3] =	wrdreg s18  }
0xb1: {  	[dreg:$0x4] =	wrdreg s24  }
0xb2: {  	[dreg:$0x5] =	wrdreg $0xB0000  }
0xb3: {  	[dreg:$0x6] =	wrdreg $0x9  }
0xb4: {  	_ =	task.clear_ibuf [dreg:s8], $0x7FFFF;
	_ =	strace $0x90000046  }
0xb5: {  	s29 =	simm.s32 $0x9;
	_ =	strace $0x80000048  }
0xb6: {  	_ =	swait.ge [sflag:s29], $0x1  }
0xb7: {  	[sflag:s29] =	ssyncadd.s32 $0xFFFFFFFF  }
0xb8: {  	_ =	strace $0x90000048  }
0xb9: {  	_ =	sfence  }
0xba: {  	s30 =	sld [smem:$0x0];
	_ =	sdelay $0x2  }
0xbb: {  	s31 =	sshll.u32 s1, $0xD;
	s1 =	sshrl.u32 s1, $0x2  }
0xbc: {  	s3 =	sand.u32 $0x4000, s31;
	s1 =	sadd.s32 s1, s30  }
0xbd: {  	s0 =	sor.u32 s3, s0;
	s1 =	sshll.u32 s1, $0x11  }
0xbe: {  	s0 =	sor.u32 s1, s0  }
0xbf: {  	s0 =	sadd.s32 $0x8F2B, s0  }
0xc0: {  	[sflag:s0] =	ssyncadd.remote.s32 $0x1  }
0xc1: {  	_ =	sfence.sel $0xFFFF  }
0xc2: {  	[dreg:$0x0] =	wrdreg $0xFFFFFFFF;
	(pc) =	sbr.abs _section_cstart, $3  }
0xc3: {  	[dreg:$0x1] =	wrdreg $0xFFFFFFFF  }
0xc4: {  	_ =	task.clear_ibuf [dreg:s8], $0x2FFFF;
	_ =	strace $0x9FFFFFFF  }
0xc5: {  	(tm) =	ssettm $0x7FFFFFFF  }
tec
execute0_lowered:
.L_overlay_start_1:
0x0: {  	(tag) =	ssettag $0x1  }
0x1: {  	s1 =	rddreg [dreg:$0x0]  }
0x2: {  	s0 =	rddreg [dreg:$0x1]  }
0x3: {  	s2 =	rddreg [dreg:$0x2]  }
0x4: {  	s3 =	rddreg [dreg:$0x3];
	s11 =	stileid.u32  }
0x5: {  	s4 =	srdreg.scid;
	s8 =	simm.s32 $0x0;
	s6 =	smul.u32 $0x14000, s11  }
0x6: {  	s29 =	simm.s32 $0x6800;
	s4 =	sand.u32 $0x1, s4;
	s19 =	smul.u32 $0xA000, s11  }
0x7: {  	s30 =	simm.s32 $0x8800;
	s10 =	sshrl.u32 s11, $0x2;
	s5 =	smul.u32 $0x140000, s4  }
0x8: {  	s31 =	simm.s32 $0x80;
	s7 =	sshll.u32 s11, $0x1;
	s12 =	smul.u32 $0x14000, s10  }
0x9: {  	[smem:$0x7FF] =	sst s8;
	s7 =	sor.u32 s4, s7;
	s10 =	smul.u32 $0x50000, s11  }
0xa: {  	_ =	strace $0x80000047;
	s15 =	ssub.s32 $0x2, s4;
	s4 =	smul.u32 $0x5000, s4  }
0xb: {  	s13 =	sshll.u32 s7, $0x7;
	s16 =	sshrl.u32 s15, $0x1;
	p0 =	seq.s32 s7, $0x1F  }
0xc: {  	s7 =	smul.u32 $0xA00, s7;
	s5 =	sadd.s32 s6, s5;
	s8 =	sand.u32 $0x380, s13  }
0xd: {  	s6 =	ssub.s32 s15, s16;
	s17 =	sshrl.u32 s10, $0x2;
	s4 =	sadd.s32 s4, s19  }
0xe: {  	s10 =	simm.s32 $0x3;
	s16 =	simm.s32 $0xA;
	s13 =	simm.s32 $0x700  }
0xf: {  	s15 =	simm.s32 $0x5C0;
	s19 =	simm.s32 $0x6C0;
	s5 =	sshrl.u32 s5, $0x3  }
0x10: {  	s14 =	sor.u32 s12, s8;
	s28 =	sadd.s32 s17, s3;
	s7 =	sadd.s32 s0, s7  }
0x11: {  	s26 =	sor.u32 $0x400, s4;
	s6 =	smax.u32 s6, $0x1;
	[dreg:$0x6] =	wrdreg s7  }
0x12: {  	s4 =	sor.u32 $0x800, s4;
	s12 =	simm.s32 $0x9;
	[dreg:$0x10] =	wrdreg s6  }
0x13: {  	s17 =	simm.s32 $0x740;
	s18 =	sadd.s32 $0x2800, s28;
	[dreg:$0x5] =	wrdreg s28  }
0x14: {  	s9 =	sadd.s32 s5, s2;
	s8 =	sadd.s32 $0x5000, s28;
	[dreg:$0x7] =	wrdreg s18  }
0x15: {  	s5 =	sshrl.u32 s14, $0x3;
	s20 =	sadd.s32 $0x7800, s28;
	[dreg:$0x8] =	wrdreg s8  }
0x16: {  	s21 =	sadd.s32 $0xA000, s28;
	s22 =	sadd.s32 $0xC800, s28;
	[dreg:$0x9] =	wrdreg s20  }
0x17: {  	s23 =	sadd.s32 $0xF000, s28;
	s24 =	sadd.s32 $0x11800, s28;
	[dreg:$0xa] =	wrdreg s21  }
0x18: {  	s4 =	sshrl.u32 s4, $0x3;
	s14 =	simm.s32 $0x4;
	[dreg:$0xb] =	wrdreg s22  }
0x19: {  	s6 =	simm.s32 $0x7C0;
	s2 =	sadd.s32 s5, s2;
	[dreg:$0xc] =	wrdreg s23  }
0x1a: {  	s5 =	simm.s32 $0x5;
	[dreg:$0xd] =	wrdreg s24;
	s25 =	sadd.s32 $0x3000, s9  }
0x1b: {  	s21 =	simm.s32 $0x800;
	s22 =	simm.s32 $0x1;
	s23 =	simm.s32 $0x40  }
0x1c: {  	s24 =	simm.s32 $0x2800;
	s8 =	simm.s32 $0x8;
	s18 =	simm.s32 $0x680  }
.Ltmp0:
0x1d: {  	s20 =	simm.s32 $0x780;
	s2 =	sadd.s32 $0x53000, s2;
	(pc) =	sbr.rel .LBB2_1-.Ltmp0, $4  }
0x1e: {  	s5 =	simm.s32 @!p0 $0x14;
	[dreg:$0xf] =	wrdreg s2;
	s2 =	sshrl.u32 s26, $0x3  }
0x1f: {  	[dreg:$0xe] =	wrdreg s25;
	s25 =	simm.s32 $0x2;
	s2 =	sadd.s32 s2, s0  }
0x20: {  	s26 =	simm.s32 $0x4800;
	s0 =	sadd.s32 s4, s0;
	[dreg:$0x11] =	wrdreg s2  }
0x21: {  	v0 =	vimm.f32 $0.0e+00;
	v1 =	vimm.f32 $1.000000000e+00;
	s4 =	simm.s32 $0x0;
	[dreg:$0x12] =	wrdreg s0;
	s0 =	simm.s32 $0x7  }
.LBB2_11:
0x22: {  	_ =	swait.ge [sflag:s16], $0x2000  }
0x23: {  	[sflag:s16] =	ssyncset.done $0x0  }
0x24: {  	[sflag:s16] =	ssyncadd.s32 $0xFFFFE000  }
0x25: {  	s2 =	stileid.u32;
	[bflag:$0x0] =	sbarrier.arrive $0xFFFF  }
0x26: {  	s2 =	sshll.u32 s2, $0x6;
	s28 =	rddreg [dreg:$0x5]  }
0x27: {  	s2 =	sor.u32 $0x1C01, s2;
	s7 =	rddreg [dreg:$0xe];
	s4 =	sshrl.u32 s28, $0x3  }
0x28: {  	[hbm:s7], [sflag:s2] =	dma.local [spmem:s4], $0x2800  }
0x29: {  	s7 =	simm.s32 $0x400;
	s2 =	rddreg [dreg:$0xf]  }
0x2a: {  	[hbm4b:s2+s31] =	stream.strided.scatter [tilespmem:s30], [sflag:$0x2], $0x2800, s7, s31, $0x38;
	[tilespmem:$0x1F000] =	vst v63  }
0x2b: {  	_ =	swait.ge [sflag:s22], $0x2800  }
0x2c: {  	[sflag:s22] =	ssyncset.done $0x0  }
0x2d: {  	[sflag:s22] =	ssyncadd.s32 $0xFFFFD800  }
0x2e: {  	_ =	swait.ge [sflag:s25], $0x2800  }
0x2f: {  	s9 =	rddreg [dreg:$0x13]  }
0x30: {  	s11 =	rddreg [dreg:$0x10];
	s4 =	sadd.s32 $0x1, s9  }
0x31: {  	p0 =	sne.s32 s4, s11  }
.Ltmp1:
0x32: {  	_ = 	snop;
	(pc) =	sbr.rel @!p0 .LBB2_12-.Ltmp1, $3  }
0x33: {  	_ =	sdelay $0x1  }
0x34: {  	[sflag:s25] =	ssyncset.done $0x0  }
0x35: {  	[sflag:s25] =	ssyncadd.s32 $0xFFFFD800  }
.LBB2_1:
0x36: {  	s2 =	simm.s32 $0x0;
	s11 =	rddreg [dreg:$0x6]  }
0x37: {  	[tilespmem:s2], [sflag:$0x5] =	stream.linear.gather [hbm4b:s11+s2], $0x400, $0x38;
	[tilespmem:$0x1F000] =	vst v63  }
0x38: {  	[dreg:$0x13] =	wrdreg s4;
	s4 =	simm.s32 $0x200;
	s2 =	simm.s32 $0x0  }
.LBB2_2:
0x39: {  	p0 =	sne.s32 s4, $0x9E00;
	[tilespmem:s2+$0x870] =	vst v0  }
0x3a: {  	[tilespmem:s2+$0x800] =	vst v0  }
0x3b: {  	[tilespmem:s2+$0x810] =	vst v0  }
.Ltmp2:
0x3c: {  	[tilespmem:s2+$0x820] =	vst v0;
	(pc) =	sbr.rel @p0 .LBB2_2-.Ltmp2, $4  }
0x3d: {  	[tilespmem:s2+$0x830] =	vst v0  }
0x3e: {  	[tilespmem:s2+$0x840] =	vst v0  }
0x3f: {  	[tilespmem:s2+$0x850] =	vst v0  }
0x40: {  	[tilespmem:s2+$0x860] =	vst v0;
	s2 =	sshra.s32 s4, $0x2;
	s4 =	sadd.s32 $0x200, s4  }
0x41: {  	[tilespmem:s2+$0x870] =	vst v0  }
0x42: {  	[tilespmem:s2+$0x800] =	vst v0  }
0x43: {  	[tilespmem:s2+$0x810] =	vst v0  }
0x44: {  	[tilespmem:s2+$0x820] =	vst v0  }
0x45: {  	[tilespmem:s2+$0x830] =	vst v0  }
0x46: {  	[tilespmem:s2+$0x840] =	vst v0  }
0x47: {  	[tilespmem:s2+$0x850] =	vst v0  }
0x48: {  	[tilespmem:s2+$0x860] =	vst v0;
	s2 =	simm.s32 $0x0;
	s4 =	simm.s32 $0x400  }
.LBB2_4:
0x49: {  	p0 =	sne.s32 s4, $0x9C00;
	[tilespmem:s2+$0x88F0] =	vst v0  }
0x4a: {  	[tilespmem:s2+$0x8800] =	vst v0  }
0x4b: {  	[tilespmem:s2+$0x8810] =	vst v0  }
0x4c: {  	[tilespmem:s2+$0x8820] =	vst v0  }
0x4d: {  	[tilespmem:s2+$0x8830] =	vst v0  }
0x4e: {  	[tilespmem:s2+$0x8840] =	vst v0  }
0x4f: {  	[tilespmem:s2+$0x8850] =	vst v0  }
0x50: {  	[tilespmem:s2+$0x8860] =	vst v0  }
0x51: {  	[tilespmem:s2+$0x8870] =	vst v0  }
0x52: {  	[tilespmem:s2+$0x8880] =	vst v0  }
0x53: {  	[tilespmem:s2+$0x8890] =	vst v0  }
.Ltmp3:
0x54: {  	[tilespmem:s2+$0x88A0] =	vst v0;
	(pc) =	sbr.rel @p0 .LBB2_4-.Ltmp3, $4  }
0x55: {  	[tilespmem:s2+$0x88B0] =	vst v0  }
0x56: {  	[tilespmem:s2+$0x88C0] =	vst v0  }
0x57: {  	[tilespmem:s2+$0x88D0] =	vst v0  }
0x58: {  	[tilespmem:s2+$0x88E0] =	vst v0;
	s2 =	sshra.s32 s4, $0x2;
	s4 =	sadd.s32 $0x400, s4  }
0x59: {  	[tilespmem:s2+$0x88F0] =	vst v0  }
0x5a: {  	[tilespmem:s2+$0x8800] =	vst v0  }
0x5b: {  	[tilespmem:s2+$0x8810] =	vst v0  }
0x5c: {  	[tilespmem:s2+$0x8820] =	vst v0  }
0x5d: {  	[tilespmem:s2+$0x8830] =	vst v0  }
0x5e: {  	[tilespmem:s2+$0x8840] =	vst v0  }
0x5f: {  	[tilespmem:s2+$0x8850] =	vst v0  }
0x60: {  	[tilespmem:s2+$0x8860] =	vst v0  }
0x61: {  	[tilespmem:s2+$0x8870] =	vst v0  }
0x62: {  	[tilespmem:s2+$0x8880] =	vst v0  }
0x63: {  	[tilespmem:s2+$0x8890] =	vst v0  }
0x64: {  	[tilespmem:s2+$0x88A0] =	vst v0  }
0x65: {  	[tilespmem:s2+$0x88B0] =	vst v0  }
0x66: {  	[tilespmem:s2+$0x88C0] =	vst v0  }
0x67: {  	[tilespmem:s2+$0x88D0] =	vst v0  }
0x68: {  	[tilespmem:s2+$0x88E0] =	vst v0  }
0x69: {  	[spmem:s28] =	stream.linear.scatter [tilespmem:s21], [sflag:$0x1], $0x2800, $0x38;
	[tilespmem:$0x1F000] =	vst v63  }
0x6a: {  	s11 =	rddreg [dreg:$0x7]  }
0x6b: {  	[spmem:s11] =	stream.linear.scatter [tilespmem:s21], [sflag:$0x1], $0x2800, $0x38;
	[tilespmem:$0x1F000] =	vst v63  }
0x6c: {  	s4 =	rddreg [dreg:$0x8]  }
0x6d: {  	[spmem:s4] =	stream.linear.scatter [tilespmem:s21], [sflag:$0x1], $0x2800, $0x38;
	[tilespmem:$0x1F000] =	vst v63  }
0x6e: {  	s7 =	rddreg [dreg:$0x9]  }
0x6f: {  	[spmem:s7] =	stream.linear.scatter [tilespmem:s21], [sflag:$0x1], $0x2800, $0x38;
	[tilespmem:$0x1F000] =	vst v63  }
0x70: {  	s9 =	rddreg [dreg:$0xa]  }
0x71: {  	[spmem:s9] =	stream.linear.scatter [tilespmem:s21], [sflag:$0x1], $0x2800, $0x38;
	[tilespmem:$0x1F000] =	vst v63  }
0x72: {  	s11 =	rddreg [dreg:$0xb]  }
0x73: {  	[spmem:s11] =	stream.linear.scatter [tilespmem:s21], [sflag:$0x1], $0x2800, $0x38;
	[tilespmem:$0x1F000] =	vst v63  }
0x74: {  	s4 =	rddreg [dreg:$0xc]  }
0x75: {  	[spmem:s4] =	stream.linear.scatter [tilespmem:s21], [sflag:$0x1], $0x2800, $0x38;
	[tilespmem:$0x1F000] =	vst v63  }
0x76: {  	s7 =	rddreg [dreg:$0xd]  }
0x77: {  	[spmem:s7] =	stream.linear.scatter [tilespmem:s21], [sflag:$0x1], $0x2800, $0x38;
	[tilespmem:$0x1F000] =	vst v63  }
0x78: {  	_ =	swait.ge [sflag:s22], $0x2800  }
0x79: {  	[sflag:s22] =	ssyncset.done $0x0  }
0x7a: {  	[sflag:s22] =	ssyncadd.s32 $0xFFFFD800  }
0x7b: {  	_ =	swait.ge [sflag:s22], $0x2800  }
0x7c: {  	[sflag:s22] =	ssyncset.done $0x0  }
0x7d: {  	[sflag:s22] =	ssyncadd.s32 $0xFFFFD800  }
0x7e: {  	_ =	swait.ge [sflag:s22], $0x2800  }
0x7f: {  	[sflag:s22] =	ssyncset.done $0x0  }
0x80: {  	[sflag:s22] =	ssyncadd.s32 $0xFFFFD800  }
0x81: {  	_ =	swait.ge [sflag:s22], $0x2800  }
0x82: {  	[sflag:s22] =	ssyncset.done $0x0  }
0x83: {  	[sflag:s22] =	ssyncadd.s32 $0xFFFFD800  }
0x84: {  	_ =	swait.ge [sflag:s22], $0x2800  }
0x85: {  	[sflag:s22] =	ssyncset.done $0x0  }
0x86: {  	[sflag:s22] =	ssyncadd.s32 $0xFFFFD800  }
0x87: {  	_ =	swait.ge [sflag:s22], $0x2800  }
0x88: {  	[sflag:s22] =	ssyncset.done $0x0  }
0x89: {  	[sflag:s22] =	ssyncadd.s32 $0xFFFFD800  }
0x8a: {  	_ =	swait.ge [sflag:s22], $0x2800  }
0x8b: {  	[sflag:s22] =	ssyncset.done $0x0  }
0x8c: {  	[sflag:s22] =	ssyncadd.s32 $0xFFFFD800  }
0x8d: {  	_ =	swait.ge [sflag:s22], $0x2800  }
0x8e: {  	[sflag:s22] =	ssyncset.done $0x0  }
0x8f: {  	[sflag:s22] =	ssyncadd.s32 $0xFFFFD800  }
0x90: {  	s9 =	simm.s32 $0x5;
	[bflag:$0x0] =	sbarrier.arrive $0xFFFF  }
0x91: {  	_ =	swait.ge [sflag:s9], $0x400  }
0x92: {  	[sflag:s9] =	ssyncset.done $0x0  }
0x93: {  	s7 =	simm.s32 $0x0;
	[sflag:s9] =	ssyncadd.s32 $0xFFFFFC00  }
0x94: {  	[tilespmem:s21], [sflag:$0x1] =	stream.indirect.gather [hbm4b:s1+s23], $0x80, s7, s23, $0xb8;
	[tilespmem:$0x1F000] =	vst v63  }
.Ltmp4:
0x95: {  	_ = 	snop;
	(pc) =	sbr.rel .LBB2_6-.Ltmp4, $4  }
0x96: {  	s28 =	rddreg [dreg:$0x12]  }
0x97: {  	[tilespmem:s24], [sflag:$0x2] =	stream.indirect.gather [hbm4b:s1+s23], $0x80, s23, s23, $0xb8;
	[tilespmem:$0x1F000] =	vst v63  }
0x98: {  	s11 =	simm.s32 $0x100;
	s4 =	rddreg [dreg:$0x11]  }
0x99: {  	[tilespmem:s26], [sflag:$0x3] =	stream.indirect.gather [hbm4b:s1+s23], $0x80, s11, s23, $0xb8;
	[tilespmem:$0x1F000] =	vst v63  }
.LBB2_10:
0x9a: {  	p0 =	sne.s32 s7, $0x14  }
.Ltmp5:
0x9b: {  	_ = 	snop;
	(pc) =	sbr.rel @!p0 .LBB2_11-.Ltmp5, $2  }
0x9c: {  	_ =	sdelay $0x2  }
0x9d: {  	s4 =	sadd.s32 $0x100, s4;
	s28 =	sadd.s32 $0x100, s28  }
.LBB2_6:
0x9e: {  	p1 =	sge.u32 s7, s5  }
.Ltmp6:
0x9f: {  	_ = 	snop;
	(pc) =	sbr.rel @p1 .LBB2_8-.Ltmp6, $4  }
0xa0: {  	s2 =	sadd.s32 $0x1, s7  }
0xa1: {  	p0 =	sge.u32 s2, s5  }
0xa2: {  	s9 =	simm.s32 @!p0 $0x0;
	s2 =	simm.s32 @!p0 $0x400  }
0xa3: {  	[tilespmem:s2], [sflag:$0x6] =	stream.linear.gather @!p0 [hbm4b:s4+s9], $0x400, $0x38;
	[tilespmem:$0x1F000] =	vst v63  }
0xa4: {  	p1 =	seq.s32 s7, $0x0  }
0xa5: {  	s9 =	simm.s32 @!p1 $0xA  }
0xa6: {  	_ =	swait.ge @!p1 [sflag:s9], $0x2000  }
0xa7: {  	[sflag:s9] =	ssyncset.done @!p1 $0x0  }
0xa8: {  	s11 =	simm.s32 $0x140;
	[sflag:s9] =	ssyncadd.s32 @!p1 $0xFFFFE000  }
0xa9: {  	[tilespmem:s29], [sflag:$0x4] =	stream.indirect.gather [hbm4b:s1+s23], $0x80, s11, s23, $0xb8;
	[tilespmem:$0x1F000] =	vst v63  }
0xaa: {  	v2 =	vld [tilespmem:$0x80];
	_ =	sdelay $0x7  }
0xab: {  	[tilespmem:v2+s30+$0x0] =	vst.idx.add.f32.msk $0xffff, v1  }
0xac: {  	v2 =	vld [tilespmem:$0x90];
	_ =	sdelay $0x7  }
0xad: {  	[tilespmem:v2+s30+$0x0] =	vst.idx.add.f32.msk $0xffff, v1  }
0xae: {  	v2 =	vld [tilespmem:$0xA0];
	_ =	sdelay $0x7  }
0xaf: {  	[tilespmem:v2+s30+$0x0] =	vst.idx.add.f32.msk $0xffff, v1  }
0xb0: {  	v2 =	vld [tilespmem:$0xB0];
	_ =	sdelay $0x7  }
0xb1: {  	[tilespmem:v2+s30+$0x0] =	vst.idx.add.f32.msk $0xffff, v1  }
0xb2: {  	_ =	swait.ge [sflag:s22], $0x2000  }
0xb3: {  	[sflag:s22] =	ssyncset.done $0x0  }
0xb4: {  	[sflag:s22] =	ssyncadd.s32 $0xFFFFE000  }
0xb5: {  	[spmem:s3] =	stream.indirect.scatter.add.f32 [tilespmem:s21], [sflag:$0x7], $0x80, s31, s23, $0xb8;
	[tilespmem:$0x1F000] =	vst v63  }
0xb6: {  	_ =	swait.ge [sflag:s0], $0x2000  }
0xb7: {  	[sflag:s0] =	ssyncset.done $0x0  }
0xb8: {  	s11 =	simm.s32 $0x200;
	[sflag:s0] =	ssyncadd.s32 $0xFFFFE000  }
0xb9: {  	[tilespmem:s21], [sflag:$0x1] =	stream.indirect.gather [hbm4b:s1+s23], $0x80, s11, s23, $0xb8;
	[tilespmem:$0x1F000] =	vst v63  }
0xba: {  	v2 =	vld [tilespmem:$0xC0];
	_ =	sdelay $0x7  }
0xbb: {  	[tilespmem:v2+s30+$0x0] =	vst.idx.add.f32.msk $0xffff, v1  }
0xbc: {  	v2 =	vld [tilespmem:$0xD0];
	_ =	sdelay $0x7  }
0xbd: {  	[tilespmem:v2+s30+$0x0] =	vst.idx.add.f32.msk $0xffff, v1  }
0xbe: {  	v2 =	vld [tilespmem:$0xE0];
	_ =	sdelay $0x7  }
0xbf: {  	[tilespmem:v2+s30+$0x0] =	vst.idx.add.f32.msk $0xffff, v1  }
0xc0: {  	v2 =	vld [tilespmem:$0xF0];
	_ =	sdelay $0x7  }
0xc1: {  	[tilespmem:v2+s30+$0x0] =	vst.idx.add.f32.msk $0xffff, v1  }
0xc2: {  	_ =	swait.ge [sflag:s25], $0x2000  }
0xc3: {  	[sflag:s25] =	ssyncset.done $0x0  }
0xc4: {  	s11 =	simm.s32 $0xC0;
	[sflag:s25] =	ssyncadd.s32 $0xFFFFE000  }
0xc5: {  	[spmem:s3] =	stream.indirect.scatter.add.f32 [tilespmem:s24], [sflag:$0x8], $0x80, s11, s23, $0xb8;
	[tilespmem:$0x1F000] =	vst v63  }
0xc6: {  	_ =	swait.ge [sflag:s8], $0x2000  }
0xc7: {  	[sflag:s8] =	ssyncset.done $0x0  }
0xc8: {  	s11 =	simm.s32 $0x240;
	[sflag:s8] =	ssyncadd.s32 $0xFFFFE000  }
0xc9: {  	[tilespmem:s24], [sflag:$0x2] =	stream.indirect.gather [hbm4b:s1+s23], $0x80, s11, s23, $0xb8;
	[tilespmem:$0x1F000] =	vst v63  }
0xca: {  	v2 =	vld [tilespmem:$0x180];
	_ =	sdelay $0x7  }
0xcb: {  	[tilespmem:v2+s30+$0x0] =	vst.idx.add.f32.msk $0xffff, v1  }
0xcc: {  	v2 =	vld [tilespmem:$0x190];
	_ =	sdelay $0x7  }
0xcd: {  	[tilespmem:v2+s30+$0x0] =	vst.idx.add.f32.msk $0xffff, v1  }
0xce: {  	v2 =	vld [tilespmem:$0x1A0];
	_ =	sdelay $0x7  }
0xcf: {  	[tilespmem:v2+s30+$0x0] =	vst.idx.add.f32.msk $0xffff, v1  }
0xd0: {  	v2 =	vld [tilespmem:$0x1B0];
	_ =	sdelay $0x7  }
0xd1: {  	[tilespmem:v2+s30+$0x0] =	vst.idx.add.f32.msk $0xffff, v1  }
0xd2: {  	_ =	swait.ge [sflag:s10], $0x2000  }
0xd3: {  	[sflag:s10] =	ssyncset.done $0x0  }
0xd4: {  	s11 =	simm.s32 $0x180;
	[sflag:s10] =	ssyncadd.s32 $0xFFFFE000  }
0xd5: {  	[spmem:s3] =	stream.indirect.scatter.add.f32 [tilespmem:s26], [sflag:$0x9], $0x80, s11, s23, $0xb8;
	[tilespmem:$0x1F000] =	vst v63  }
0xd6: {  	_ =	swait.ge [sflag:s12], $0x2000  }
0xd7: {  	[sflag:s12] =	ssyncset.done $0x0  }
0xd8: {  	s11 =	simm.s32 $0x300;
	[sflag:s12] =	ssyncadd.s32 $0xFFFFE000  }
0xd9: {  	[tilespmem:s26], [sflag:$0x3] =	stream.indirect.gather [hbm4b:s1+s23], $0x80, s11, s23, $0xb8;
	[tilespmem:$0x1F000] =	vst v63  }
0xda: {  	v2 =	vld [tilespmem:$0x1C0];
	_ =	sdelay $0x7  }
0xdb: {  	[tilespmem:v2+s30+$0x0] =	vst.idx.add.f32.msk $0xffff, v1  }
0xdc: {  	v2 =	vld [tilespmem:$0x1D0];
	_ =	sdelay $0x7  }
0xdd: {  	[tilespmem:v2+s30+$0x0] =	vst.idx.add.f32.msk $0xffff, v1  }
0xde: {  	v2 =	vld [tilespmem:$0x1E0];
	_ =	sdelay $0x7  }
0xdf: {  	[tilespmem:v2+s30+$0x0] =	vst.idx.add.f32.msk $0xffff, v1  }
0xe0: {  	v2 =	vld [tilespmem:$0x1F0];
	_ =	sdelay $0x7  }
0xe1: {  	[tilespmem:v2+s30+$0x0] =	vst.idx.add.f32.msk $0xffff, v1  }
0xe2: {  	_ =	swait.ge [sflag:s14], $0x2000  }
0xe3: {  	[sflag:s14] =	ssyncset.done $0x0  }
0xe4: {  	s11 =	simm.s32 $0x1C0;
	[sflag:s14] =	ssyncadd.s32 $0xFFFFE000  }
0xe5: {  	[spmem:s3] =	stream.indirect.scatter.add.f32 [tilespmem:s29], [sflag:$0xA], $0x80, s11, s23, $0xb8;
	[tilespmem:$0x1F000] =	vst v63  }
0xe6: {  	_ =	swait.ge [sflag:s16], $0x2000  }
0xe7: {  	[sflag:s16] =	ssyncset.done $0x0  }
0xe8: {  	s11 =	simm.s32 $0x340;
	[sflag:s16] =	ssyncadd.s32 $0xFFFFE000  }
0xe9: {  	[tilespmem:s29], [sflag:$0x4] =	stream.indirect.gather [hbm4b:s1+s23], $0x80, s11, s23, $0xb8;
	[tilespmem:$0x1F000] =	vst v63  }
0xea: {  	v2 =	vld [tilespmem:$0x280];
	_ =	sdelay $0x7  }
0xeb: {  	[tilespmem:v2+s30+$0x0] =	vst.idx.add.f32.msk $0xffff, v1  }
0xec: {  	v2 =	vld [tilespmem:$0x290];
	_ =	sdelay $0x7  }
0xed: {  	[tilespmem:v2+s30+$0x0] =	vst.idx.add.f32.msk $0xffff, v1  }
0xee: {  	v2 =	vld [tilespmem:$0x2A0];
	_ =	sdelay $0x7  }
0xef: {  	[tilespmem:v2+s30+$0x0] =	vst.idx.add.f32.msk $0xffff, v1  }
0xf0: {  	v2 =	vld [tilespmem:$0x2B0];
	_ =	sdelay $0x7  }
0xf1: {  	[tilespmem:v2+s30+$0x0] =	vst.idx.add.f32.msk $0xffff, v1  }
0xf2: {  	_ =	swait.ge [sflag:s22], $0x2000  }
0xf3: {  	[sflag:s22] =	ssyncset.done $0x0  }
0xf4: {  	s11 =	simm.s32 $0x280;
	[sflag:s22] =	ssyncadd.s32 $0xFFFFE000  }
0xf5: {  	[spmem:s3] =	stream.indirect.scatter.add.f32 [tilespmem:s21], [sflag:$0x7], $0x80, s11, s23, $0xb8;
	[tilespmem:$0x1F000] =	vst v63  }
0xf6: {  	_ =	swait.ge [sflag:s0], $0x2000  }
0xf7: {  	[sflag:s0] =	ssyncset.done $0x0  }
0xf8: {  	s9 =	simm.s32 @!p0 $0x6;
	[sflag:s0] =	ssyncadd.s32 $0xFFFFE000  }
0xf9: {  	_ =	swait.ge @!p0 [sflag:s9], $0x400  }
0xfa: {  	[sflag:s9] =	ssyncset.done @!p0 $0x0  }
0xfb: {  	s11 =	simm.s32 @!p0 $0x800;
	[sflag:s9] =	ssyncadd.s32 @!p0 $0xFFFFFC00;
	s9 =	simm.s32 @!p0 $0x40  }
0xfc: {  	[tilespmem:s11], [sflag:$0x1] =	stream.indirect.gather @!p0 [hbm4b:s1+s9], $0x80, s2, s9, $0xb8;
	[tilespmem:$0x1F000] =	vst v63  }
0xfd: {  	v2 =	vld [tilespmem:$0x2C0];
	_ =	sdelay $0x7  }
0xfe: {  	[tilespmem:v2+s30+$0x0] =	vst.idx.add.f32.msk $0xffff, v1  }
0xff: {  	v2 =	vld [tilespmem:$0x2D0];
	_ =	sdelay $0x7  }
0x100: {  	[tilespmem:v2+s30+$0x0] =	vst.idx.add.f32.msk $0xffff, v1  }
0x101: {  	v2 =	vld [tilespmem:$0x2E0];
	_ =	sdelay $0x7  }
0x102: {  	[tilespmem:v2+s30+$0x0] =	vst.idx.add.f32.msk $0xffff, v1  }
0x103: {  	v2 =	vld [tilespmem:$0x2F0];
	_ =	sdelay $0x7  }
0x104: {  	[tilespmem:v2+s30+$0x0] =	vst.idx.add.f32.msk $0xffff, v1  }
0x105: {  	_ =	swait.ge [sflag:s25], $0x2000  }
0x106: {  	[sflag:s25] =	ssyncset.done $0x0  }
0x107: {  	s11 =	simm.s32 $0x2C0;
	[sflag:s25] =	ssyncadd.s32 $0xFFFFE000  }
0x108: {  	[spmem:s3] =	stream.indirect.scatter.add.f32 [tilespmem:s24], [sflag:$0x8], $0x80, s11, s23, $0xb8;
	[tilespmem:$0x1F000] =	vst v63  }
0x109: {  	_ =	swait.ge [sflag:s8], $0x2000  }
0x10a: {  	[sflag:s8] =	ssyncset.done $0x0  }
0x10b: {  	s2 =	simm.s32 @!p0 $0x440;
	s11 =	simm.s32 @!p0 $0x2800;
	[sflag:s8] =	ssyncadd.s32 $0xFFFFE000  }
0x10c: {  	[tilespmem:s11], [sflag:$0x2] =	stream.indirect.gather @!p0 [hbm4b:s1+s9], $0x80, s2, s9, $0xb8;
	[tilespmem:$0x1F000] =	vst v63  }
0x10d: {  	v2 =	vld [tilespmem:$0x380];
	_ =	sdelay $0x7  }
0x10e: {  	[tilespmem:v2+s30+$0x0] =	vst.idx.add.f32.msk $0xffff, v1  }
0x10f: {  	v2 =	vld [tilespmem:$0x390];
	_ =	sdelay $0x7  }
0x110: {  	[tilespmem:v2+s30+$0x0] =	vst.idx.add.f32.msk $0xffff, v1  }
0x111: {  	v2 =	vld [tilespmem:$0x3A0];
	_ =	sdelay $0x7  }
0x112: {  	[tilespmem:v2+s30+$0x0] =	vst.idx.add.f32.msk $0xffff, v1  }
0x113: {  	v2 =	vld [tilespmem:$0x3B0];
	_ =	sdelay $0x7  }
0x114: {  	[tilespmem:v2+s30+$0x0] =	vst.idx.add.f32.msk $0xffff, v1  }
0x115: {  	_ =	swait.ge [sflag:s10], $0x2000  }
0x116: {  	[sflag:s10] =	ssyncset.done $0x0  }
0x117: {  	s11 =	simm.s32 $0x380;
	[sflag:s10] =	ssyncadd.s32 $0xFFFFE000  }
0x118: {  	[spmem:s3] =	stream.indirect.scatter.add.f32 [tilespmem:s26], [sflag:$0x9], $0x80, s11, s23, $0xb8;
	[tilespmem:$0x1F000] =	vst v63  }
0x119: {  	_ =	swait.ge [sflag:s12], $0x2000  }
0x11a: {  	[sflag:s12] =	ssyncset.done $0x0  }
0x11b: {  	s2 =	simm.s32 @!p0 $0x500;
	s11 =	simm.s32 @!p0 $0x4800;
	[sflag:s12] =	ssyncadd.s32 $0xFFFFE000  }
0x11c: {  	[tilespmem:s11], [sflag:$0x3] =	stream.indirect.gather @!p0 [hbm4b:s1+s9], $0x80, s2, s9, $0xb8;
	[tilespmem:$0x1F000] =	vst v63  }
0x11d: {  	v2 =	vld [tilespmem:$0x3C0];
	_ =	sdelay $0x7  }
0x11e: {  	[tilespmem:v2+s30+$0x0] =	vst.idx.add.f32.msk $0xffff, v1  }
0x11f: {  	v2 =	vld [tilespmem:$0x3D0];
	_ =	sdelay $0x7  }
0x120: {  	[tilespmem:v2+s30+$0x0] =	vst.idx.add.f32.msk $0xffff, v1  }
0x121: {  	v2 =	vld [tilespmem:$0x3E0];
	_ =	sdelay $0x7  }
0x122: {  	[tilespmem:v2+s30+$0x0] =	vst.idx.add.f32.msk $0xffff, v1  }
0x123: {  	v2 =	vld [tilespmem:$0x3F0];
	_ =	sdelay $0x7  }
0x124: {  	[tilespmem:v2+s30+$0x0] =	vst.idx.add.f32.msk $0xffff, v1  }
0x125: {  	_ =	swait.ge [sflag:s14], $0x2000  }
0x126: {  	[sflag:s14] =	ssyncset.done $0x0  }
0x127: {  	s11 =	simm.s32 $0x3C0;
	[sflag:s14] =	ssyncadd.s32 $0xFFFFE000  }
0x128: {  	[spmem:s3] =	stream.indirect.scatter.add.f32 [tilespmem:s29], [sflag:$0xA], $0x80, s11, s23, $0xb8;
	[tilespmem:$0x1F000] =	vst v63  }
.LBB2_8:
.Ltmp7:
0x129: {  	(pc) =	sbr.rel @p0 .LBB2_10-.Ltmp7, $4  }
0x12a: {  	s7 =	sadd.s32 $0x2, s7  }
0x12b: {  	p1 =	sge.u32 s7, s5  }
0x12c: {  	s2 =	simm.s32 @!p1 $0x0  }
0x12d: {  	[tilespmem:s2], [sflag:$0x5] =	stream.linear.gather @!p1 [hbm4b:s28+s2], $0x400, $0x38;
	[tilespmem:$0x1F000] =	vst v63  }
0x12e: {  	_ =	swait.ge [sflag:s16], $0x2000  }
0x12f: {  	[sflag:s16] =	ssyncset.done $0x0  }
0x130: {  	s9 =	simm.s32 $0x540;
	[sflag:s16] =	ssyncadd.s32 $0xFFFFE000  }
0x131: {  	[tilespmem:s29], [sflag:$0x4] =	stream.indirect.gather [hbm4b:s1+s23], $0x80, s9, s23, $0xb8;
	[tilespmem:$0x1F000] =	vst v63  }
0x132: {  	v2 =	vld [tilespmem:$0x480];
	_ =	sdelay $0x7  }
0x133: {  	[tilespmem:v2+s30+$0x0] =	vst.idx.add.f32.msk $0xffff, v1  }
0x134: {  	v2 =	vld [tilespmem:$0x490];
	_ =	sdelay $0x7  }
0x135: {  	[tilespmem:v2+s30+$0x0] =	vst.idx.add.f32.msk $0xffff, v1  }
0x136: {  	v2 =	vld [tilespmem:$0x4A0];
	_ =	sdelay $0x7  }
0x137: {  	[tilespmem:v2+s30+$0x0] =	vst.idx.add.f32.msk $0xffff, v1  }
0x138: {  	v2 =	vld [tilespmem:$0x4B0];
	_ =	sdelay $0x7  }
0x139: {  	[tilespmem:v2+s30+$0x0] =	vst.idx.add.f32.msk $0xffff, v1  }
0x13a: {  	_ =	swait.ge [sflag:s22], $0x2000  }
0x13b: {  	[sflag:s22] =	ssyncset.done $0x0  }
0x13c: {  	s11 =	simm.s32 $0x480;
	[sflag:s22] =	ssyncadd.s32 $0xFFFFE000  }
0x13d: {  	[spmem:s3] =	stream.indirect.scatter.add.f32 [tilespmem:s21], [sflag:$0x7], $0x80, s11, s23, $0xb8;
	[tilespmem:$0x1F000] =	vst v63  }
0x13e: {  	_ =	swait.ge [sflag:s0], $0x2000  }
0x13f: {  	[sflag:s0] =	ssyncset.done $0x0  }
0x140: {  	s11 =	simm.s32 $0x600;
	[sflag:s0] =	ssyncadd.s32 $0xFFFFE000  }
0x141: {  	[tilespmem:s21], [sflag:$0x1] =	stream.indirect.gather [hbm4b:s1+s23], $0x80, s11, s23, $0xb8;
	[tilespmem:$0x1F000] =	vst v63  }
0x142: {  	v2 =	vld [tilespmem:$0x4C0];
	_ =	sdelay $0x7  }
0x143: {  	[tilespmem:v2+s30+$0x0] =	vst.idx.add.f32.msk $0xffff, v1  }
0x144: {  	v2 =	vld [tilespmem:$0x4D0];
	_ =	sdelay $0x7  }
0x145: {  	[tilespmem:v2+s30+$0x0] =	vst.idx.add.f32.msk $0xffff, v1  }
0x146: {  	v2 =	vld [tilespmem:$0x4E0];
	_ =	sdelay $0x7  }
0x147: {  	[tilespmem:v2+s30+$0x0] =	vst.idx.add.f32.msk $0xffff, v1  }
0x148: {  	v2 =	vld [tilespmem:$0x4F0];
	_ =	sdelay $0x7  }
0x149: {  	[tilespmem:v2+s30+$0x0] =	vst.idx.add.f32.msk $0xffff, v1  }
0x14a: {  	_ =	swait.ge [sflag:s25], $0x2000  }
0x14b: {  	[sflag:s25] =	ssyncset.done $0x0  }
0x14c: {  	s11 =	simm.s32 $0x4C0;
	[sflag:s25] =	ssyncadd.s32 $0xFFFFE000  }
0x14d: {  	[spmem:s3] =	stream.indirect.scatter.add.f32 [tilespmem:s24], [sflag:$0x8], $0x80, s11, s23, $0xb8;
	[tilespmem:$0x1F000] =	vst v63  }
0x14e: {  	_ =	swait.ge [sflag:s8], $0x2000  }
0x14f: {  	[sflag:s8] =	ssyncset.done $0x0  }
0x150: {  	s11 =	simm.s32 $0x640;
	[sflag:s8] =	ssyncadd.s32 $0xFFFFE000  }
0x151: {  	[tilespmem:s24], [sflag:$0x2] =	stream.indirect.gather [hbm4b:s1+s23], $0x80, s11, s23, $0xb8;
	[tilespmem:$0x1F000] =	vst v63  }
0x152: {  	v2 =	vld [tilespmem:$0x580];
	_ =	sdelay $0x7  }
0x153: {  	[tilespmem:v2+s30+$0x0] =	vst.idx.add.f32.msk $0xffff, v1  }
0x154: {  	v2 =	vld [tilespmem:$0x590];
	_ =	sdelay $0x7  }
0x155: {  	[tilespmem:v2+s30+$0x0] =	vst.idx.add.f32.msk $0xffff, v1  }
0x156: {  	v2 =	vld [tilespmem:$0x5A0];
	_ =	sdelay $0x7  }
0x157: {  	[tilespmem:v2+s30+$0x0] =	vst.idx.add.f32.msk $0xffff, v1  }
0x158: {  	v2 =	vld [tilespmem:$0x5B0];
	_ =	sdelay $0x7  }
0x159: {  	[tilespmem:v2+s30+$0x0] =	vst.idx.add.f32.msk $0xffff, v1  }
0x15a: {  	_ =	swait.ge [sflag:s10], $0x2000  }
0x15b: {  	[sflag:s10] =	ssyncset.done $0x0  }
0x15c: {  	s11 =	simm.s32 $0x580;
	[sflag:s10] =	ssyncadd.s32 $0xFFFFE000  }
0x15d: {  	[spmem:s3] =	stream.indirect.scatter.add.f32 [tilespmem:s26], [sflag:$0x9], $0x80, s11, s23, $0xb8;
	[tilespmem:$0x1F000] =	vst v63  }
0x15e: {  	_ =	swait.ge [sflag:s12], $0x2000  }
0x15f: {  	[sflag:s12] =	ssyncset.done $0x0  }
0x160: {  	[sflag:s12] =	ssyncadd.s32 $0xFFFFE000  }
0x161: {  	[tilespmem:s26], [sflag:$0x3] =	stream.indirect.gather [hbm4b:s1+s23], $0x80, s13, s23, $0xb8;
	[tilespmem:$0x1F000] =	vst v63  }
0x162: {  	v2 =	vld [tilespmem:$0x5C0];
	_ =	sdelay $0x7  }
0x163: {  	[tilespmem:v2+s30+$0x0] =	vst.idx.add.f32.msk $0xffff, v1  }
0x164: {  	v2 =	vld [tilespmem:$0x5D0];
	_ =	sdelay $0x7  }
0x165: {  	[tilespmem:v2+s30+$0x0] =	vst.idx.add.f32.msk $0xffff, v1  }
0x166: {  	v2 =	vld [tilespmem:$0x5E0];
	_ =	sdelay $0x7  }
0x167: {  	[tilespmem:v2+s30+$0x0] =	vst.idx.add.f32.msk $0xffff, v1  }
0x168: {  	v2 =	vld [tilespmem:$0x5F0];
	_ =	sdelay $0x7  }
0x169: {  	[tilespmem:v2+s30+$0x0] =	vst.idx.add.f32.msk $0xffff, v1  }
0x16a: {  	_ =	swait.ge [sflag:s14], $0x2000  }
0x16b: {  	[sflag:s14] =	ssyncset.done $0x0  }
0x16c: {  	[sflag:s14] =	ssyncadd.s32 $0xFFFFE000  }
0x16d: {  	[spmem:s3] =	stream.indirect.scatter.add.f32 [tilespmem:s29], [sflag:$0xA], $0x80, s15, s23, $0xb8;
	[tilespmem:$0x1F000] =	vst v63  }
0x16e: {  	_ =	swait.ge [sflag:s16], $0x2000  }
0x16f: {  	[sflag:s16] =	ssyncset.done $0x0  }
0x170: {  	[sflag:s16] =	ssyncadd.s32 $0xFFFFE000  }
0x171: {  	[tilespmem:s29], [sflag:$0x4] =	stream.indirect.gather [hbm4b:s1+s23], $0x80, s17, s23, $0xb8;
	[tilespmem:$0x1F000] =	vst v63  }
0x172: {  	v2 =	vld [tilespmem:$0x680];
	_ =	sdelay $0x7  }
0x173: {  	[tilespmem:v2+s30+$0x0] =	vst.idx.add.f32.msk $0xffff, v1  }
0x174: {  	v2 =	vld [tilespmem:$0x690];
	_ =	sdelay $0x7  }
0x175: {  	[tilespmem:v2+s30+$0x0] =	vst.idx.add.f32.msk $0xffff, v1  }
0x176: {  	v2 =	vld [tilespmem:$0x6A0];
	_ =	sdelay $0x7  }
0x177: {  	[tilespmem:v2+s30+$0x0] =	vst.idx.add.f32.msk $0xffff, v1  }
0x178: {  	v2 =	vld [tilespmem:$0x6B0];
	_ =	sdelay $0x7  }
0x179: {  	[tilespmem:v2+s30+$0x0] =	vst.idx.add.f32.msk $0xffff, v1  }
0x17a: {  	_ =	swait.ge [sflag:s22], $0x2000  }
0x17b: {  	[sflag:s22] =	ssyncset.done $0x0  }
0x17c: {  	[sflag:s22] =	ssyncadd.s32 $0xFFFFE000  }
0x17d: {  	[spmem:s3] =	stream.indirect.scatter.add.f32 [tilespmem:s21], [sflag:$0x7], $0x80, s18, s23, $0xb8;
	[tilespmem:$0x1F000] =	vst v63  }
0x17e: {  	_ =	swait.ge [sflag:s0], $0x2000  }
0x17f: {  	[sflag:s0] =	ssyncset.done $0x0  }
0x180: {  	s9 =	simm.s32 @!p1 $0x5;
	[sflag:s0] =	ssyncadd.s32 $0xFFFFE000  }
0x181: {  	_ =	swait.ge @!p1 [sflag:s9], $0x400  }
0x182: {  	[sflag:s9] =	ssyncset.done @!p1 $0x0  }
0x183: {  	s11 =	simm.s32 @!p1 $0x800;
	[sflag:s9] =	ssyncadd.s32 @!p1 $0xFFFFFC00;
	s9 =	simm.s32 @!p1 $0x40  }
0x184: {  	[tilespmem:s11], [sflag:$0x1] =	stream.indirect.gather @!p1 [hbm4b:s1+s9], $0x80, s2, s9, $0xb8;
	[tilespmem:$0x1F000] =	vst v63  }
0x185: {  	v2 =	vld [tilespmem:$0x6C0];
	_ =	sdelay $0x7  }
0x186: {  	[tilespmem:v2+s30+$0x0] =	vst.idx.add.f32.msk $0xffff, v1  }
0x187: {  	v2 =	vld [tilespmem:$0x6D0];
	_ =	sdelay $0x7  }
0x188: {  	[tilespmem:v2+s30+$0x0] =	vst.idx.add.f32.msk $0xffff, v1  }
0x189: {  	v2 =	vld [tilespmem:$0x6E0];
	_ =	sdelay $0x7  }
0x18a: {  	[tilespmem:v2+s30+$0x0] =	vst.idx.add.f32.msk $0xffff, v1  }
0x18b: {  	v2 =	vld [tilespmem:$0x6F0];
	_ =	sdelay $0x7  }
0x18c: {  	[tilespmem:v2+s30+$0x0] =	vst.idx.add.f32.msk $0xffff, v1  }
0x18d: {  	_ =	swait.ge [sflag:s25], $0x2000  }
0x18e: {  	[sflag:s25] =	ssyncset.done $0x0  }
0x18f: {  	[sflag:s25] =	ssyncadd.s32 $0xFFFFE000  }
0x190: {  	[spmem:s3] =	stream.indirect.scatter.add.f32 [tilespmem:s24], [sflag:$0x8], $0x80, s19, s23, $0xb8;
	[tilespmem:$0x1F000] =	vst v63  }
0x191: {  	_ =	swait.ge [sflag:s8], $0x2000  }
0x192: {  	[sflag:s8] =	ssyncset.done $0x0  }
0x193: {  	s2 =	simm.s32 @!p1 $0x2800;
	[sflag:s8] =	ssyncadd.s32 $0xFFFFE000  }
0x194: {  	[tilespmem:s2], [sflag:$0x2] =	stream.indirect.gather @!p1 [hbm4b:s1+s9], $0x80, s9, s9, $0xb8;
	[tilespmem:$0x1F000] =	vst v63  }
0x195: {  	v2 =	vld [tilespmem:$0x780];
	_ =	sdelay $0x7  }
0x196: {  	[tilespmem:v2+s30+$0x0] =	vst.idx.add.f32.msk $0xffff, v1  }
0x197: {  	v2 =	vld [tilespmem:$0x790];
	_ =	sdelay $0x7  }
0x198: {  	[tilespmem:v2+s30+$0x0] =	vst.idx.add.f32.msk $0xffff, v1  }
0x199: {  	v2 =	vld [tilespmem:$0x7A0];
	_ =	sdelay $0x7  }
0x19a: {  	[tilespmem:v2+s30+$0x0] =	vst.idx.add.f32.msk $0xffff, v1  }
0x19b: {  	v2 =	vld [tilespmem:$0x7B0];
	_ =	sdelay $0x7  }
0x19c: {  	[tilespmem:v2+s30+$0x0] =	vst.idx.add.f32.msk $0xffff, v1  }
0x19d: {  	_ =	swait.ge [sflag:s10], $0x2000  }
0x19e: {  	[sflag:s10] =	ssyncset.done $0x0  }
0x19f: {  	[sflag:s10] =	ssyncadd.s32 $0xFFFFE000  }
0x1a0: {  	[spmem:s3] =	stream.indirect.scatter.add.f32 [tilespmem:s26], [sflag:$0x9], $0x80, s20, s23, $0xb8;
	[tilespmem:$0x1F000] =	vst v63  }
0x1a1: {  	_ =	swait.ge [sflag:s12], $0x2000  }
0x1a2: {  	[sflag:s12] =	ssyncset.done $0x0  }
0x1a3: {  	s11 =	simm.s32 @!p1 $0x4800;
	s2 =	simm.s32 @!p1 $0x100;
	[sflag:s12] =	ssyncadd.s32 $0xFFFFE000  }
0x1a4: {  	[tilespmem:s11], [sflag:$0x3] =	stream.indirect.gather @!p1 [hbm4b:s1+s9], $0x80, s2, s9, $0xb8;
	[tilespmem:$0x1F000] =	vst v63  }
0x1a5: {  	v2 =	vld [tilespmem:$0x7C0];
	_ =	sdelay $0x7  }
0x1a6: {  	[tilespmem:v2+s30+$0x0] =	vst.idx.add.f32.msk $0xffff, v1  }
0x1a7: {  	v2 =	vld [tilespmem:$0x7D0];
	_ =	sdelay $0x7  }
0x1a8: {  	[tilespmem:v2+s30+$0x0] =	vst.idx.add.f32.msk $0xffff, v1  }
0x1a9: {  	v2 =	vld [tilespmem:$0x7E0];
	_ =	sdelay $0x7  }
0x1aa: {  	[tilespmem:v2+s30+$0x0] =	vst.idx.add.f32.msk $0xffff, v1  }
0x1ab: {  	v2 =	vld [tilespmem:$0x7F0];
	_ =	sdelay $0x7  }
.Ltmp8:
0x1ac: {  	[tilespmem:v2+s30+$0x0] =	vst.idx.add.f32.msk $0xffff, v1;
	(pc) =	sbr.rel .LBB2_10-.Ltmp8, $4  }
0x1ad: {  	_ =	swait.ge [sflag:s14], $0x2000  }
0x1ae: {  	[sflag:s14] =	ssyncset.done $0x0  }
0x1af: {  	[sflag:s14] =	ssyncadd.s32 $0xFFFFE000  }
0x1b0: {  	[spmem:s3] =	stream.indirect.scatter.add.f32 [tilespmem:s29], [sflag:$0xA], $0x80, s6, s23, $0xb8;
	[tilespmem:$0x1F000] =	vst v63  }
.LBB2_12:
0x1b1: {  	_ =	sfence.sel $0x180000  }
0x1b2: {  	[bflag:$0x0] =	sbarrier.arrive $0xFFFF  }
0x1b3: {  	_ =	strace $0x90000047  }
0x1b4: {  	s0 =	stileid.u32;
	[bflag:$0x2] =	sbarrier.arrive $0xFFFF  }
0x1b5: {  	p0 =	sne.s32 s0, $0x0;
	s0 =	rddreg [dreg:$0x4]  }
0x1b6: {  	s0 =	sadd.s32 @!p0 $0x100000, s0  }
0x1b7: {  	[sflag:s0] =	ssyncadd.tile.s32 @!p0 $0x1;
	_ =	shalt  }
.Lfunc_end2:
_tile_overlayer_lowered:
.L_overlay_start_2:
0x1b8: {  	(tag) =	ssettag $0x2  }
0x1b9: {  	s0 =	rddreg [dreg:$0x0];
	s2 =	stileid.u32  }
0x1ba: {  	s1 =	rddreg [dreg:$0x1];
	p0 =	sne.s32 s2, $0x0  }
0x1bb: {  	s3 =	rddreg [dreg:$0x2];
	[bflag:$0x3] =	sbarrier.arrive $0xFFFF;
	s2 =	simm.s32 @!p0 $0x1C0B  }
0x1bc: {  	[timem:s3], [sflag:s2] =	dma.local @!p0 [hbm:s0], s1  }
0x1bd: {  	s0 =	simm.s32 @!p0 $0xB  }
0x1be: {  	_ =	swait.ge @!p0 [sflag:s0], s1  }
0x1bf: {  	s1 =	ssub.s32 @!p0 $0x0, s1;
	[sflag:s0] =	ssyncset.done @!p0 $0x0  }
0x1c0: {  	[sflag:s0] =	ssyncadd.s32 @!p0 s1  }
0x1c1: {  	[bflag:$0x3] =	sbarrier.arrive $0xFFFF  }
0x1c2: {  	_ =	shalt  }

</sc_bundles>
